<compile_context>
chip_gen: v7x
topology: tpu7x:2x2x1
jax: 0.10.2.dev20260603
libtpu: 0.0.44.dev20260713+nightly
codegen_flags: <defaults>
</compile_context>

<pallas_src>
import functools

import jax
import jax.numpy as jnp
from jax import lax
from jax.experimental import pallas as pl
from jax.experimental.pallas import tpu as pltpu
from jax.experimental.pallas import tpu_sc as plsc

N = 10000
E = 320000
D = 128

NC = 2
NS = 16
NW = NC * NS
CHUNK = 128
CPT = 80
EPT = CPT * CHUNK
EP = NW * EPT
RPT = 632
NPAD = RPT * NS
KB = 2
HCPT = CPT // 2

_mesh = functools.partial(
    plsc.VectorSubcoreMesh, core_axis_name="c", subcore_axis_name="s")


DW = D

@functools.partial(
    pl.kernel,
    mesh=_mesh(),
    out_type=jax.ShapeDtypeStruct((NC, NPAD, DW), jnp.float32),
    scratch_types=[
        pltpu.VMEM((CPT, CHUNK), jnp.int32),
        pltpu.VMEM((CHUNK, DW), jnp.float32),
        pltpu.VMEM_SHARED((NPAD, DW), jnp.float32),
    ],
)
def _deg_kernel(dst_hbm, ones_hbm, zeros_hbm, out_hbm, dst_v, ones_v, dacc):
    cid = lax.axis_index("c")
    sid = lax.axis_index("s")
    wid = cid * NS + sid
    pltpu.sync_copy(zeros_hbm, dacc.at[pl.ds(sid * RPT, RPT)])
    pltpu.sync_copy(dst_hbm.at[wid], dst_v)
    pltpu.sync_copy(ones_hbm, ones_v)
    plsc.subcore_barrier()

    def body(j, carry):
        pltpu.sync_copy(ones_v, dacc.at[dst_v.at[j]], add=True)
        return carry

    lax.fori_loop(0, CPT, body, 0)
    plsc.subcore_barrier()
    pltpu.sync_copy(dacc.at[pl.ds(sid * RPT, RPT)],
                    out_hbm.at[cid].at[pl.ds(sid * RPT, RPT)])


@functools.partial(
    pl.kernel,
    mesh=_mesh(),
    out_type=jax.ShapeDtypeStruct((NC, NPAD, D), jnp.float32),
    scratch_types=[
        pltpu.VMEM((HCPT, CHUNK), jnp.int32),
        pltpu.VMEM((HCPT, CHUNK), jnp.int32),
        pltpu.VMEM((KB, CHUNK, D), jnp.float32),
        pltpu.VMEM_SHARED((NPAD, D), jnp.float32),
        pltpu.SemaphoreType.DMA,
    ],
)
def _agg_kernel(g_hbm, src_hbm, dst_hbm, zeros_hbm, out_hbm,
                src_v, dst_v, bufs, acc, sem):
    cid = lax.axis_index("c")
    sid = lax.axis_index("s")
    wid = cid * NS + sid
    pltpu.sync_copy(zeros_hbm, acc.at[pl.ds(sid * RPT, RPT)])
    plsc.subcore_barrier()

    def body(i, carry):
        for b in range(KB):
            j = KB * i + b
            pltpu.make_async_copy(
                g_hbm.at[pl.ds(0, CHUNK)], bufs.at[b], sem).wait()
            pltpu.sync_copy(bufs.at[b], acc.at[dst_v.at[j]], add=True)
            jn = jnp.minimum(j + KB, HCPT - 1)
            pltpu.async_copy(g_hbm.at[src_v.at[jn]], bufs.at[b], sem)
        return carry

    for h in range(2):
        pltpu.sync_copy(src_hbm.at[wid].at[pl.ds(h * HCPT, HCPT)], src_v)
        pltpu.sync_copy(dst_hbm.at[wid].at[pl.ds(h * HCPT, HCPT)], dst_v)
        for b in range(KB):
            pltpu.async_copy(g_hbm.at[src_v.at[b]], bufs.at[b], sem)
        lax.fori_loop(0, HCPT // KB, body, 0)
        for b in range(KB):
            pltpu.make_async_copy(
                g_hbm.at[pl.ds(0, CHUNK)], bufs.at[b], sem).wait()
    plsc.subcore_barrier()
    pltpu.sync_copy(acc.at[pl.ds(sid * RPT, RPT)],
                    out_hbm.at[cid].at[pl.ds(sid * RPT, RPT)])


_BR = 1000


def _stage_a_body(d0_ref, d1_ref, x_ref, w_ref, g_ref, dinv_ref):
    deg = jnp.sum(d0_ref[...] + d1_ref[...], axis=1) * (1.0 / DW) + 1.0
    dinv = lax.rsqrt(deg)[:, None]
    h = jnp.dot(x_ref[...], w_ref[...], preferred_element_type=jnp.float32)
    g_ref[...] = h * dinv
    dinv_ref[...] = dinv


def _stage_b_body(dinv_ref, p0_ref, p1_ref, g_ref, b_ref, w_ref, out_ref):
    dinv = dinv_ref[...]
    agg = p0_ref[...] + p1_ref[...] + g_ref[...]
    y = jnp.maximum(agg * dinv + b_ref[...], 0.0)
    h = jnp.dot(y, w_ref[...], preferred_element_type=jnp.float32)
    out_ref[...] = h * dinv


def _stage_c_body(dinv_ref, p0_ref, p1_ref, g_ref, b_ref, out_ref):
    agg = p0_ref[...] + p1_ref[...] + g_ref[...]
    out_ref[...] = agg * dinv_ref[...] + b_ref[...]


_row_spec = pl.BlockSpec((_BR, D), lambda i: (i, 0))
_deg_spec = pl.BlockSpec((_BR, DW), lambda i: (i, 0))
_w_spec = pl.BlockSpec((D, D), lambda i: (0, 0))
_b_spec = pl.BlockSpec((1, D), lambda i: (0, 0))
_dinv_spec = pl.BlockSpec((_BR, 1), lambda i: (i, 0))
_grid = (N // _BR,)
_f32_out = jax.ShapeDtypeStruct((N, D), jnp.float32)

_stage_a = pl.pallas_call(
    _stage_a_body,
    grid=_grid,
    in_specs=[_deg_spec, _deg_spec, _row_spec, _w_spec],
    out_specs=[_row_spec, _dinv_spec],
    out_shape=[_f32_out, jax.ShapeDtypeStruct((N, 1), jnp.float32)],
)

_stage_b = pl.pallas_call(
    _stage_b_body,
    grid=_grid,
    in_specs=[_dinv_spec, _row_spec, _row_spec, _row_spec, _b_spec, _w_spec],
    out_specs=_row_spec,
    out_shape=_f32_out,
)

_stage_c = pl.pallas_call(
    _stage_c_body,
    grid=_grid,
    in_specs=[_dinv_spec, _row_spec, _row_spec, _row_spec, _b_spec],
    out_specs=_row_spec,
    out_shape=_f32_out,
)


def kernel(x, edge_index, W1, b1, W2, b2):
    src = edge_index[0]
    dst = edge_index[1]
    pad = EP - E
    r = jnp.arange(pad, dtype=jnp.int32)
    srcp = jnp.concatenate([src, r % N])
    dstp = jnp.concatenate([dst, N + r % (NPAD - N)])
    src_t = srcp.reshape(NW, CPT, CHUNK)
    dst_t = dstp.reshape(NW, CPT, CHUNK)

    ones_deg = jnp.ones((CHUNK, DW), jnp.float32)
    zeros_deg = jnp.zeros((RPT, DW), jnp.float32)
    zeros_acc = jnp.zeros((RPT, D), jnp.float32)

    degp = _deg_kernel(dst_t, ones_deg, zeros_deg)

    g1, dinv = _stage_a(degp[0, :N], degp[1, :N], x, W1)
    agg1 = _agg_kernel(g1, src_t, dst_t, zeros_acc)
    g2 = _stage_b(dinv, agg1[0, :N], agg1[1, :N], g1, b1[None, :], W2)
    agg2 = _agg_kernel(g2, src_t, dst_t, zeros_acc)
    return _stage_c(dinv, agg2[0, :N], agg2[1, :N], g2, b2[None, :])

# --- scband reference (transcript-rebuilt; emitter-appended) ---
"""Pipeline reference for scband-basic-gcn-15934328668459 (READ-ONLY COPY).

The authoritative reference and input builder live on the scoring server;
editing this copy changes nothing except your own understanding.
"""

import jax, jax.numpy as jnp
import numpy as np

N = 10000
E = 320000
D_IN = 128
D_HID = 128
D_OUT = 128


def gcn_conv(x, edge_index, W, b):
    n = x.shape[0]
    src = edge_index[0]
    dst = edge_index[1]
    # add self-loops (PyG GCNConv default)
    loop = jnp.arange(n, dtype=src.dtype)
    src = jnp.concatenate([src, loop])
    dst = jnp.concatenate([dst, loop])
    # symmetric normalization D^{-1/2} A_hat D^{-1/2}
    deg = jnp.zeros((n,), dtype=x.dtype).at[dst].add(1.0)
    deg_inv_sqrt = jnp.where(deg > 0, jax.lax.rsqrt(jnp.maximum(deg, 1e-12)), 0.0)
    norm = deg_inv_sqrt[src] * deg_inv_sqrt[dst]
    h = x @ W
    msg = h[src] * norm[:, None]
    out = jax.ops.segment_sum(msg, dst, num_segments=n)
    return out + b


def setup_inputs(seed: int = 0) -> dict:
    key = jax.random.key(seed)
    k1, k2, k3, k4, k5, k6 = jax.random.split(key, 6)
    x = jax.random.normal(k1, (N, D_IN), dtype=jnp.float32)
    edge_index = jax.random.randint(k2, (2, E), 0, N).astype(jnp.int32)
    # learned parameters (glorot-like init)
    W1 = jax.random.normal(k3, (D_IN, D_HID), dtype=jnp.float32) * (1.0 / np.sqrt(D_IN))
    b1 = jnp.zeros((D_HID,), dtype=jnp.float32)
    W2 = jax.random.normal(k4, (D_HID, D_OUT), dtype=jnp.float32) * (1.0 / np.sqrt(D_HID))
    b2 = jnp.zeros((D_OUT,), dtype=jnp.float32)
    return {"x": x, "edge_index": edge_index, "W1": W1, "b1": b1, "W2": W2, "b2": b2}


def reference(x, edge_index, W1, b1, W2, b2):
    # conv layer 1 + relu
    h = gcn_conv(x, edge_index, W1, b1)
    h = jax.nn.relu(h)
    # dropout p=0.5 is identity in eval / deterministic reference
    # conv layer 2
    out = gcn_conv(h, edge_index, W2, b2)
    return out

if __name__ == "__main__":
    import jax
    _d = setup_inputs()
    print(jax.jit(kernel)(*tuple(_d.values())))

</pallas_src>

<mosaic_0001>
#map = affine_map<(d0, d1) -> (0, 0)>
#map1 = affine_map<(d0, d1) -> (0, 0, 0)>
module attributes {stable_mosaic.version = 14 : i64} {
  func.func @_agg_kernel(%arg0: i32, %arg1: i32, %arg2: memref<10000x128xf32, #tpu.memory_space<hbm>>, %arg3: memref<32x80x128xi32, #tpu.memory_space<hbm>>, %arg4: memref<32x80x128xi32, #tpu.memory_space<hbm>>, %arg5: memref<632x128xf32, #tpu.memory_space<hbm>>, %arg6: memref<2x10112x128xf32, #tpu.memory_space<hbm>>, %arg7: memref<40x128xi32, #tpu.memory_space<vmem>>, %arg8: memref<40x128xi32, #tpu.memory_space<vmem>>, %arg9: memref<2x128x128xf32, #tpu.memory_space<vmem>>, %arg10: memref<10112x128xf32, #tpu.memory_space<vmem_shared>>, %arg11: memref<!tpu.dma_semaphore, #tpu.memory_space<semaphore_mem>>) attributes {dimension_semantics = [#tpu.dimension_semantics<core_parallel>, #tpu.dimension_semantics<subcore_parallel>], iteration_bounds = array<i64: 2, 16>, scalar_prefetch = 0 : i64, scratch_operands = 5 : i64, tpu.core_type = #tpu.core_type<sc_vector_subcore>, window_params = [{transform_indices = #map}, {transform_indices = #map1}, {transform_indices = #map1}, {transform_indices = #map}, {transform_indices = #map1}]} {
    %mul3A = arith.constant 16 : i32
    %mul3A_0 = arith.muli %arg0, %mul3A : i32
    %add3A = arith.addi %mul3A_0, %arg1 : i32
    %mul3A_1 = arith.constant 632 : i32
    %mul3A_2 = arith.muli %arg1, %mul3A_1 : i32
    "tpu.region"() ({
      %run_scoped3A = tpu.sem_alloc : memref<!tpu.dma_semaphore, #tpu.memory_space<semaphore_mem>>
      %dma_start3A_125 = arith.constant 0 : i32
      %dma_start3A_126 = tpu.memref_slice %arg10[%mul3A_2, %dma_start3A_125] : memref<10112x128xf32, #tpu.memory_space<vmem_shared>> -> memref<632x128xf32, #tpu.memory_space<vmem_shared>>
      tpu.enqueue_dma source(%arg5 : memref<632x128xf32, #tpu.memory_space<hbm>>) target(%dma_start3A_126 : memref<632x128xf32, #tpu.memory_space<vmem_shared>>) target_semaphore(%run_scoped3A : memref<!tpu.dma_semaphore, #tpu.memory_space<semaphore_mem>>)
      %dma_wait3A_127 = arith.constant 0 : i32
      %dma_wait3A_128 = tpu.memref_slice %arg10[%mul3A_2, %dma_wait3A_127] : memref<10112x128xf32, #tpu.memory_space<vmem_shared>> -> memref<632x128xf32, #tpu.memory_space<vmem_shared>>
      tpu.wait_dma2 semaphore(%run_scoped3A : memref<!tpu.dma_semaphore, #tpu.memory_space<semaphore_mem>>) src(%arg5 : memref<632x128xf32, #tpu.memory_space<hbm>>) dst(%dma_wait3A_128 : memref<632x128xf32, #tpu.memory_space<vmem_shared>>)
      tpu.yield
    }) : () -> ()
    %barrier3A = arith.constant 0 : index
    tpu.barrier barrier_id(%barrier3A)
    "tpu.region"() ({
      %run_scoped3A = tpu.sem_alloc : memref<!tpu.dma_semaphore, #tpu.memory_space<semaphore_mem>>
      %dma_start3A_125 = arith.constant 0 : i32
      %dma_start3A_126 = arith.constant 0 : i32
      %dma_start3A_127 = tpu.memref_slice %arg3[%add3A, %dma_start3A_125, %dma_start3A_126] : memref<32x80x128xi32, #tpu.memory_space<hbm>> -> memref<1x80x128xi32, #tpu.memory_space<hbm>>
      %dma_start3A_128 = tpu.memref_squeeze %dma_start3A_127 : memref<1x80x128xi32, #tpu.memory_space<hbm>> -> memref<80x128xi32, #tpu.memory_space<hbm>>
      %dma_start3A_129 = arith.constant 0 : i32
      %dma_start3A_130 = arith.constant 0 : i32
      %dma_start3A_131 = tpu.memref_slice %dma_start3A_128[%dma_start3A_129, %dma_start3A_130] : memref<80x128xi32, #tpu.memory_space<hbm>> -> memref<40x128xi32, #tpu.memory_space<hbm>>
      %dma_start3A_132 = arith.constant 0 : i32
      %dma_start3A_133 = arith.constant 0 : i32
      %dma_start3A_134 = tpu.memref_slice %arg3[%add3A, %dma_start3A_132, %dma_start3A_133] : memref<32x80x128xi32, #tpu.memory_space<hbm>> -> memref<1x80x128xi32, #tpu.memory_space<hbm>>
      %dma_start3A_135 = tpu.memref_squeeze %dma_start3A_134 : memref<1x80x128xi32, #tpu.memory_space<hbm>> -> memref<80x128xi32, #tpu.memory_space<hbm>>
      %dma_start3A_136 = arith.constant 0 : i32
      %dma_start3A_137 = arith.constant 0 : i32
      %dma_start3A_138 = tpu.memref_slice %dma_start3A_135[%dma_start3A_136, %dma_start3A_137] : memref<80x128xi32, #tpu.memory_space<hbm>> -> memref<40x128xi32, #tpu.memory_space<hbm>>
      tpu.enqueue_dma source(%dma_start3A_138 : memref<40x128xi32, #tpu.memory_space<hbm>>) target(%arg7 : memref<40x128xi32, #tpu.memory_space<vmem>>) target_semaphore(%run_scoped3A : memref<!tpu.dma_semaphore, #tpu.memory_space<semaphore_mem>>)
      %dma_wait3A_139 = arith.constant 0 : i32
      %dma_wait3A_140 = arith.constant 0 : i32
      %dma_wait3A_141 = tpu.memref_slice %arg3[%add3A, %dma_wait3A_139, %dma_wait3A_140] : memref<32x80x128xi32, #tpu.memory_space<hbm>> -> memref<1x80x128xi32, #tpu.memory_space<hbm>>
      %dma_wait3A_142 = tpu.memref_squeeze %dma_wait3A_141 : memref<1x80x128xi32, #tpu.memory_space<hbm>> -> memref<80x128xi32, #tpu.memory_space<hbm>>
      %dma_wait3A_143 = arith.constant 0 : i32
      %dma_wait3A_144 = arith.constant 0 : i32
      %dma_wait3A_145 = tpu.memref_slice %dma_wait3A_142[%dma_wait3A_143, %dma_wait3A_144] : memref<80x128xi32, #tpu.memory_space<hbm>> -> memref<40x128xi32, #tpu.memory_space<hbm>>
      %dma_wait3A_146 = arith.constant 0 : i32
      %dma_wait3A_147 = arith.constant 0 : i32
      %dma_wait3A_148 = tpu.memref_slice %arg3[%add3A, %dma_wait3A_146, %dma_wait3A_147] : memref<32x80x128xi32, #tpu.memory_space<hbm>> -> memref<1x80x128xi32, #tpu.memory_space<hbm>>
      %dma_wait3A_149 = tpu.memref_squeeze %dma_wait3A_148 : memref<1x80x128xi32, #tpu.memory_space<hbm>> -> memref<80x128xi32, #tpu.memory_space<hbm>>
      %dma_wait3A_150 = arith.constant 0 : i32
      %dma_wait3A_151 = arith.constant 0 : i32
      %dma_wait3A_152 = tpu.memref_slice %dma_wait3A_149[%dma_wait3A_150, %dma_wait3A_151] : memref<80x128xi32, #tpu.memory_space<hbm>> -> memref<40x128xi32, #tpu.memory_space<hbm>>
      tpu.wait_dma2 semaphore(%run_scoped3A : memref<!tpu.dma_semaphore, #tpu.memory_space<semaphore_mem>>) src(%dma_wait3A_152 : memref<40x128xi32, #tpu.memory_space<hbm>>) dst(%arg7 : memref<40x128xi32, #tpu.memory_space<vmem>>)
      tpu.yield
    }) : () -> ()
    "tpu.region"() ({
      %run_scoped3A = tpu.sem_alloc : memref<!tpu.dma_semaphore, #tpu.memory_space<semaphore_mem>>
      %dma_start3A_125 = arith.constant 0 : i32
      %dma_start3A_126 = arith.constant 0 : i32
      %dma_start3A_127 = tpu.memref_slice %arg4[%add3A, %dma_start3A_125, %dma_start3A_126] : memref<32x80x128xi32, #tpu.memory_space<hbm>> -> memref<1x80x128xi32, #tpu.memory_space<hbm>>
      %dma_start3A_128 = tpu.memref_squeeze %dma_start3A_127 : memref<1x80x128xi32, #tpu.memory_space<hbm>> -> memref<80x128xi32, #tpu.memory_space<hbm>>
      %dma_start3A_129 = arith.constant 0 : i32
      %dma_start3A_130 = arith.constant 0 : i32
      %dma_start3A_131 = tpu.memref_slice %dma_start3A_128[%dma_start3A_129, %dma_start3A_130] : memref<80x128xi32, #tpu.memory_space<hbm>> -> memref<40x128xi32, #tpu.memory_space<hbm>>
      %dma_start3A_132 = arith.constant 0 : i32
      %dma_start3A_133 = arith.constant 0 : i32
      %dma_start3A_134 = tpu.memref_slice %arg4[%add3A, %dma_start3A_132, %dma_start3A_133] : memref<32x80x128xi32, #tpu.memory_space<hbm>> -> memref<1x80x128xi32, #tpu.memory_space<hbm>>
      %dma_start3A_135 = tpu.memref_squeeze %dma_start3A_134 : memref<1x80x128xi32, #tpu.memory_space<hbm>> -> memref<80x128xi32, #tpu.memory_space<hbm>>
      %dma_start3A_136 = arith.constant 0 : i32
      %dma_start3A_137 = arith.constant 0 : i32
      %dma_start3A_138 = tpu.memref_slice %dma_start3A_135[%dma_start3A_136, %dma_start3A_137] : memref<80x128xi32, #tpu.memory_space<hbm>> -> memref<40x128xi32, #tpu.memory_space<hbm>>
      tpu.enqueue_dma source(%dma_start3A_138 : memref<40x128xi32, #tpu.memory_space<hbm>>) target(%arg8 : memref<40x128xi32, #tpu.memory_space<vmem>>) target_semaphore(%run_scoped3A : memref<!tpu.dma_semaphore, #tpu.memory_space<semaphore_mem>>)
      %dma_wait3A_139 = arith.constant 0 : i32
      %dma_wait3A_140 = arith.constant 0 : i32
      %dma_wait3A_141 = tpu.memref_slice %arg4[%add3A, %dma_wait3A_139, %dma_wait3A_140] : memref<32x80x128xi32, #tpu.memory_space<hbm>> -> memref<1x80x128xi32, #tpu.memory_space<hbm>>
      %dma_wait3A_142 = tpu.memref_squeeze %dma_wait3A_141 : memref<1x80x128xi32, #tpu.memory_space<hbm>> -> memref<80x128xi32, #tpu.memory_space<hbm>>
      %dma_wait3A_143 = arith.constant 0 : i32
      %dma_wait3A_144 = arith.constant 0 : i32
      %dma_wait3A_145 = tpu.memref_slice %dma_wait3A_142[%dma_wait3A_143, %dma_wait3A_144] : memref<80x128xi32, #tpu.memory_space<hbm>> -> memref<40x128xi32, #tpu.memory_space<hbm>>
      %dma_wait3A_146 = arith.constant 0 : i32
      %dma_wait3A_147 = arith.constant 0 : i32
      %dma_wait3A_148 = tpu.memref_slice %arg4[%add3A, %dma_wait3A_146, %dma_wait3A_147] : memref<32x80x128xi32, #tpu.memory_space<hbm>> -> memref<1x80x128xi32, #tpu.memory_space<hbm>>
      %dma_wait3A_149 = tpu.memref_squeeze %dma_wait3A_148 : memref<1x80x128xi32, #tpu.memory_space<hbm>> -> memref<80x128xi32, #tpu.memory_space<hbm>>
      %dma_wait3A_150 = arith.constant 0 : i32
      %dma_wait3A_151 = arith.constant 0 : i32
      %dma_wait3A_152 = tpu.memref_slice %dma_wait3A_149[%dma_wait3A_150, %dma_wait3A_151] : memref<80x128xi32, #tpu.memory_space<hbm>> -> memref<40x128xi32, #tpu.memory_space<hbm>>
      tpu.wait_dma2 semaphore(%run_scoped3A : memref<!tpu.dma_semaphore, #tpu.memory_space<semaphore_mem>>) src(%dma_wait3A_152 : memref<40x128xi32, #tpu.memory_space<hbm>>) dst(%arg8 : memref<40x128xi32, #tpu.memory_space<vmem>>)
      tpu.yield
    }) : () -> ()
    %dma_start3A = arith.constant 0 : i32
    %dma_start3A_3 = arith.constant 0 : i32
    %dma_start3A_4 = arith.constant 0 : i32
    %dma_start3A_5 = arith.constant 0 : i32
    %dma_start3A_6 = tpu.memref_slice %arg9[%dma_start3A_3, %dma_start3A_4, %dma_start3A_5] : memref<2x128x128xf32, #tpu.memory_space<vmem>> -> memref<1x128x128xf32, #tpu.memory_space<vmem>>
    %dma_start3A_7 = tpu.memref_squeeze %dma_start3A_6 : memref<1x128x128xf32, #tpu.memory_space<vmem>> -> memref<128x128xf32, #tpu.memory_space<vmem>>
    %dma_start3A_8 = arith.constant 0 : i32
    %dma_start3A_9 = tpu.memref_slice %arg7[%dma_start3A, %dma_start3A_8] : memref<40x128xi32, #tpu.memory_space<vmem>> -> memref<1x128xi32, #tpu.memory_space<vmem>>
    %dma_start3A_10 = tpu.memref_squeeze %dma_start3A_9 : memref<1x128xi32, #tpu.memory_space<vmem>> -> memref<128xi32, #tpu.memory_space<vmem>>
    %dma_start3A_11 = arith.constant 0 : i32
    %dma_start3A_12 = arith.constant 0 : i32
    %dma_start3A_13 = tpu.memref_slice %arg2[%dma_start3A_11, %dma_start3A_12] : memref<10000x128xf32, #tpu.memory_space<hbm>> -> memref<10000x128xf32, #tpu.memory_space<hbm>>
    tpu.enqueue_indirect_dma source(%dma_start3A_13 : memref<10000x128xf32, #tpu.memory_space<hbm>>) target(%dma_start3A_7 : memref<128x128xf32, #tpu.memory_space<vmem>>) offsets(%dma_start3A_10 : memref<128xi32, #tpu.memory_space<vmem>>) semaphore(%arg11 : memref<!tpu.dma_semaphore, #tpu.memory_space<semaphore_mem>>)
    %dma_start3A_14 = arith.constant 1 : i32
    %dma_start3A_15 = arith.constant 1 : i32
    %dma_start3A_16 = arith.constant 0 : i32
    %dma_start3A_17 = arith.constant 0 : i32
    %dma_start3A_18 = tpu.memref_slice %arg9[%dma_start3A_15, %dma_start3A_16, %dma_start3A_17] : memref<2x128x128xf32, #tpu.memory_space<vmem>> -> memref<1x128x128xf32, #tpu.memory_space<vmem>>
    %dma_start3A_19 = tpu.memref_squeeze %dma_start3A_18 : memref<1x128x128xf32, #tpu.memory_space<vmem>> -> memref<128x128xf32, #tpu.memory_space<vmem>>
    %dma_start3A_20 = arith.constant 0 : i32
    %dma_start3A_21 = tpu.memref_slice %arg7[%dma_start3A_14, %dma_start3A_20] : memref<40x128xi32, #tpu.memory_space<vmem>> -> memref<1x128xi32, #tpu.memory_space<vmem>>
    %dma_start3A_22 = tpu.memref_squeeze %dma_start3A_21 : memref<1x128xi32, #tpu.memory_space<vmem>> -> memref<128xi32, #tpu.memory_space<vmem>>
    %dma_start3A_23 = arith.constant 0 : i32
    %dma_start3A_24 = arith.constant 0 : i32
    %dma_start3A_25 = tpu.memref_slice %arg2[%dma_start3A_23, %dma_start3A_24] : memref<10000x128xf32, #tpu.memory_space<hbm>> -> memref<10000x128xf32, #tpu.memory_space<hbm>>
    tpu.enqueue_indirect_dma source(%dma_start3A_25 : memref<10000x128xf32, #tpu.memory_space<hbm>>) target(%dma_start3A_19 : memref<128x128xf32, #tpu.memory_space<vmem>>) offsets(%dma_start3A_22 : memref<128xi32, #tpu.memory_space<vmem>>) semaphore(%arg11 : memref<!tpu.dma_semaphore, #tpu.memory_space<semaphore_mem>>)
    %scan3A = arith.constant 0 : i32
    %scan3A_26 = arith.constant 0 : i32
    %scan3A_27 = arith.constant 20 : i32
    %scan3A_28 = arith.addi %scan3A_26, %scan3A_27 : i32
    %scan3A_29 = arith.constant 1 : i32
    scf.for %scan3A_125 = %scan3A_26 to %scan3A_28 step %scan3A_29  : i32 {
      %mul3A_126 = arith.constant 2 : i32
      %mul3A_127 = arith.muli %mul3A_126, %scan3A_125 : i32
      %add3A_128 = arith.constant 0 : i32
      %add3A_129 = arith.addi %mul3A_127, %add3A_128 : i32
      %dma_wait3A_130 = arith.constant 0 : i32
      %dma_wait3A_131 = arith.constant 0 : i32
      %dma_wait3A_132 = arith.constant 0 : i32
      %dma_wait3A_133 = tpu.memref_slice %arg9[%dma_wait3A_130, %dma_wait3A_131, %dma_wait3A_132] : memref<2x128x128xf32, #tpu.memory_space<vmem>> -> memref<1x128x128xf32, #tpu.memory_space<vmem>>
      %dma_wait3A_134 = tpu.memref_squeeze %dma_wait3A_133 : memref<1x128x128xf32, #tpu.memory_space<vmem>> -> memref<128x128xf32, #tpu.memory_space<vmem>>
      %dma_wait3A_135 = arith.constant 0 : i32
      %dma_wait3A_136 = arith.constant 0 : i32
      %dma_wait3A_137 = tpu.memref_slice %arg2[%dma_wait3A_135, %dma_wait3A_136] : memref<10000x128xf32, #tpu.memory_space<hbm>> -> memref<128x128xf32, #tpu.memory_space<hbm>>
      %dma_wait3A_138 = arith.constant 0 : i32
      %dma_wait3A_139 = arith.constant 0 : i32
      %dma_wait3A_140 = tpu.memref_slice %arg9[%dma_wait3A_130, %dma_wait3A_138, %dma_wait3A_139] : memref<2x128x128xf32, #tpu.memory_space<vmem>> -> memref<1x128x128xf32, #tpu.memory_space<vmem>>
      %dma_wait3A_141 = tpu.memref_squeeze %dma_wait3A_140 : memref<1x128x128xf32, #tpu.memory_space<vmem>> -> memref<128x128xf32, #tpu.memory_space<vmem>>
      %dma_wait3A_142 = arith.constant 0 : i32
      %dma_wait3A_143 = arith.constant 0 : i32
      %dma_wait3A_144 = tpu.memref_slice %arg2[%dma_wait3A_142, %dma_wait3A_143] : memref<10000x128xf32, #tpu.memory_space<hbm>> -> memref<128x128xf32, #tpu.memory_space<hbm>>
      tpu.wait_dma2 semaphore(%arg11 : memref<!tpu.dma_semaphore, #tpu.memory_space<semaphore_mem>>) src(%dma_wait3A_144 : memref<128x128xf32, #tpu.memory_space<hbm>>) dst(%dma_wait3A_141 : memref<128x128xf32, #tpu.memory_space<vmem>>)
      %run_scoped3A = arith.constant 0 : i32
      "tpu.region"() ({
        %run_scoped3A_194 = tpu.sem_alloc : memref<!tpu.dma_semaphore, #tpu.memory_space<semaphore_mem>>
        %dma_start3A_195 = arith.constant 0 : i32
        %dma_start3A_196 = arith.constant 0 : i32
        %dma_start3A_197 = tpu.memref_slice %arg9[%run_scoped3A, %dma_start3A_195, %dma_start3A_196] : memref<2x128x128xf32, #tpu.memory_space<vmem>> -> memref<1x128x128xf32, #tpu.memory_space<vmem>>
        %dma_start3A_198 = tpu.memref_squeeze %dma_start3A_197 : memref<1x128x128xf32, #tpu.memory_space<vmem>> -> memref<128x128xf32, #tpu.memory_space<vmem>>
        %dma_start3A_199 = arith.constant 0 : i32
        %dma_start3A_200 = tpu.memref_slice %arg8[%add3A_129, %dma_start3A_199] : memref<40x128xi32, #tpu.memory_space<vmem>> -> memref<1x128xi32, #tpu.memory_space<vmem>>
        %dma_start3A_201 = tpu.memref_squeeze %dma_start3A_200 : memref<1x128xi32, #tpu.memory_space<vmem>> -> memref<128xi32, #tpu.memory_space<vmem>>
        %dma_start3A_202 = arith.constant 0 : i32
        %dma_start3A_203 = arith.constant 0 : i32
        %dma_start3A_204 = tpu.memref_slice %arg10[%dma_start3A_202, %dma_start3A_203] : memref<10112x128xf32, #tpu.memory_space<vmem_shared>> -> memref<10112x128xf32, #tpu.memory_space<vmem_shared>>
        tpu.enqueue_indirect_dma source(%dma_start3A_198 : memref<128x128xf32, #tpu.memory_space<vmem>>) target(%dma_start3A_204 : memref<10112x128xf32, #tpu.memory_space<vmem_shared>>) offsets(%dma_start3A_201 : memref<128xi32, #tpu.memory_space<vmem>>) semaphore(%run_scoped3A_194 : memref<!tpu.dma_semaphore, #tpu.memory_space<semaphore_mem>>) {add = true}
        %dma_wait3A_205 = arith.constant 0 : i32
        %dma_wait3A_206 = arith.constant 0 : i32
        %dma_wait3A_207 = tpu.memref_slice %arg9[%run_scoped3A, %dma_wait3A_205, %dma_wait3A_206] : memref<2x128x128xf32, #tpu.memory_space<vmem>> -> memref<1x128x128xf32, #tpu.memory_space<vmem>>
        %dma_wait3A_208 = tpu.memref_squeeze %dma_wait3A_207 : memref<1x128x128xf32, #tpu.memory_space<vmem>> -> memref<128x128xf32, #tpu.memory_space<vmem>>
        %dma_wait3A_209 = arith.constant 0 : i32
        %dma_wait3A_210 = tpu.memref_slice %arg8[%add3A_129, %dma_wait3A_209] : memref<40x128xi32, #tpu.memory_space<vmem>> -> memref<1x128xi32, #tpu.memory_space<vmem>>
        %dma_wait3A_211 = tpu.memref_squeeze %dma_wait3A_210 : memref<1x128xi32, #tpu.memory_space<vmem>> -> memref<128xi32, #tpu.memory_space<vmem>>
        %dma_wait3A_212 = arith.constant 0 : i32
        %dma_wait3A_213 = arith.constant 0 : i32
        %dma_wait3A_214 = tpu.memref_slice %arg10[%dma_wait3A_212, %dma_wait3A_213] : memref<10112x128xf32, #tpu.memory_space<vmem_shared>> -> memref<10112x128xf32, #tpu.memory_space<vmem_shared>>
        tpu.wait_indirect_dma semaphore(%run_scoped3A_194 : memref<!tpu.dma_semaphore, #tpu.memory_space<semaphore_mem>>) src(%dma_wait3A_208 : memref<128x128xf32, #tpu.memory_space<vmem>>) dst(%dma_wait3A_214 : memref<10112x128xf32, #tpu.memory_space<vmem_shared>>)
        tpu.yield
      }) : () -> ()
      %add3A_145 = arith.constant 2 : i32
      %add3A_146 = arith.addi %add3A_129, %add3A_145 : i32
      %min3A = arith.constant 39 : i32
      %min3A_147 = arith.minsi %add3A_146, %min3A : i32
      %dma_start3A_148 = arith.constant 0 : i32
      %dma_start3A_149 = arith.constant 0 : i32
      %dma_start3A_150 = arith.constant 0 : i32
      %dma_start3A_151 = tpu.memref_slice %arg9[%dma_start3A_148, %dma_start3A_149, %dma_start3A_150] : memref<2x128x128xf32, #tpu.memory_space<vmem>> -> memref<1x128x128xf32, #tpu.memory_space<vmem>>
      %dma_start3A_152 = tpu.memref_squeeze %dma_start3A_151 : memref<1x128x128xf32, #tpu.memory_space<vmem>> -> memref<128x128xf32, #tpu.memory_space<vmem>>
      %dma_start3A_153 = arith.constant 0 : i32
      %dma_start3A_154 = tpu.memref_slice %arg7[%min3A_147, %dma_start3A_153] : memref<40x128xi32, #tpu.memory_space<vmem>> -> memref<1x128xi32, #tpu.memory_space<vmem>>
      %dma_start3A_155 = tpu.memref_squeeze %dma_start3A_154 : memref<1x128xi32, #tpu.memory_space<vmem>> -> memref<128xi32, #tpu.memory_space<vmem>>
      %dma_start3A_156 = arith.constant 0 : i32
      %dma_start3A_157 = arith.constant 0 : i32
      %dma_start3A_158 = tpu.memref_slice %arg2[%dma_start3A_156, %dma_start3A_157] : memref<10000x128xf32, #tpu.memory_space<hbm>> -> memref<10000x128xf32, #tpu.memory_space<hbm>>
      tpu.enqueue_indirect_dma source(%dma_start3A_158 : memref<10000x128xf32, #tpu.memory_space<hbm>>) target(%dma_start3A_152 : memref<128x128xf32, #tpu.memory_space<vmem>>) offsets(%dma_start3A_155 : memref<128xi32, #tpu.memory_space<vmem>>) semaphore(%arg11 : memref<!tpu.dma_semaphore, #tpu.memory_space<semaphore_mem>>)
      %mul3A_159 = arith.constant 2 : i32
      %mul3A_160 = arith.muli %mul3A_159, %scan3A_125 : i32
      %add3A_161 = arith.constant 1 : i32
      %add3A_162 = arith.addi %mul3A_160, %add3A_161 : i32
      %dma_wait3A_163 = arith.constant 1 : i32
      %dma_wait3A_164 = arith.constant 0 : i32
      %dma_wait3A_165 = arith.constant 0 : i32
      %dma_wait3A_166 = tpu.memref_slice %arg9[%dma_wait3A_163, %dma_wait3A_164, %dma_wait3A_165] : memref<2x128x128xf32, #tpu.memory_space<vmem>> -> memref<1x128x128xf32, #tpu.memory_space<vmem>>
      %dma_wait3A_167 = tpu.memref_squeeze %dma_wait3A_166 : memref<1x128x128xf32, #tpu.memory_space<vmem>> -> memref<128x128xf32, #tpu.memory_space<vmem>>
      %dma_wait3A_168 = arith.constant 0 : i32
      %dma_wait3A_169 = arith.constant 0 : i32
      %dma_wait3A_170 = tpu.memref_slice %arg2[%dma_wait3A_168, %dma_wait3A_169] : memref<10000x128xf32, #tpu.memory_space<hbm>> -> memref<128x128xf32, #tpu.memory_space<hbm>>
      %dma_wait3A_171 = arith.constant 0 : i32
      %dma_wait3A_172 = arith.constant 0 : i32
      %dma_wait3A_173 = tpu.memref_slice %arg9[%dma_wait3A_163, %dma_wait3A_171, %dma_wait3A_172] : memref<2x128x128xf32, #tpu.memory_space<vmem>> -> memref<1x128x128xf32, #tpu.memory_space<vmem>>
      %dma_wait3A_174 = tpu.memref_squeeze %dma_wait3A_173 : memref<1x128x128xf32, #tpu.memory_space<vmem>> -> memref<128x128xf32, #tpu.memory_space<vmem>>
      %dma_wait3A_175 = arith.constant 0 : i32
      %dma_wait3A_176 = arith.constant 0 : i32
      %dma_wait3A_177 = tpu.memref_slice %arg2[%dma_wait3A_175, %dma_wait3A_176] : memref<10000x128xf32, #tpu.memory_space<hbm>> -> memref<128x128xf32, #tpu.memory_space<hbm>>
      tpu.wait_dma2 semaphore(%arg11 : memref<!tpu.dma_semaphore, #tpu.memory_space<semaphore_mem>>) src(%dma_wait3A_177 : memref<128x128xf32, #tpu.memory_space<hbm>>) dst(%dma_wait3A_174 : memref<128x128xf32, #tpu.memory_space<vmem>>)
      %run_scoped3A_178 = arith.constant 1 : i32
      "tpu.region"() ({
        %run_scoped3A_194 = tpu.sem_alloc : memref<!tpu.dma_semaphore, #tpu.memory_space<semaphore_mem>>
        %dma_start3A_195 = arith.constant 0 : i32
        %dma_start3A_196 = arith.constant 0 : i32
        %dma_start3A_197 = tpu.memref_slice %arg9[%run_scoped3A_178, %dma_start3A_195, %dma_start3A_196] : memref<2x128x128xf32, #tpu.memory_space<vmem>> -> memref<1x128x128xf32, #tpu.memory_space<vmem>>
        %dma_start3A_198 = tpu.memref_squeeze %dma_start3A_197 : memref<1x128x128xf32, #tpu.memory_space<vmem>> -> memref<128x128xf32, #tpu.memory_space<vmem>>
        %dma_start3A_199 = arith.constant 0 : i32
        %dma_start3A_200 = tpu.memref_slice %arg8[%add3A_162, %dma_start3A_199] : memref<40x128xi32, #tpu.memory_space<vmem>> -> memref<1x128xi32, #tpu.memory_space<vmem>>
        %dma_start3A_201 = tpu.memref_squeeze %dma_start3A_200 : memref<1x128xi32, #tpu.memory_space<vmem>> -> memref<128xi32, #tpu.memory_space<vmem>>
        %dma_start3A_202 = arith.constant 0 : i32
        %dma_start3A_203 = arith.constant 0 : i32
        %dma_start3A_204 = tpu.memref_slice %arg10[%dma_start3A_202, %dma_start3A_203] : memref<10112x128xf32, #tpu.memory_space<vmem_shared>> -> memref<10112x128xf32, #tpu.memory_space<vmem_shared>>
        tpu.enqueue_indirect_dma source(%dma_start3A_198 : memref<128x128xf32, #tpu.memory_space<vmem>>) target(%dma_start3A_204 : memref<10112x128xf32, #tpu.memory_space<vmem_shared>>) offsets(%dma_start3A_201 : memref<128xi32, #tpu.memory_space<vmem>>) semaphore(%run_scoped3A_194 : memref<!tpu.dma_semaphore, #tpu.memory_space<semaphore_mem>>) {add = true}
        %dma_wait3A_205 = arith.constant 0 : i32
        %dma_wait3A_206 = arith.constant 0 : i32
        %dma_wait3A_207 = tpu.memref_slice %arg9[%run_scoped3A_178, %dma_wait3A_205, %dma_wait3A_206] : memref<2x128x128xf32, #tpu.memory_space<vmem>> -> memref<1x128x128xf32, #tpu.memory_space<vmem>>
        %dma_wait3A_208 = tpu.memref_squeeze %dma_wait3A_207 : memref<1x128x128xf32, #tpu.memory_space<vmem>> -> memref<128x128xf32, #tpu.memory_space<vmem>>
        %dma_wait3A_209 = arith.constant 0 : i32
        %dma_wait3A_210 = tpu.memref_slice %arg8[%add3A_162, %dma_wait3A_209] : memref<40x128xi32, #tpu.memory_space<vmem>> -> memref<1x128xi32, #tpu.memory_space<vmem>>
        %dma_wait3A_211 = tpu.memref_squeeze %dma_wait3A_210 : memref<1x128xi32, #tpu.memory_space<vmem>> -> memref<128xi32, #tpu.memory_space<vmem>>
        %dma_wait3A_212 = arith.constant 0 : i32
        %dma_wait3A_213 = arith.constant 0 : i32
        %dma_wait3A_214 = tpu.memref_slice %arg10[%dma_wait3A_212, %dma_wait3A_213] : memref<10112x128xf32, #tpu.memory_space<vmem_shared>> -> memref<10112x128xf32, #tpu.memory_space<vmem_shared>>
        tpu.wait_indirect_dma semaphore(%run_scoped3A_194 : memref<!tpu.dma_semaphore, #tpu.memory_space<semaphore_mem>>) src(%dma_wait3A_208 : memref<128x128xf32, #tpu.memory_space<vmem>>) dst(%dma_wait3A_214 : memref<10112x128xf32, #tpu.memory_space<vmem_shared>>)
        tpu.yield
      }) : () -> ()
      %add3A_179 = arith.constant 2 : i32
      %add3A_180 = arith.addi %add3A_162, %add3A_179 : i32
      %min3A_181 = arith.constant 39 : i32
      %min3A_182 = arith.minsi %add3A_180, %min3A_181 : i32
      %dma_start3A_183 = arith.constant 1 : i32
      %dma_start3A_184 = arith.constant 0 : i32
      %dma_start3A_185 = arith.constant 0 : i32
      %dma_start3A_186 = tpu.memref_slice %arg9[%dma_start3A_183, %dma_start3A_184, %dma_start3A_185] : memref<2x128x128xf32, #tpu.memory_space<vmem>> -> memref<1x128x128xf32, #tpu.memory_space<vmem>>
      %dma_start3A_187 = tpu.memref_squeeze %dma_start3A_186 : memref<1x128x128xf32, #tpu.memory_space<vmem>> -> memref<128x128xf32, #tpu.memory_space<vmem>>
      %dma_start3A_188 = arith.constant 0 : i32
      %dma_start3A_189 = tpu.memref_slice %arg7[%min3A_182, %dma_start3A_188] : memref<40x128xi32, #tpu.memory_space<vmem>> -> memref<1x128xi32, #tpu.memory_space<vmem>>
      %dma_start3A_190 = tpu.memref_squeeze %dma_start3A_189 : memref<1x128xi32, #tpu.memory_space<vmem>> -> memref<128xi32, #tpu.memory_space<vmem>>
      %dma_start3A_191 = arith.constant 0 : i32
      %dma_start3A_192 = arith.constant 0 : i32
      %dma_start3A_193 = tpu.memref_slice %arg2[%dma_start3A_191, %dma_start3A_192] : memref<10000x128xf32, #tpu.memory_space<hbm>> -> memref<10000x128xf32, #tpu.memory_space<hbm>>
      tpu.enqueue_indirect_dma source(%dma_start3A_193 : memref<10000x128xf32, #tpu.memory_space<hbm>>) target(%dma_start3A_187 : memref<128x128xf32, #tpu.memory_space<vmem>>) offsets(%dma_start3A_190 : memref<128xi32, #tpu.memory_space<vmem>>) semaphore(%arg11 : memref<!tpu.dma_semaphore, #tpu.memory_space<semaphore_mem>>)
    }
    %scan3A_30 = arith.constant 20 : i32
    %dma_wait3A = arith.constant 0 : i32
    %dma_wait3A_31 = arith.constant 0 : i32
    %dma_wait3A_32 = arith.constant 0 : i32
    %dma_wait3A_33 = tpu.memref_slice %arg9[%dma_wait3A, %dma_wait3A_31, %dma_wait3A_32] : memref<2x128x128xf32, #tpu.memory_space<vmem>> -> memref<1x128x128xf32, #tpu.memory_space<vmem>>
    %dma_wait3A_34 = tpu.memref_squeeze %dma_wait3A_33 : memref<1x128x128xf32, #tpu.memory_space<vmem>> -> memref<128x128xf32, #tpu.memory_space<vmem>>
    %dma_wait3A_35 = arith.constant 0 : i32
    %dma_wait3A_36 = arith.constant 0 : i32
    %dma_wait3A_37 = tpu.memref_slice %arg2[%dma_wait3A_35, %dma_wait3A_36] : memref<10000x128xf32, #tpu.memory_space<hbm>> -> memref<128x128xf32, #tpu.memory_space<hbm>>
    %dma_wait3A_38 = arith.constant 0 : i32
    %dma_wait3A_39 = arith.constant 0 : i32
    %dma_wait3A_40 = tpu.memref_slice %arg9[%dma_wait3A, %dma_wait3A_38, %dma_wait3A_39] : memref<2x128x128xf32, #tpu.memory_space<vmem>> -> memref<1x128x128xf32, #tpu.memory_space<vmem>>
    %dma_wait3A_41 = tpu.memref_squeeze %dma_wait3A_40 : memref<1x128x128xf32, #tpu.memory_space<vmem>> -> memref<128x128xf32, #tpu.memory_space<vmem>>
    %dma_wait3A_42 = arith.constant 0 : i32
    %dma_wait3A_43 = arith.constant 0 : i32
    %dma_wait3A_44 = tpu.memref_slice %arg2[%dma_wait3A_42, %dma_wait3A_43] : memref<10000x128xf32, #tpu.memory_space<hbm>> -> memref<128x128xf32, #tpu.memory_space<hbm>>
    tpu.wait_dma2 semaphore(%arg11 : memref<!tpu.dma_semaphore, #tpu.memory_space<semaphore_mem>>) src(%dma_wait3A_44 : memref<128x128xf32, #tpu.memory_space<hbm>>) dst(%dma_wait3A_41 : memref<128x128xf32, #tpu.memory_space<vmem>>)
    %dma_wait3A_45 = arith.constant 1 : i32
    %dma_wait3A_46 = arith.constant 0 : i32
    %dma_wait3A_47 = arith.constant 0 : i32
    %dma_wait3A_48 = tpu.memref_slice %arg9[%dma_wait3A_45, %dma_wait3A_46, %dma_wait3A_47] : memref<2x128x128xf32, #tpu.memory_space<vmem>> -> memref<1x128x128xf32, #tpu.memory_space<vmem>>
    %dma_wait3A_49 = tpu.memref_squeeze %dma_wait3A_48 : memref<1x128x128xf32, #tpu.memory_space<vmem>> -> memref<128x128xf32, #tpu.memory_space<vmem>>
    %dma_wait3A_50 = arith.constant 0 : i32
    %dma_wait3A_51 = arith.constant 0 : i32
    %dma_wait3A_52 = tpu.memref_slice %arg2[%dma_wait3A_50, %dma_wait3A_51] : memref<10000x128xf32, #tpu.memory_space<hbm>> -> memref<128x128xf32, #tpu.memory_space<hbm>>
    %dma_wait3A_53 = arith.constant 0 : i32
    %dma_wait3A_54 = arith.constant 0 : i32
    %dma_wait3A_55 = tpu.memref_slice %arg9[%dma_wait3A_45, %dma_wait3A_53, %dma_wait3A_54] : memref<2x128x128xf32, #tpu.memory_space<vmem>> -> memref<1x128x128xf32, #tpu.memory_space<vmem>>
    %dma_wait3A_56 = tpu.memref_squeeze %dma_wait3A_55 : memref<1x128x128xf32, #tpu.memory_space<vmem>> -> memref<128x128xf32, #tpu.memory_space<vmem>>
    %dma_wait3A_57 = arith.constant 0 : i32
    %dma_wait3A_58 = arith.constant 0 : i32
    %dma_wait3A_59 = tpu.memref_slice %arg2[%dma_wait3A_57, %dma_wait3A_58] : memref<10000x128xf32, #tpu.memory_space<hbm>> -> memref<128x128xf32, #tpu.memory_space<hbm>>
    tpu.wait_dma2 semaphore(%arg11 : memref<!tpu.dma_semaphore, #tpu.memory_space<semaphore_mem>>) src(%dma_wait3A_59 : memref<128x128xf32, #tpu.memory_space<hbm>>) dst(%dma_wait3A_56 : memref<128x128xf32, #tpu.memory_space<vmem>>)
    "tpu.region"() ({
      %run_scoped3A = tpu.sem_alloc : memref<!tpu.dma_semaphore, #tpu.memory_space<semaphore_mem>>
      %dma_start3A_125 = arith.constant 0 : i32
      %dma_start3A_126 = arith.constant 0 : i32
      %dma_start3A_127 = tpu.memref_slice %arg3[%add3A, %dma_start3A_125, %dma_start3A_126] : memref<32x80x128xi32, #tpu.memory_space<hbm>> -> memref<1x80x128xi32, #tpu.memory_space<hbm>>
      %dma_start3A_128 = tpu.memref_squeeze %dma_start3A_127 : memref<1x80x128xi32, #tpu.memory_space<hbm>> -> memref<80x128xi32, #tpu.memory_space<hbm>>
      %dma_start3A_129 = arith.constant 40 : i32
      %dma_start3A_130 = arith.constant 0 : i32
      %dma_start3A_131 = tpu.memref_slice %dma_start3A_128[%dma_start3A_129, %dma_start3A_130] : memref<80x128xi32, #tpu.memory_space<hbm>> -> memref<40x128xi32, #tpu.memory_space<hbm>>
      %dma_start3A_132 = arith.constant 0 : i32
      %dma_start3A_133 = arith.constant 0 : i32
      %dma_start3A_134 = tpu.memref_slice %arg3[%add3A, %dma_start3A_132, %dma_start3A_133] : memref<32x80x128xi32, #tpu.memory_space<hbm>> -> memref<1x80x128xi32, #tpu.memory_space<hbm>>
      %dma_start3A_135 = tpu.memref_squeeze %dma_start3A_134 : memref<1x80x128xi32, #tpu.memory_space<hbm>> -> memref<80x128xi32, #tpu.memory_space<hbm>>
      %dma_start3A_136 = arith.constant 40 : i32
      %dma_start3A_137 = arith.constant 0 : i32
      %dma_start3A_138 = tpu.memref_slice %dma_start3A_135[%dma_start3A_136, %dma_start3A_137] : memref<80x128xi32, #tpu.memory_space<hbm>> -> memref<40x128xi32, #tpu.memory_space<hbm>>
      tpu.enqueue_dma source(%dma_start3A_138 : memref<40x128xi32, #tpu.memory_space<hbm>>) target(%arg7 : memref<40x128xi32, #tpu.memory_space<vmem>>) target_semaphore(%run_scoped3A : memref<!tpu.dma_semaphore, #tpu.memory_space<semaphore_mem>>)
      %dma_wait3A_139 = arith.constant 0 : i32
      %dma_wait3A_140 = arith.constant 0 : i32
      %dma_wait3A_141 = tpu.memref_slice %arg3[%add3A, %dma_wait3A_139, %dma_wait3A_140] : memref<32x80x128xi32, #tpu.memory_space<hbm>> -> memref<1x80x128xi32, #tpu.memory_space<hbm>>
      %dma_wait3A_142 = tpu.memref_squeeze %dma_wait3A_141 : memref<1x80x128xi32, #tpu.memory_space<hbm>> -> memref<80x128xi32, #tpu.memory_space<hbm>>
      %dma_wait3A_143 = arith.constant 40 : i32
      %dma_wait3A_144 = arith.constant 0 : i32
      %dma_wait3A_145 = tpu.memref_slice %dma_wait3A_142[%dma_wait3A_143, %dma_wait3A_144] : memref<80x128xi32, #tpu.memory_space<hbm>> -> memref<40x128xi32, #tpu.memory_space<hbm>>
      %dma_wait3A_146 = arith.constant 0 : i32
      %dma_wait3A_147 = arith.constant 0 : i32
      %dma_wait3A_148 = tpu.memref_slice %arg3[%add3A, %dma_wait3A_146, %dma_wait3A_147] : memref<32x80x128xi32, #tpu.memory_space<hbm>> -> memref<1x80x128xi32, #tpu.memory_space<hbm>>
      %dma_wait3A_149 = tpu.memref_squeeze %dma_wait3A_148 : memref<1x80x128xi32, #tpu.memory_space<hbm>> -> memref<80x128xi32, #tpu.memory_space<hbm>>
      %dma_wait3A_150 = arith.constant 40 : i32
      %dma_wait3A_151 = arith.constant 0 : i32
      %dma_wait3A_152 = tpu.memref_slice %dma_wait3A_149[%dma_wait3A_150, %dma_wait3A_151] : memref<80x128xi32, #tpu.memory_space<hbm>> -> memref<40x128xi32, #tpu.memory_space<hbm>>
      tpu.wait_dma2 semaphore(%run_scoped3A : memref<!tpu.dma_semaphore, #tpu.memory_space<semaphore_mem>>) src(%dma_wait3A_152 : memref<40x128xi32, #tpu.memory_space<hbm>>) dst(%arg7 : memref<40x128xi32, #tpu.memory_space<vmem>>)
      tpu.yield
    }) : () -> ()
    "tpu.region"() ({
      %run_scoped3A = tpu.sem_alloc : memref<!tpu.dma_semaphore, #tpu.memory_space<semaphore_mem>>
      %dma_start3A_125 = arith.constant 0 : i32
      %dma_start3A_126 = arith.constant 0 : i32
      %dma_start3A_127 = tpu.memref_slice %arg4[%add3A, %dma_start3A_125, %dma_start3A_126] : memref<32x80x128xi32, #tpu.memory_space<hbm>> -> memref<1x80x128xi32, #tpu.memory_space<hbm>>
      %dma_start3A_128 = tpu.memref_squeeze %dma_start3A_127 : memref<1x80x128xi32, #tpu.memory_space<hbm>> -> memref<80x128xi32, #tpu.memory_space<hbm>>
      %dma_start3A_129 = arith.constant 40 : i32
      %dma_start3A_130 = arith.constant 0 : i32
      %dma_start3A_131 = tpu.memref_slice %dma_start3A_128[%dma_start3A_129, %dma_start3A_130] : memref<80x128xi32, #tpu.memory_space<hbm>> -> memref<40x128xi32, #tpu.memory_space<hbm>>
      %dma_start3A_132 = arith.constant 0 : i32
      %dma_start3A_133 = arith.constant 0 : i32
      %dma_start3A_134 = tpu.memref_slice %arg4[%add3A, %dma_start3A_132, %dma_start3A_133] : memref<32x80x128xi32, #tpu.memory_space<hbm>> -> memref<1x80x128xi32, #tpu.memory_space<hbm>>
      %dma_start3A_135 = tpu.memref_squeeze %dma_start3A_134 : memref<1x80x128xi32, #tpu.memory_space<hbm>> -> memref<80x128xi32, #tpu.memory_space<hbm>>
      %dma_start3A_136 = arith.constant 40 : i32
      %dma_start3A_137 = arith.constant 0 : i32
      %dma_start3A_138 = tpu.memref_slice %dma_start3A_135[%dma_start3A_136, %dma_start3A_137] : memref<80x128xi32, #tpu.memory_space<hbm>> -> memref<40x128xi32, #tpu.memory_space<hbm>>
      tpu.enqueue_dma source(%dma_start3A_138 : memref<40x128xi32, #tpu.memory_space<hbm>>) target(%arg8 : memref<40x128xi32, #tpu.memory_space<vmem>>) target_semaphore(%run_scoped3A : memref<!tpu.dma_semaphore, #tpu.memory_space<semaphore_mem>>)
      %dma_wait3A_139 = arith.constant 0 : i32
      %dma_wait3A_140 = arith.constant 0 : i32
      %dma_wait3A_141 = tpu.memref_slice %arg4[%add3A, %dma_wait3A_139, %dma_wait3A_140] : memref<32x80x128xi32, #tpu.memory_space<hbm>> -> memref<1x80x128xi32, #tpu.memory_space<hbm>>
      %dma_wait3A_142 = tpu.memref_squeeze %dma_wait3A_141 : memref<1x80x128xi32, #tpu.memory_space<hbm>> -> memref<80x128xi32, #tpu.memory_space<hbm>>
      %dma_wait3A_143 = arith.constant 40 : i32
      %dma_wait3A_144 = arith.constant 0 : i32
      %dma_wait3A_145 = tpu.memref_slice %dma_wait3A_142[%dma_wait3A_143, %dma_wait3A_144] : memref<80x128xi32, #tpu.memory_space<hbm>> -> memref<40x128xi32, #tpu.memory_space<hbm>>
      %dma_wait3A_146 = arith.constant 0 : i32
      %dma_wait3A_147 = arith.constant 0 : i32
      %dma_wait3A_148 = tpu.memref_slice %arg4[%add3A, %dma_wait3A_146, %dma_wait3A_147] : memref<32x80x128xi32, #tpu.memory_space<hbm>> -> memref<1x80x128xi32, #tpu.memory_space<hbm>>
      %dma_wait3A_149 = tpu.memref_squeeze %dma_wait3A_148 : memref<1x80x128xi32, #tpu.memory_space<hbm>> -> memref<80x128xi32, #tpu.memory_space<hbm>>
      %dma_wait3A_150 = arith.constant 40 : i32
      %dma_wait3A_151 = arith.constant 0 : i32
      %dma_wait3A_152 = tpu.memref_slice %dma_wait3A_149[%dma_wait3A_150, %dma_wait3A_151] : memref<80x128xi32, #tpu.memory_space<hbm>> -> memref<40x128xi32, #tpu.memory_space<hbm>>
      tpu.wait_dma2 semaphore(%run_scoped3A : memref<!tpu.dma_semaphore, #tpu.memory_space<semaphore_mem>>) src(%dma_wait3A_152 : memref<40x128xi32, #tpu.memory_space<hbm>>) dst(%arg8 : memref<40x128xi32, #tpu.memory_space<vmem>>)
      tpu.yield
    }) : () -> ()
    %dma_start3A_60 = arith.constant 0 : i32
    %dma_start3A_61 = arith.constant 0 : i32
    %dma_start3A_62 = arith.constant 0 : i32
    %dma_start3A_63 = arith.constant 0 : i32
    %dma_start3A_64 = tpu.memref_slice %arg9[%dma_start3A_61, %dma_start3A_62, %dma_start3A_63] : memref<2x128x128xf32, #tpu.memory_space<vmem>> -> memref<1x128x128xf32, #tpu.memory_space<vmem>>
    %dma_start3A_65 = tpu.memref_squeeze %dma_start3A_64 : memref<1x128x128xf32, #tpu.memory_space<vmem>> -> memref<128x128xf32, #tpu.memory_space<vmem>>
    %dma_start3A_66 = arith.constant 0 : i32
    %dma_start3A_67 = tpu.memref_slice %arg7[%dma_start3A_60, %dma_start3A_66] : memref<40x128xi32, #tpu.memory_space<vmem>> -> memref<1x128xi32, #tpu.memory_space<vmem>>
    %dma_start3A_68 = tpu.memref_squeeze %dma_start3A_67 : memref<1x128xi32, #tpu.memory_space<vmem>> -> memref<128xi32, #tpu.memory_space<vmem>>
    %dma_start3A_69 = arith.constant 0 : i32
    %dma_start3A_70 = arith.constant 0 : i32
    %dma_start3A_71 = tpu.memref_slice %arg2[%dma_start3A_69, %dma_start3A_70] : memref<10000x128xf32, #tpu.memory_space<hbm>> -> memref<10000x128xf32, #tpu.memory_space<hbm>>
    tpu.enqueue_indirect_dma source(%dma_start3A_71 : memref<10000x128xf32, #tpu.memory_space<hbm>>) target(%dma_start3A_65 : memref<128x128xf32, #tpu.memory_space<vmem>>) offsets(%dma_start3A_68 : memref<128xi32, #tpu.memory_space<vmem>>) semaphore(%arg11 : memref<!tpu.dma_semaphore, #tpu.memory_space<semaphore_mem>>)
    %dma_start3A_72 = arith.constant 1 : i32
    %dma_start3A_73 = arith.constant 1 : i32
    %dma_start3A_74 = arith.constant 0 : i32
    %dma_start3A_75 = arith.constant 0 : i32
    %dma_start3A_76 = tpu.memref_slice %arg9[%dma_start3A_73, %dma_start3A_74, %dma_start3A_75] : memref<2x128x128xf32, #tpu.memory_space<vmem>> -> memref<1x128x128xf32, #tpu.memory_space<vmem>>
    %dma_start3A_77 = tpu.memref_squeeze %dma_start3A_76 : memref<1x128x128xf32, #tpu.memory_space<vmem>> -> memref<128x128xf32, #tpu.memory_space<vmem>>
    %dma_start3A_78 = arith.constant 0 : i32
    %dma_start3A_79 = tpu.memref_slice %arg7[%dma_start3A_72, %dma_start3A_78] : memref<40x128xi32, #tpu.memory_space<vmem>> -> memref<1x128xi32, #tpu.memory_space<vmem>>
    %dma_start3A_80 = tpu.memref_squeeze %dma_start3A_79 : memref<1x128xi32, #tpu.memory_space<vmem>> -> memref<128xi32, #tpu.memory_space<vmem>>
    %dma_start3A_81 = arith.constant 0 : i32
    %dma_start3A_82 = arith.constant 0 : i32
    %dma_start3A_83 = tpu.memref_slice %arg2[%dma_start3A_81, %dma_start3A_82] : memref<10000x128xf32, #tpu.memory_space<hbm>> -> memref<10000x128xf32, #tpu.memory_space<hbm>>
    tpu.enqueue_indirect_dma source(%dma_start3A_83 : memref<10000x128xf32, #tpu.memory_space<hbm>>) target(%dma_start3A_77 : memref<128x128xf32, #tpu.memory_space<vmem>>) offsets(%dma_start3A_80 : memref<128xi32, #tpu.memory_space<vmem>>) semaphore(%arg11 : memref<!tpu.dma_semaphore, #tpu.memory_space<semaphore_mem>>)
    %scan3A_84 = arith.constant 0 : i32
    %scan3A_85 = arith.constant 0 : i32
    %scan3A_86 = arith.constant 20 : i32
    %scan3A_87 = arith.addi %scan3A_85, %scan3A_86 : i32
    %scan3A_88 = arith.constant 1 : i32
    scf.for %scan3A_125 = %scan3A_85 to %scan3A_87 step %scan3A_88  : i32 {
      %mul3A_126 = arith.constant 2 : i32
      %mul3A_127 = arith.muli %mul3A_126, %scan3A_125 : i32
      %add3A_128 = arith.constant 0 : i32
      %add3A_129 = arith.addi %mul3A_127, %add3A_128 : i32
      %dma_wait3A_130 = arith.constant 0 : i32
      %dma_wait3A_131 = arith.constant 0 : i32
      %dma_wait3A_132 = arith.constant 0 : i32
      %dma_wait3A_133 = tpu.memref_slice %arg9[%dma_wait3A_130, %dma_wait3A_131, %dma_wait3A_132] : memref<2x128x128xf32, #tpu.memory_space<vmem>> -> memref<1x128x128xf32, #tpu.memory_space<vmem>>
      %dma_wait3A_134 = tpu.memref_squeeze %dma_wait3A_133 : memref<1x128x128xf32, #tpu.memory_space<vmem>> -> memref<128x128xf32, #tpu.memory_space<vmem>>
      %dma_wait3A_135 = arith.constant 0 : i32
      %dma_wait3A_136 = arith.constant 0 : i32
      %dma_wait3A_137 = tpu.memref_slice %arg2[%dma_wait3A_135, %dma_wait3A_136] : memref<10000x128xf32, #tpu.memory_space<hbm>> -> memref<128x128xf32, #tpu.memory_space<hbm>>
      %dma_wait3A_138 = arith.constant 0 : i32
      %dma_wait3A_139 = arith.constant 0 : i32
      %dma_wait3A_140 = tpu.memref_slice %arg9[%dma_wait3A_130, %dma_wait3A_138, %dma_wait3A_139] : memref<2x128x128xf32, #tpu.memory_space<vmem>> -> memref<1x128x128xf32, #tpu.memory_space<vmem>>
      %dma_wait3A_141 = tpu.memref_squeeze %dma_wait3A_140 : memref<1x128x128xf32, #tpu.memory_space<vmem>> -> memref<128x128xf32, #tpu.memory_space<vmem>>
      %dma_wait3A_142 = arith.constant 0 : i32
      %dma_wait3A_143 = arith.constant 0 : i32
      %dma_wait3A_144 = tpu.memref_slice %arg2[%dma_wait3A_142, %dma_wait3A_143] : memref<10000x128xf32, #tpu.memory_space<hbm>> -> memref<128x128xf32, #tpu.memory_space<hbm>>
      tpu.wait_dma2 semaphore(%arg11 : memref<!tpu.dma_semaphore, #tpu.memory_space<semaphore_mem>>) src(%dma_wait3A_144 : memref<128x128xf32, #tpu.memory_space<hbm>>) dst(%dma_wait3A_141 : memref<128x128xf32, #tpu.memory_space<vmem>>)
      %run_scoped3A = arith.constant 0 : i32
      "tpu.region"() ({
        %run_scoped3A_194 = tpu.sem_alloc : memref<!tpu.dma_semaphore, #tpu.memory_space<semaphore_mem>>
        %dma_start3A_195 = arith.constant 0 : i32
        %dma_start3A_196 = arith.constant 0 : i32
        %dma_start3A_197 = tpu.memref_slice %arg9[%run_scoped3A, %dma_start3A_195, %dma_start3A_196] : memref<2x128x128xf32, #tpu.memory_space<vmem>> -> memref<1x128x128xf32, #tpu.memory_space<vmem>>
        %dma_start3A_198 = tpu.memref_squeeze %dma_start3A_197 : memref<1x128x128xf32, #tpu.memory_space<vmem>> -> memref<128x128xf32, #tpu.memory_space<vmem>>
        %dma_start3A_199 = arith.constant 0 : i32
        %dma_start3A_200 = tpu.memref_slice %arg8[%add3A_129, %dma_start3A_199] : memref<40x128xi32, #tpu.memory_space<vmem>> -> memref<1x128xi32, #tpu.memory_space<vmem>>
        %dma_start3A_201 = tpu.memref_squeeze %dma_start3A_200 : memref<1x128xi32, #tpu.memory_space<vmem>> -> memref<128xi32, #tpu.memory_space<vmem>>
        %dma_start3A_202 = arith.constant 0 : i32
        %dma_start3A_203 = arith.constant 0 : i32
        %dma_start3A_204 = tpu.memref_slice %arg10[%dma_start3A_202, %dma_start3A_203] : memref<10112x128xf32, #tpu.memory_space<vmem_shared>> -> memref<10112x128xf32, #tpu.memory_space<vmem_shared>>
        tpu.enqueue_indirect_dma source(%dma_start3A_198 : memref<128x128xf32, #tpu.memory_space<vmem>>) target(%dma_start3A_204 : memref<10112x128xf32, #tpu.memory_space<vmem_shared>>) offsets(%dma_start3A_201 : memref<128xi32, #tpu.memory_space<vmem>>) semaphore(%run_scoped3A_194 : memref<!tpu.dma_semaphore, #tpu.memory_space<semaphore_mem>>) {add = true}
        %dma_wait3A_205 = arith.constant 0 : i32
        %dma_wait3A_206 = arith.constant 0 : i32
        %dma_wait3A_207 = tpu.memref_slice %arg9[%run_scoped3A, %dma_wait3A_205, %dma_wait3A_206] : memref<2x128x128xf32, #tpu.memory_space<vmem>> -> memref<1x128x128xf32, #tpu.memory_space<vmem>>
        %dma_wait3A_208 = tpu.memref_squeeze %dma_wait3A_207 : memref<1x128x128xf32, #tpu.memory_space<vmem>> -> memref<128x128xf32, #tpu.memory_space<vmem>>
        %dma_wait3A_209 = arith.constant 0 : i32
        %dma_wait3A_210 = tpu.memref_slice %arg8[%add3A_129, %dma_wait3A_209] : memref<40x128xi32, #tpu.memory_space<vmem>> -> memref<1x128xi32, #tpu.memory_space<vmem>>
        %dma_wait3A_211 = tpu.memref_squeeze %dma_wait3A_210 : memref<1x128xi32, #tpu.memory_space<vmem>> -> memref<128xi32, #tpu.memory_space<vmem>>
        %dma_wait3A_212 = arith.constant 0 : i32
        %dma_wait3A_213 = arith.constant 0 : i32
        %dma_wait3A_214 = tpu.memref_slice %arg10[%dma_wait3A_212, %dma_wait3A_213] : memref<10112x128xf32, #tpu.memory_space<vmem_shared>> -> memref<10112x128xf32, #tpu.memory_space<vmem_shared>>
        tpu.wait_indirect_dma semaphore(%run_scoped3A_194 : memref<!tpu.dma_semaphore, #tpu.memory_space<semaphore_mem>>) src(%dma_wait3A_208 : memref<128x128xf32, #tpu.memory_space<vmem>>) dst(%dma_wait3A_214 : memref<10112x128xf32, #tpu.memory_space<vmem_shared>>)
        tpu.yield
      }) : () -> ()
      %add3A_145 = arith.constant 2 : i32
      %add3A_146 = arith.addi %add3A_129, %add3A_145 : i32
      %min3A = arith.constant 39 : i32
      %min3A_147 = arith.minsi %add3A_146, %min3A : i32
      %dma_start3A_148 = arith.constant 0 : i32
      %dma_start3A_149 = arith.constant 0 : i32
      %dma_start3A_150 = arith.constant 0 : i32
      %dma_start3A_151 = tpu.memref_slice %arg9[%dma_start3A_148, %dma_start3A_149, %dma_start3A_150] : memref<2x128x128xf32, #tpu.memory_space<vmem>> -> memref<1x128x128xf32, #tpu.memory_space<vmem>>
      %dma_start3A_152 = tpu.memref_squeeze %dma_start3A_151 : memref<1x128x128xf32, #tpu.memory_space<vmem>> -> memref<128x128xf32, #tpu.memory_space<vmem>>
      %dma_start3A_153 = arith.constant 0 : i32
      %dma_start3A_154 = tpu.memref_slice %arg7[%min3A_147, %dma_start3A_153] : memref<40x128xi32, #tpu.memory_space<vmem>> -> memref<1x128xi32, #tpu.memory_space<vmem>>
      %dma_start3A_155 = tpu.memref_squeeze %dma_start3A_154 : memref<1x128xi32, #tpu.memory_space<vmem>> -> memref<128xi32, #tpu.memory_space<vmem>>
      %dma_start3A_156 = arith.constant 0 : i32
      %dma_start3A_157 = arith.constant 0 : i32
      %dma_start3A_158 = tpu.memref_slice %arg2[%dma_start3A_156, %dma_start3A_157] : memref<10000x128xf32, #tpu.memory_space<hbm>> -> memref<10000x128xf32, #tpu.memory_space<hbm>>
      tpu.enqueue_indirect_dma source(%dma_start3A_158 : memref<10000x128xf32, #tpu.memory_space<hbm>>) target(%dma_start3A_152 : memref<128x128xf32, #tpu.memory_space<vmem>>) offsets(%dma_start3A_155 : memref<128xi32, #tpu.memory_space<vmem>>) semaphore(%arg11 : memref<!tpu.dma_semaphore, #tpu.memory_space<semaphore_mem>>)
      %mul3A_159 = arith.constant 2 : i32
      %mul3A_160 = arith.muli %mul3A_159, %scan3A_125 : i32
      %add3A_161 = arith.constant 1 : i32
      %add3A_162 = arith.addi %mul3A_160, %add3A_161 : i32
      %dma_wait3A_163 = arith.constant 1 : i32
      %dma_wait3A_164 = arith.constant 0 : i32
      %dma_wait3A_165 = arith.constant 0 : i32
      %dma_wait3A_166 = tpu.memref_slice %arg9[%dma_wait3A_163, %dma_wait3A_164, %dma_wait3A_165] : memref<2x128x128xf32, #tpu.memory_space<vmem>> -> memref<1x128x128xf32, #tpu.memory_space<vmem>>
      %dma_wait3A_167 = tpu.memref_squeeze %dma_wait3A_166 : memref<1x128x128xf32, #tpu.memory_space<vmem>> -> memref<128x128xf32, #tpu.memory_space<vmem>>
      %dma_wait3A_168 = arith.constant 0 : i32
      %dma_wait3A_169 = arith.constant 0 : i32
      %dma_wait3A_170 = tpu.memref_slice %arg2[%dma_wait3A_168, %dma_wait3A_169] : memref<10000x128xf32, #tpu.memory_space<hbm>> -> memref<128x128xf32, #tpu.memory_space<hbm>>
      %dma_wait3A_171 = arith.constant 0 : i32
      %dma_wait3A_172 = arith.constant 0 : i32
      %dma_wait3A_173 = tpu.memref_slice %arg9[%dma_wait3A_163, %dma_wait3A_171, %dma_wait3A_172] : memref<2x128x128xf32, #tpu.memory_space<vmem>> -> memref<1x128x128xf32, #tpu.memory_space<vmem>>
      %dma_wait3A_174 = tpu.memref_squeeze %dma_wait3A_173 : memref<1x128x128xf32, #tpu.memory_space<vmem>> -> memref<128x128xf32, #tpu.memory_space<vmem>>
      %dma_wait3A_175 = arith.constant 0 : i32
      %dma_wait3A_176 = arith.constant 0 : i32
      %dma_wait3A_177 = tpu.memref_slice %arg2[%dma_wait3A_175, %dma_wait3A_176] : memref<10000x128xf32, #tpu.memory_space<hbm>> -> memref<128x128xf32, #tpu.memory_space<hbm>>
      tpu.wait_dma2 semaphore(%arg11 : memref<!tpu.dma_semaphore, #tpu.memory_space<semaphore_mem>>) src(%dma_wait3A_177 : memref<128x128xf32, #tpu.memory_space<hbm>>) dst(%dma_wait3A_174 : memref<128x128xf32, #tpu.memory_space<vmem>>)
      %run_scoped3A_178 = arith.constant 1 : i32
      "tpu.region"() ({
        %run_scoped3A_194 = tpu.sem_alloc : memref<!tpu.dma_semaphore, #tpu.memory_space<semaphore_mem>>
        %dma_start3A_195 = arith.constant 0 : i32
        %dma_start3A_196 = arith.constant 0 : i32
        %dma_start3A_197 = tpu.memref_slice %arg9[%run_scoped3A_178, %dma_start3A_195, %dma_start3A_196] : memref<2x128x128xf32, #tpu.memory_space<vmem>> -> memref<1x128x128xf32, #tpu.memory_space<vmem>>
        %dma_start3A_198 = tpu.memref_squeeze %dma_start3A_197 : memref<1x128x128xf32, #tpu.memory_space<vmem>> -> memref<128x128xf32, #tpu.memory_space<vmem>>
        %dma_start3A_199 = arith.constant 0 : i32
        %dma_start3A_200 = tpu.memref_slice %arg8[%add3A_162, %dma_start3A_199] : memref<40x128xi32, #tpu.memory_space<vmem>> -> memref<1x128xi32, #tpu.memory_space<vmem>>
        %dma_start3A_201 = tpu.memref_squeeze %dma_start3A_200 : memref<1x128xi32, #tpu.memory_space<vmem>> -> memref<128xi32, #tpu.memory_space<vmem>>
        %dma_start3A_202 = arith.constant 0 : i32
        %dma_start3A_203 = arith.constant 0 : i32
        %dma_start3A_204 = tpu.memref_slice %arg10[%dma_start3A_202, %dma_start3A_203] : memref<10112x128xf32, #tpu.memory_space<vmem_shared>> -> memref<10112x128xf32, #tpu.memory_space<vmem_shared>>
        tpu.enqueue_indirect_dma source(%dma_start3A_198 : memref<128x128xf32, #tpu.memory_space<vmem>>) target(%dma_start3A_204 : memref<10112x128xf32, #tpu.memory_space<vmem_shared>>) offsets(%dma_start3A_201 : memref<128xi32, #tpu.memory_space<vmem>>) semaphore(%run_scoped3A_194 : memref<!tpu.dma_semaphore, #tpu.memory_space<semaphore_mem>>) {add = true}
        %dma_wait3A_205 = arith.constant 0 : i32
        %dma_wait3A_206 = arith.constant 0 : i32
        %dma_wait3A_207 = tpu.memref_slice %arg9[%run_scoped3A_178, %dma_wait3A_205, %dma_wait3A_206] : memref<2x128x128xf32, #tpu.memory_space<vmem>> -> memref<1x128x128xf32, #tpu.memory_space<vmem>>
        %dma_wait3A_208 = tpu.memref_squeeze %dma_wait3A_207 : memref<1x128x128xf32, #tpu.memory_space<vmem>> -> memref<128x128xf32, #tpu.memory_space<vmem>>
        %dma_wait3A_209 = arith.constant 0 : i32
        %dma_wait3A_210 = tpu.memref_slice %arg8[%add3A_162, %dma_wait3A_209] : memref<40x128xi32, #tpu.memory_space<vmem>> -> memref<1x128xi32, #tpu.memory_space<vmem>>
        %dma_wait3A_211 = tpu.memref_squeeze %dma_wait3A_210 : memref<1x128xi32, #tpu.memory_space<vmem>> -> memref<128xi32, #tpu.memory_space<vmem>>
        %dma_wait3A_212 = arith.constant 0 : i32
        %dma_wait3A_213 = arith.constant 0 : i32
        %dma_wait3A_214 = tpu.memref_slice %arg10[%dma_wait3A_212, %dma_wait3A_213] : memref<10112x128xf32, #tpu.memory_space<vmem_shared>> -> memref<10112x128xf32, #tpu.memory_space<vmem_shared>>
        tpu.wait_indirect_dma semaphore(%run_scoped3A_194 : memref<!tpu.dma_semaphore, #tpu.memory_space<semaphore_mem>>) src(%dma_wait3A_208 : memref<128x128xf32, #tpu.memory_space<vmem>>) dst(%dma_wait3A_214 : memref<10112x128xf32, #tpu.memory_space<vmem_shared>>)
        tpu.yield
      }) : () -> ()
      %add3A_179 = arith.constant 2 : i32
      %add3A_180 = arith.addi %add3A_162, %add3A_179 : i32
      %min3A_181 = arith.constant 39 : i32
      %min3A_182 = arith.minsi %add3A_180, %min3A_181 : i32
      %dma_start3A_183 = arith.constant 1 : i32
      %dma_start3A_184 = arith.constant 0 : i32
      %dma_start3A_185 = arith.constant 0 : i32
      %dma_start3A_186 = tpu.memref_slice %arg9[%dma_start3A_183, %dma_start3A_184, %dma_start3A_185] : memref<2x128x128xf32, #tpu.memory_space<vmem>> -> memref<1x128x128xf32, #tpu.memory_space<vmem>>
      %dma_start3A_187 = tpu.memref_squeeze %dma_start3A_186 : memref<1x128x128xf32, #tpu.memory_space<vmem>> -> memref<128x128xf32, #tpu.memory_space<vmem>>
      %dma_start3A_188 = arith.constant 0 : i32
      %dma_start3A_189 = tpu.memref_slice %arg7[%min3A_182, %dma_start3A_188] : memref<40x128xi32, #tpu.memory_space<vmem>> -> memref<1x128xi32, #tpu.memory_space<vmem>>
      %dma_start3A_190 = tpu.memref_squeeze %dma_start3A_189 : memref<1x128xi32, #tpu.memory_space<vmem>> -> memref<128xi32, #tpu.memory_space<vmem>>
      %dma_start3A_191 = arith.constant 0 : i32
      %dma_start3A_192 = arith.constant 0 : i32
      %dma_start3A_193 = tpu.memref_slice %arg2[%dma_start3A_191, %dma_start3A_192] : memref<10000x128xf32, #tpu.memory_space<hbm>> -> memref<10000x128xf32, #tpu.memory_space<hbm>>
      tpu.enqueue_indirect_dma source(%dma_start3A_193 : memref<10000x128xf32, #tpu.memory_space<hbm>>) target(%dma_start3A_187 : memref<128x128xf32, #tpu.memory_space<vmem>>) offsets(%dma_start3A_190 : memref<128xi32, #tpu.memory_space<vmem>>) semaphore(%arg11 : memref<!tpu.dma_semaphore, #tpu.memory_space<semaphore_mem>>)
    }
    %scan3A_89 = arith.constant 20 : i32
    %dma_wait3A_90 = arith.constant 0 : i32
    %dma_wait3A_91 = arith.constant 0 : i32
    %dma_wait3A_92 = arith.constant 0 : i32
    %dma_wait3A_93 = tpu.memref_slice %arg9[%dma_wait3A_90, %dma_wait3A_91, %dma_wait3A_92] : memref<2x128x128xf32, #tpu.memory_space<vmem>> -> memref<1x128x128xf32, #tpu.memory_space<vmem>>
    %dma_wait3A_94 = tpu.memref_squeeze %dma_wait3A_93 : memref<1x128x128xf32, #tpu.memory_space<vmem>> -> memref<128x128xf32, #tpu.memory_space<vmem>>
    %dma_wait3A_95 = arith.constant 0 : i32
    %dma_wait3A_96 = arith.constant 0 : i32
    %dma_wait3A_97 = tpu.memref_slice %arg2[%dma_wait3A_95, %dma_wait3A_96] : memref<10000x128xf32, #tpu.memory_space<hbm>> -> memref<128x128xf32, #tpu.memory_space<hbm>>
    %dma_wait3A_98 = arith.constant 0 : i32
    %dma_wait3A_99 = arith.constant 0 : i32
    %dma_wait3A_100 = tpu.memref_slice %arg9[%dma_wait3A_90, %dma_wait3A_98, %dma_wait3A_99] : memref<2x128x128xf32, #tpu.memory_space<vmem>> -> memref<1x128x128xf32, #tpu.memory_space<vmem>>
    %dma_wait3A_101 = tpu.memref_squeeze %dma_wait3A_100 : memref<1x128x128xf32, #tpu.memory_space<vmem>> -> memref<128x128xf32, #tpu.memory_space<vmem>>
    %dma_wait3A_102 = arith.constant 0 : i32
    %dma_wait3A_103 = arith.constant 0 : i32
    %dma_wait3A_104 = tpu.memref_slice %arg2[%dma_wait3A_102, %dma_wait3A_103] : memref<10000x128xf32, #tpu.memory_space<hbm>> -> memref<128x128xf32, #tpu.memory_space<hbm>>
    tpu.wait_dma2 semaphore(%arg11 : memref<!tpu.dma_semaphore, #tpu.memory_space<semaphore_mem>>) src(%dma_wait3A_104 : memref<128x128xf32, #tpu.memory_space<hbm>>) dst(%dma_wait3A_101 : memref<128x128xf32, #tpu.memory_space<vmem>>)
    %dma_wait3A_105 = arith.constant 1 : i32
    %dma_wait3A_106 = arith.constant 0 : i32
    %dma_wait3A_107 = arith.constant 0 : i32
    %dma_wait3A_108 = tpu.memref_slice %arg9[%dma_wait3A_105, %dma_wait3A_106, %dma_wait3A_107] : memref<2x128x128xf32, #tpu.memory_space<vmem>> -> memref<1x128x128xf32, #tpu.memory_space<vmem>>
    %dma_wait3A_109 = tpu.memref_squeeze %dma_wait3A_108 : memref<1x128x128xf32, #tpu.memory_space<vmem>> -> memref<128x128xf32, #tpu.memory_space<vmem>>
    %dma_wait3A_110 = arith.constant 0 : i32
    %dma_wait3A_111 = arith.constant 0 : i32
    %dma_wait3A_112 = tpu.memref_slice %arg2[%dma_wait3A_110, %dma_wait3A_111] : memref<10000x128xf32, #tpu.memory_space<hbm>> -> memref<128x128xf32, #tpu.memory_space<hbm>>
    %dma_wait3A_113 = arith.constant 0 : i32
    %dma_wait3A_114 = arith.constant 0 : i32
    %dma_wait3A_115 = tpu.memref_slice %arg9[%dma_wait3A_105, %dma_wait3A_113, %dma_wait3A_114] : memref<2x128x128xf32, #tpu.memory_space<vmem>> -> memref<1x128x128xf32, #tpu.memory_space<vmem>>
    %dma_wait3A_116 = tpu.memref_squeeze %dma_wait3A_115 : memref<1x128x128xf32, #tpu.memory_space<vmem>> -> memref<128x128xf32, #tpu.memory_space<vmem>>
    %dma_wait3A_117 = arith.constant 0 : i32
    %dma_wait3A_118 = arith.constant 0 : i32
    %dma_wait3A_119 = tpu.memref_slice %arg2[%dma_wait3A_117, %dma_wait3A_118] : memref<10000x128xf32, #tpu.memory_space<hbm>> -> memref<128x128xf32, #tpu.memory_space<hbm>>
    tpu.wait_dma2 semaphore(%arg11 : memref<!tpu.dma_semaphore, #tpu.memory_space<semaphore_mem>>) src(%dma_wait3A_119 : memref<128x128xf32, #tpu.memory_space<hbm>>) dst(%dma_wait3A_116 : memref<128x128xf32, #tpu.memory_space<vmem>>)
    %barrier3A_120 = arith.constant 0 : index
    tpu.barrier barrier_id(%barrier3A_120)
    %mul3A_121 = arith.constant 632 : i32
    %mul3A_122 = arith.muli %arg1, %mul3A_121 : i32
    %mul3A_123 = arith.constant 632 : i32
    %mul3A_124 = arith.muli %arg1, %mul3A_123 : i32
    "tpu.region"() ({
      %run_scoped3A = tpu.sem_alloc : memref<!tpu.dma_semaphore, #tpu.memory_space<semaphore_mem>>
      %dma_start3A_125 = arith.constant 0 : i32
      %dma_start3A_126 = arith.constant 0 : i32
      %dma_start3A_127 = tpu.memref_slice %arg6[%arg0, %dma_start3A_125, %dma_start3A_126] : memref<2x10112x128xf32, #tpu.memory_space<hbm>> -> memref<1x10112x128xf32, #tpu.memory_space<hbm>>
      %dma_start3A_128 = tpu.memref_squeeze %dma_start3A_127 : memref<1x10112x128xf32, #tpu.memory_space<hbm>> -> memref<10112x128xf32, #tpu.memory_space<hbm>>
      %dma_start3A_129 = arith.constant 0 : i32
      %dma_start3A_130 = tpu.memref_slice %dma_start3A_128[%mul3A_124, %dma_start3A_129] : memref<10112x128xf32, #tpu.memory_space<hbm>> -> memref<632x128xf32, #tpu.memory_space<hbm>>
      %dma_start3A_131 = arith.constant 0 : i32
      %dma_start3A_132 = tpu.memref_slice %arg10[%mul3A_122, %dma_start3A_131] : memref<10112x128xf32, #tpu.memory_space<vmem_shared>> -> memref<632x128xf32, #tpu.memory_space<vmem_shared>>
      tpu.enqueue_dma source(%dma_start3A_132 : memref<632x128xf32, #tpu.memory_space<vmem_shared>>) target(%dma_start3A_130 : memref<632x128xf32, #tpu.memory_space<hbm>>) target_semaphore(%run_scoped3A : memref<!tpu.dma_semaphore, #tpu.memory_space<semaphore_mem>>)
      %dma_wait3A_133 = arith.constant 0 : i32
      %dma_wait3A_134 = arith.constant 0 : i32
      %dma_wait3A_135 = tpu.memref_slice %arg6[%arg0, %dma_wait3A_133, %dma_wait3A_134] : memref<2x10112x128xf32, #tpu.memory_space<hbm>> -> memref<1x10112x128xf32, #tpu.memory_space<hbm>>
      %dma_wait3A_136 = tpu.memref_squeeze %dma_wait3A_135 : memref<1x10112x128xf32, #tpu.memory_space<hbm>> -> memref<10112x128xf32, #tpu.memory_space<hbm>>
      %dma_wait3A_137 = arith.constant 0 : i32
      %dma_wait3A_138 = tpu.memref_slice %dma_wait3A_136[%mul3A_124, %dma_wait3A_137] : memref<10112x128xf32, #tpu.memory_space<hbm>> -> memref<632x128xf32, #tpu.memory_space<hbm>>
      %dma_wait3A_139 = arith.constant 0 : i32
      %dma_wait3A_140 = tpu.memref_slice %arg10[%mul3A_122, %dma_wait3A_139] : memref<10112x128xf32, #tpu.memory_space<vmem_shared>> -> memref<632x128xf32, #tpu.memory_space<vmem_shared>>
      tpu.wait_dma2 semaphore(%run_scoped3A : memref<!tpu.dma_semaphore, #tpu.memory_space<semaphore_mem>>) src(%dma_wait3A_140 : memref<632x128xf32, #tpu.memory_space<vmem_shared>>) dst(%dma_wait3A_138 : memref<632x128xf32, #tpu.memory_space<hbm>>)
      tpu.yield
    }) : () -> ()
    return
  }
}

#map = affine_map<(d0, d1) -> (0, 0)>
#map1 = affine_map<(d0, d1) -> (0, 0, 0)>
module attributes {stable_mosaic.version = 14 : i64} {
  func.func @_agg_kernel(%arg0: i32, %arg1: i32, %arg2: memref<10000x128xf32, #tpu.memory_space<hbm>>, %arg3: memref<32x80x128xi32, #tpu.memory_space<hbm>>, %arg4: memref<32x80x128xi32, #tpu.memory_space<hbm>>, %arg5: memref<632x128xf32, #tpu.memory_space<hbm>>, %arg6: memref<2x10112x128xf32, #tpu.memory_space<hbm>>, %arg7: memref<40x128xi32, #tpu.memory_space<vmem>>, %arg8: memref<40x128xi32, #tpu.memory_space<vmem>>, %arg9: memref<2x128x128xf32, #tpu.memory_space<vmem>>, %arg10: memref<10112x128xf32, #tpu.memory_space<vmem_shared>>, %arg11: memref<!tpu.dma_semaphore, #tpu.memory_space<semaphore_mem>>) attributes {dimension_semantics = [#tpu.dimension_semantics<core_parallel>, #tpu.dimension_semantics<subcore_parallel>], iteration_bounds = array<i64: 2, 16>, scalar_prefetch = 0 : i64, scratch_operands = 5 : i64, tpu.core_type = #tpu.core_type<sc_vector_subcore>, window_params = [{transform_indices = #map}, {transform_indices = #map1}, {transform_indices = #map1}, {transform_indices = #map}, {transform_indices = #map1}]} {
    %mul3A = arith.constant 16 : i32
    %mul3A_0 = arith.muli %arg0, %mul3A : i32
    %add3A = arith.addi %mul3A_0, %arg1 : i32
    %mul3A_1 = arith.constant 632 : i32
    %mul3A_2 = arith.muli %arg1, %mul3A_1 : i32
    "tpu.region"() ({
      %run_scoped3A = tpu.sem_alloc : memref<!tpu.dma_semaphore, #tpu.memory_space<semaphore_mem>>
      %dma_start3A_125 = arith.constant 0 : i32
      %dma_start3A_126 = tpu.memref_slice %arg10[%mul3A_2, %dma_start3A_125] : memref<10112x128xf32, #tpu.memory_space<vmem_shared>> -> memref<632x128xf32, #tpu.memory_space<vmem_shared>>
      tpu.enqueue_dma source(%arg5 : memref<632x128xf32, #tpu.memory_space<hbm>>) target(%dma_start3A_126 : memref<632x128xf32, #tpu.memory_space<vmem_shared>>) target_semaphore(%run_scoped3A : memref<!tpu.dma_semaphore, #tpu.memory_space<semaphore_mem>>)
      %dma_wait3A_127 = arith.constant 0 : i32
      %dma_wait3A_128 = tpu.memref_slice %arg10[%mul3A_2, %dma_wait3A_127] : memref<10112x128xf32, #tpu.memory_space<vmem_shared>> -> memref<632x128xf32, #tpu.memory_space<vmem_shared>>
      tpu.wait_dma2 semaphore(%run_scoped3A : memref<!tpu.dma_semaphore, #tpu.memory_space<semaphore_mem>>) src(%arg5 : memref<632x128xf32, #tpu.memory_space<hbm>>) dst(%dma_wait3A_128 : memref<632x128xf32, #tpu.memory_space<vmem_shared>>)
      tpu.yield
    }) : () -> ()
    %barrier3A = arith.constant 0 : index
    tpu.barrier barrier_id(%barrier3A)
    "tpu.region"() ({
      %run_scoped3A = tpu.sem_alloc : memref<!tpu.dma_semaphore, #tpu.memory_space<semaphore_mem>>
      %dma_start3A_125 = arith.constant 0 : i32
      %dma_start3A_126 = arith.constant 0 : i32
      %dma_start3A_127 = tpu.memref_slice %arg3[%add3A, %dma_start3A_125, %dma_start3A_126] : memref<32x80x128xi32, #tpu.memory_space<hbm>> -> memref<1x80x128xi32, #tpu.memory_space<hbm>>
      %dma_start3A_128 = tpu.memref_squeeze %dma_start3A_127 : memref<1x80x128xi32, #tpu.memory_space<hbm>> -> memref<80x128xi32, #tpu.memory_space<hbm>>
      %dma_start3A_129 = arith.constant 0 : i32
      %dma_start3A_130 = arith.constant 0 : i32
      %dma_start3A_131 = tpu.memref_slice %dma_start3A_128[%dma_start3A_129, %dma_start3A_130] : memref<80x128xi32, #tpu.memory_space<hbm>> -> memref<40x128xi32, #tpu.memory_space<hbm>>
      %dma_start3A_132 = arith.constant 0 : i32
      %dma_start3A_133 = arith.constant 0 : i32
      %dma_start3A_134 = tpu.memref_slice %arg3[%add3A, %dma_start3A_132, %dma_start3A_133] : memref<32x80x128xi32, #tpu.memory_space<hbm>> -> memref<1x80x128xi32, #tpu.memory_space<hbm>>
      %dma_start3A_135 = tpu.memref_squeeze %dma_start3A_134 : memref<1x80x128xi32, #tpu.memory_space<hbm>> -> memref<80x128xi32, #tpu.memory_space<hbm>>
      %dma_start3A_136 = arith.constant 0 : i32
      %dma_start3A_137 = arith.constant 0 : i32
      %dma_start3A_138 = tpu.memref_slice %dma_start3A_135[%dma_start3A_136, %dma_start3A_137] : memref<80x128xi32, #tpu.memory_space<hbm>> -> memref<40x128xi32, #tpu.memory_space<hbm>>
      tpu.enqueue_dma source(%dma_start3A_138 : memref<40x128xi32, #tpu.memory_space<hbm>>) target(%arg7 : memref<40x128xi32, #tpu.memory_space<vmem>>) target_semaphore(%run_scoped3A : memref<!tpu.dma_semaphore, #tpu.memory_space<semaphore_mem>>)
      %dma_wait3A_139 = arith.constant 0 : i32
      %dma_wait3A_140 = arith.constant 0 : i32
      %dma_wait3A_141 = tpu.memref_slice %arg3[%add3A, %dma_wait3A_139, %dma_wait3A_140] : memref<32x80x128xi32, #tpu.memory_space<hbm>> -> memref<1x80x128xi32, #tpu.memory_space<hbm>>
      %dma_wait3A_142 = tpu.memref_squeeze %dma_wait3A_141 : memref<1x80x128xi32, #tpu.memory_space<hbm>> -> memref<80x128xi32, #tpu.memory_space<hbm>>
      %dma_wait3A_143 = arith.constant 0 : i32
      %dma_wait3A_144 = arith.constant 0 : i32
      %dma_wait3A_145 = tpu.memref_slice %dma_wait3A_142[%dma_wait3A_143, %dma_wait3A_144] : memref<80x128xi32, #tpu.memory_space<hbm>> -> memref<40x128xi32, #tpu.memory_space<hbm>>
      %dma_wait3A_146 = arith.constant 0 : i32
      %dma_wait3A_147 = arith.constant 0 : i32
      %dma_wait3A_148 = tpu.memref_slice %arg3[%add3A, %dma_wait3A_146, %dma_wait3A_147] : memref<32x80x128xi32, #tpu.memory_space<hbm>> -> memref<1x80x128xi32, #tpu.memory_space<hbm>>
      %dma_wait3A_149 = tpu.memref_squeeze %dma_wait3A_148 : memref<1x80x128xi32, #tpu.memory_space<hbm>> -> memref<80x128xi32, #tpu.memory_space<hbm>>
      %dma_wait3A_150 = arith.constant 0 : i32
      %dma_wait3A_151 = arith.constant 0 : i32
      %dma_wait3A_152 = tpu.memref_slice %dma_wait3A_149[%dma_wait3A_150, %dma_wait3A_151] : memref<80x128xi32, #tpu.memory_space<hbm>> -> memref<40x128xi32, #tpu.memory_space<hbm>>
      tpu.wait_dma2 semaphore(%run_scoped3A : memref<!tpu.dma_semaphore, #tpu.memory_space<semaphore_mem>>) src(%dma_wait3A_152 : memref<40x128xi32, #tpu.memory_space<hbm>>) dst(%arg7 : memref<40x128xi32, #tpu.memory_space<vmem>>)
      tpu.yield
    }) : () -> ()
    "tpu.region"() ({
      %run_scoped3A = tpu.sem_alloc : memref<!tpu.dma_semaphore, #tpu.memory_space<semaphore_mem>>
      %dma_start3A_125 = arith.constant 0 : i32
      %dma_start3A_126 = arith.constant 0 : i32
      %dma_start3A_127 = tpu.memref_slice %arg4[%add3A, %dma_start3A_125, %dma_start3A_126] : memref<32x80x128xi32, #tpu.memory_space<hbm>> -> memref<1x80x128xi32, #tpu.memory_space<hbm>>
      %dma_start3A_128 = tpu.memref_squeeze %dma_start3A_127 : memref<1x80x128xi32, #tpu.memory_space<hbm>> -> memref<80x128xi32, #tpu.memory_space<hbm>>
      %dma_start3A_129 = arith.constant 0 : i32
      %dma_start3A_130 = arith.constant 0 : i32
      %dma_start3A_131 = tpu.memref_slice %dma_start3A_128[%dma_start3A_129, %dma_start3A_130] : memref<80x128xi32, #tpu.memory_space<hbm>> -> memref<40x128xi32, #tpu.memory_space<hbm>>
      %dma_start3A_132 = arith.constant 0 : i32
      %dma_start3A_133 = arith.constant 0 : i32
      %dma_start3A_134 = tpu.memref_slice %arg4[%add3A, %dma_start3A_132, %dma_start3A_133] : memref<32x80x128xi32, #tpu.memory_space<hbm>> -> memref<1x80x128xi32, #tpu.memory_space<hbm>>
      %dma_start3A_135 = tpu.memref_squeeze %dma_start3A_134 : memref<1x80x128xi32, #tpu.memory_space<hbm>> -> memref<80x128xi32, #tpu.memory_space<hbm>>
      %dma_start3A_136 = arith.constant 0 : i32
      %dma_start3A_137 = arith.constant 0 : i32
      %dma_start3A_138 = tpu.memref_slice %dma_start3A_135[%dma_start3A_136, %dma_start3A_137] : memref<80x128xi32, #tpu.memory_space<hbm>> -> memref<40x128xi32, #tpu.memory_space<hbm>>
      tpu.enqueue_dma source(%dma_start3A_138 : memref<40x128xi32, #tpu.memory_space<hbm>>) target(%arg8 : memref<40x128xi32, #tpu.memory_space<vmem>>) target_semaphore(%run_scoped3A : memref<!tpu.dma_semaphore, #tpu.memory_space<semaphore_mem>>)
      %dma_wait3A_139 = arith.constant 0 : i32
      %dma_wait3A_140 = arith.constant 0 : i32
      %dma_wait3A_141 = tpu.memref_slice %arg4[%add3A, %dma_wait3A_139, %dma_wait3A_140] : memref<32x80x128xi32, #tpu.memory_space<hbm>> -> memref<1x80x128xi32, #tpu.memory_space<hbm>>
      %dma_wait3A_142 = tpu.memref_squeeze %dma_wait3A_141 : memref<1x80x128xi32, #tpu.memory_space<hbm>> -> memref<80x128xi32, #tpu.memory_space<hbm>>
      %dma_wait3A_143 = arith.constant 0 : i32
      %dma_wait3A_144 = arith.constant 0 : i32
      %dma_wait3A_145 = tpu.memref_slice %dma_wait3A_142[%dma_wait3A_143, %dma_wait3A_144] : memref<80x128xi32, #tpu.memory_space<hbm>> -> memref<40x128xi32, #tpu.memory_space<hbm>>
      %dma_wait3A_146 = arith.constant 0 : i32
      %dma_wait3A_147 = arith.constant 0 : i32
      %dma_wait3A_148 = tpu.memref_slice %arg4[%add3A, %dma_wait3A_146, %dma_wait3A_147] : memref<32x80x128xi32, #tpu.memory_space<hbm>> -> memref<1x80x128xi32, #tpu.memory_space<hbm>>
      %dma_wait3A_149 = tpu.memref_squeeze %dma_wait3A_148 : memref<1x80x128xi32, #tpu.memory_space<hbm>> -> memref<80x128xi32, #tpu.memory_space<hbm>>
      %dma_wait3A_150 = arith.constant 0 : i32
      %dma_wait3A_151 = arith.constant 0 : i32
      %dma_wait3A_152 = tpu.memref_slice %dma_wait3A_149[%dma_wait3A_150, %dma_wait3A_151] : memref<80x128xi32, #tpu.memory_space<hbm>> -> memref<40x128xi32, #tpu.memory_space<hbm>>
      tpu.wait_dma2 semaphore(%run_scoped3A : memref<!tpu.dma_semaphore, #tpu.memory_space<semaphore_mem>>) src(%dma_wait3A_152 : memref<40x128xi32, #tpu.memory_space<hbm>>) dst(%arg8 : memref<40x128xi32, #tpu.memory_space<vmem>>)
      tpu.yield
    }) : () -> ()
    %dma_start3A = arith.constant 0 : i32
    %dma_start3A_3 = arith.constant 0 : i32
    %dma_start3A_4 = arith.constant 0 : i32
    %dma_start3A_5 = arith.constant 0 : i32
    %dma_start3A_6 = tpu.memref_slice %arg9[%dma_start3A_3, %dma_start3A_4, %dma_start3A_5] : memref<2x128x128xf32, #tpu.memory_space<vmem>> -> memref<1x128x128xf32, #tpu.memory_space<vmem>>
    %dma_start3A_7 = tpu.memref_squeeze %dma_start3A_6 : memref<1x128x128xf32, #tpu.memory_space<vmem>> -> memref<128x128xf32, #tpu.memory_space<vmem>>
    %dma_start3A_8 = arith.constant 0 : i32
    %dma_start3A_9 = tpu.memref_slice %arg7[%dma_start3A, %dma_start3A_8] : memref<40x128xi32, #tpu.memory_space<vmem>> -> memref<1x128xi32, #tpu.memory_space<vmem>>
    %dma_start3A_10 = tpu.memref_squeeze %dma_start3A_9 : memref<1x128xi32, #tpu.memory_space<vmem>> -> memref<128xi32, #tpu.memory_space<vmem>>
    %dma_start3A_11 = arith.constant 0 : i32
    %dma_start3A_12 = arith.constant 0 : i32
    %dma_start3A_13 = tpu.memref_slice %arg2[%dma_start3A_11, %dma_start3A_12] : memref<10000x128xf32, #tpu.memory_space<hbm>> -> memref<10000x128xf32, #tpu.memory_space<hbm>>
    tpu.enqueue_indirect_dma source(%dma_start3A_13 : memref<10000x128xf32, #tpu.memory_space<hbm>>) target(%dma_start3A_7 : memref<128x128xf32, #tpu.memory_space<vmem>>) offsets(%dma_start3A_10 : memref<128xi32, #tpu.memory_space<vmem>>) semaphore(%arg11 : memref<!tpu.dma_semaphore, #tpu.memory_space<semaphore_mem>>)
    %dma_start3A_14 = arith.constant 1 : i32
    %dma_start3A_15 = arith.constant 1 : i32
    %dma_start3A_16 = arith.constant 0 : i32
    %dma_start3A_17 = arith.constant 0 : i32
    %dma_start3A_18 = tpu.memref_slice %arg9[%dma_start3A_15, %dma_start3A_16, %dma_start3A_17] : memref<2x128x128xf32, #tpu.memory_space<vmem>> -> memref<1x128x128xf32, #tpu.memory_space<vmem>>
    %dma_start3A_19 = tpu.memref_squeeze %dma_start3A_18 : memref<1x128x128xf32, #tpu.memory_space<vmem>> -> memref<128x128xf32, #tpu.memory_space<vmem>>
    %dma_start3A_20 = arith.constant 0 : i32
    %dma_start3A_21 = tpu.memref_slice %arg7[%dma_start3A_14, %dma_start3A_20] : memref<40x128xi32, #tpu.memory_space<vmem>> -> memref<1x128xi32, #tpu.memory_space<vmem>>
    %dma_start3A_22 = tpu.memref_squeeze %dma_start3A_21 : memref<1x128xi32, #tpu.memory_space<vmem>> -> memref<128xi32, #tpu.memory_space<vmem>>
    %dma_start3A_23 = arith.constant 0 : i32
    %dma_start3A_24 = arith.constant 0 : i32
    %dma_start3A_25 = tpu.memref_slice %arg2[%dma_start3A_23, %dma_start3A_24] : memref<10000x128xf32, #tpu.memory_space<hbm>> -> memref<10000x128xf32, #tpu.memory_space<hbm>>
    tpu.enqueue_indirect_dma source(%dma_start3A_25 : memref<10000x128xf32, #tpu.memory_space<hbm>>) target(%dma_start3A_19 : memref<128x128xf32, #tpu.memory_space<vmem>>) offsets(%dma_start3A_22 : memref<128xi32, #tpu.memory_space<vmem>>) semaphore(%arg11 : memref<!tpu.dma_semaphore, #tpu.memory_space<semaphore_mem>>)
    %scan3A = arith.constant 0 : i32
    %scan3A_26 = arith.constant 0 : i32
    %scan3A_27 = arith.constant 20 : i32
    %scan3A_28 = arith.addi %scan3A_26, %scan3A_27 : i32
    %scan3A_29 = arith.constant 1 : i32
    scf.for %scan3A_125 = %scan3A_26 to %scan3A_28 step %scan3A_29  : i32 {
      %mul3A_126 = arith.constant 2 : i32
      %mul3A_127 = arith.muli %mul3A_126, %scan3A_125 : i32
      %add3A_128 = arith.constant 0 : i32
      %add3A_129 = arith.addi %mul3A_127, %add3A_128 : i32
      %dma_wait3A_130 = arith.constant 0 : i32
      %dma_wait3A_131 = arith.constant 0 : i32
      %dma_wait3A_132 = arith.constant 0 : i32
      %dma_wait3A_133 = tpu.memref_slice %arg9[%dma_wait3A_130, %dma_wait3A_131, %dma_wait3A_132] : memref<2x128x128xf32, #tpu.memory_space<vmem>> -> memref<1x128x128xf32, #tpu.memory_space<vmem>>
      %dma_wait3A_134 = tpu.memref_squeeze %dma_wait3A_133 : memref<1x128x128xf32, #tpu.memory_space<vmem>> -> memref<128x128xf32, #tpu.memory_space<vmem>>
      %dma_wait3A_135 = arith.constant 0 : i32
      %dma_wait3A_136 = arith.constant 0 : i32
      %dma_wait3A_137 = tpu.memref_slice %arg2[%dma_wait3A_135, %dma_wait3A_136] : memref<10000x128xf32, #tpu.memory_space<hbm>> -> memref<128x128xf32, #tpu.memory_space<hbm>>
      %dma_wait3A_138 = arith.constant 0 : i32
      %dma_wait3A_139 = arith.constant 0 : i32
      %dma_wait3A_140 = tpu.memref_slice %arg9[%dma_wait3A_130, %dma_wait3A_138, %dma_wait3A_139] : memref<2x128x128xf32, #tpu.memory_space<vmem>> -> memref<1x128x128xf32, #tpu.memory_space<vmem>>
      %dma_wait3A_141 = tpu.memref_squeeze %dma_wait3A_140 : memref<1x128x128xf32, #tpu.memory_space<vmem>> -> memref<128x128xf32, #tpu.memory_space<vmem>>
      %dma_wait3A_142 = arith.constant 0 : i32
      %dma_wait3A_143 = arith.constant 0 : i32
      %dma_wait3A_144 = tpu.memref_slice %arg2[%dma_wait3A_142, %dma_wait3A_143] : memref<10000x128xf32, #tpu.memory_space<hbm>> -> memref<128x128xf32, #tpu.memory_space<hbm>>
      tpu.wait_dma2 semaphore(%arg11 : memref<!tpu.dma_semaphore, #tpu.memory_space<semaphore_mem>>) src(%dma_wait3A_144 : memref<128x128xf32, #tpu.memory_space<hbm>>) dst(%dma_wait3A_141 : memref<128x128xf32, #tpu.memory_space<vmem>>)
      %run_scoped3A = arith.constant 0 : i32
      "tpu.region"() ({
        %run_scoped3A_194 = tpu.sem_alloc : memref<!tpu.dma_semaphore, #tpu.memory_space<semaphore_mem>>
        %dma_start3A_195 = arith.constant 0 : i32
        %dma_start3A_196 = arith.constant 0 : i32
        %dma_start3A_197 = tpu.memref_slice %arg9[%run_scoped3A, %dma_start3A_195, %dma_start3A_196] : memref<2x128x128xf32, #tpu.memory_space<vmem>> -> memref<1x128x128xf32, #tpu.memory_space<vmem>>
        %dma_start3A_198 = tpu.memref_squeeze %dma_start3A_197 : memref<1x128x128xf32, #tpu.memory_space<vmem>> -> memref<128x128xf32, #tpu.memory_space<vmem>>
        %dma_start3A_199 = arith.constant 0 : i32
        %dma_start3A_200 = tpu.memref_slice %arg8[%add3A_129, %dma_start3A_199] : memref<40x128xi32, #tpu.memory_space<vmem>> -> memref<1x128xi32, #tpu.memory_space<vmem>>
        %dma_start3A_201 = tpu.memref_squeeze %dma_start3A_200 : memref<1x128xi32, #tpu.memory_space<vmem>> -> memref<128xi32, #tpu.memory_space<vmem>>
        %dma_start3A_202 = arith.constant 0 : i32
        %dma_start3A_203 = arith.constant 0 : i32
        %dma_start3A_204 = tpu.memref_slice %arg10[%dma_start3A_202, %dma_start3A_203] : memref<10112x128xf32, #tpu.memory_space<vmem_shared>> -> memref<10112x128xf32, #tpu.memory_space<vmem_shared>>
        tpu.enqueue_indirect_dma source(%dma_start3A_198 : memref<128x128xf32, #tpu.memory_space<vmem>>) target(%dma_start3A_204 : memref<10112x128xf32, #tpu.memory_space<vmem_shared>>) offsets(%dma_start3A_201 : memref<128xi32, #tpu.memory_space<vmem>>) semaphore(%run_scoped3A_194 : memref<!tpu.dma_semaphore, #tpu.memory_space<semaphore_mem>>) {add = true}
        %dma_wait3A_205 = arith.constant 0 : i32
        %dma_wait3A_206 = arith.constant 0 : i32
        %dma_wait3A_207 = tpu.memref_slice %arg9[%run_scoped3A, %dma_wait3A_205, %dma_wait3A_206] : memref<2x128x128xf32, #tpu.memory_space<vmem>> -> memref<1x128x128xf32, #tpu.memory_space<vmem>>
        %dma_wait3A_208 = tpu.memref_squeeze %dma_wait3A_207 : memref<1x128x128xf32, #tpu.memory_space<vmem>> -> memref<128x128xf32, #tpu.memory_space<vmem>>
        %dma_wait3A_209 = arith.constant 0 : i32
        %dma_wait3A_210 = tpu.memref_slice %arg8[%add3A_129, %dma_wait3A_209] : memref<40x128xi32, #tpu.memory_space<vmem>> -> memref<1x128xi32, #tpu.memory_space<vmem>>
        %dma_wait3A_211 = tpu.memref_squeeze %dma_wait3A_210 : memref<1x128xi32, #tpu.memory_space<vmem>> -> memref<128xi32, #tpu.memory_space<vmem>>
        %dma_wait3A_212 = arith.constant 0 : i32
        %dma_wait3A_213 = arith.constant 0 : i32
        %dma_wait3A_214 = tpu.memref_slice %arg10[%dma_wait3A_212, %dma_wait3A_213] : memref<10112x128xf32, #tpu.memory_space<vmem_shared>> -> memref<10112x128xf32, #tpu.memory_space<vmem_shared>>
        tpu.wait_indirect_dma semaphore(%run_scoped3A_194 : memref<!tpu.dma_semaphore, #tpu.memory_space<semaphore_mem>>) src(%dma_wait3A_208 : memref<128x128xf32, #tpu.memory_space<vmem>>) dst(%dma_wait3A_214 : memref<10112x128xf32, #tpu.memory_space<vmem_shared>>)
        tpu.yield
      }) : () -> ()
      %add3A_145 = arith.constant 2 : i32
      %add3A_146 = arith.addi %add3A_129, %add3A_145 : i32
      %min3A = arith.constant 39 : i32
      %min3A_147 = arith.minsi %add3A_146, %min3A : i32
      %dma_start3A_148 = arith.constant 0 : i32
      %dma_start3A_149 = arith.constant 0 : i32
      %dma_start3A_150 = arith.constant 0 : i32
      %dma_start3A_151 = tpu.memref_slice %arg9[%dma_start3A_148, %dma_start3A_149, %dma_start3A_150] : memref<2x128x128xf32, #tpu.memory_space<vmem>> -> memref<1x128x128xf32, #tpu.memory_space<vmem>>
      %dma_start3A_152 = tpu.memref_squeeze %dma_start3A_151 : memref<1x128x128xf32, #tpu.memory_space<vmem>> -> memref<128x128xf32, #tpu.memory_space<vmem>>
      %dma_start3A_153 = arith.constant 0 : i32
      %dma_start3A_154 = tpu.memref_slice %arg7[%min3A_147, %dma_start3A_153] : memref<40x128xi32, #tpu.memory_space<vmem>> -> memref<1x128xi32, #tpu.memory_space<vmem>>
      %dma_start3A_155 = tpu.memref_squeeze %dma_start3A_154 : memref<1x128xi32, #tpu.memory_space<vmem>> -> memref<128xi32, #tpu.memory_space<vmem>>
      %dma_start3A_156 = arith.constant 0 : i32
      %dma_start3A_157 = arith.constant 0 : i32
      %dma_start3A_158 = tpu.memref_slice %arg2[%dma_start3A_156, %dma_start3A_157] : memref<10000x128xf32, #tpu.memory_space<hbm>> -> memref<10000x128xf32, #tpu.memory_space<hbm>>
      tpu.enqueue_indirect_dma source(%dma_start3A_158 : memref<10000x128xf32, #tpu.memory_space<hbm>>) target(%dma_start3A_152 : memref<128x128xf32, #tpu.memory_space<vmem>>) offsets(%dma_start3A_155 : memref<128xi32, #tpu.memory_space<vmem>>) semaphore(%arg11 : memref<!tpu.dma_semaphore, #tpu.memory_space<semaphore_mem>>)
      %mul3A_159 = arith.constant 2 : i32
      %mul3A_160 = arith.muli %mul3A_159, %scan3A_125 : i32
      %add3A_161 = arith.constant 1 : i32
      %add3A_162 = arith.addi %mul3A_160, %add3A_161 : i32
      %dma_wait3A_163 = arith.constant 1 : i32
      %dma_wait3A_164 = arith.constant 0 : i32
      %dma_wait3A_165 = arith.constant 0 : i32
      %dma_wait3A_166 = tpu.memref_slice %arg9[%dma_wait3A_163, %dma_wait3A_164, %dma_wait3A_165] : memref<2x128x128xf32, #tpu.memory_space<vmem>> -> memref<1x128x128xf32, #tpu.memory_space<vmem>>
      %dma_wait3A_167 = tpu.memref_squeeze %dma_wait3A_166 : memref<1x128x128xf32, #tpu.memory_space<vmem>> -> memref<128x128xf32, #tpu.memory_space<vmem>>
      %dma_wait3A_168 = arith.constant 0 : i32
      %dma_wait3A_169 = arith.constant 0 : i32
      %dma_wait3A_170 = tpu.memref_slice %arg2[%dma_wait3A_168, %dma_wait3A_169] : memref<10000x128xf32, #tpu.memory_space<hbm>> -> memref<128x128xf32, #tpu.memory_space<hbm>>
      %dma_wait3A_171 = arith.constant 0 : i32
      %dma_wait3A_172 = arith.constant 0 : i32
      %dma_wait3A_173 = tpu.memref_slice %arg9[%dma_wait3A_163, %dma_wait3A_171, %dma_wait3A_172] : memref<2x128x128xf32, #tpu.memory_space<vmem>> -> memref<1x128x128xf32, #tpu.memory_space<vmem>>
      %dma_wait3A_174 = tpu.memref_squeeze %dma_wait3A_173 : memref<1x128x128xf32, #tpu.memory_space<vmem>> -> memref<128x128xf32, #tpu.memory_space<vmem>>
      %dma_wait3A_175 = arith.constant 0 : i32
      %dma_wait3A_176 = arith.constant 0 : i32
      %dma_wait3A_177 = tpu.memref_slice %arg2[%dma_wait3A_175, %dma_wait3A_176] : memref<10000x128xf32, #tpu.memory_space<hbm>> -> memref<128x128xf32, #tpu.memory_space<hbm>>
      tpu.wait_dma2 semaphore(%arg11 : memref<!tpu.dma_semaphore, #tpu.memory_space<semaphore_mem>>) src(%dma_wait3A_177 : memref<128x128xf32, #tpu.memory_space<hbm>>) dst(%dma_wait3A_174 : memref<128x128xf32, #tpu.memory_space<vmem>>)
      %run_scoped3A_178 = arith.constant 1 : i32
      "tpu.region"() ({
        %run_scoped3A_194 = tpu.sem_alloc : memref<!tpu.dma_semaphore, #tpu.memory_space<semaphore_mem>>
        %dma_start3A_195 = arith.constant 0 : i32
        %dma_start3A_196 = arith.constant 0 : i32
        %dma_start3A_197 = tpu.memref_slice %arg9[%run_scoped3A_178, %dma_start3A_195, %dma_start3A_196] : memref<2x128x128xf32, #tpu.memory_space<vmem>> -> memref<1x128x128xf32, #tpu.memory_space<vmem>>
        %dma_start3A_198 = tpu.memref_squeeze %dma_start3A_197 : memref<1x128x128xf32, #tpu.memory_space<vmem>> -> memref<128x128xf32, #tpu.memory_space<vmem>>
        %dma_start3A_199 = arith.constant 0 : i32
        %dma_start3A_200 = tpu.memref_slice %arg8[%add3A_162, %dma_start3A_199] : memref<40x128xi32, #tpu.memory_space<vmem>> -> memref<1x128xi32, #tpu.memory_space<vmem>>
        %dma_start3A_201 = tpu.memref_squeeze %dma_start3A_200 : memref<1x128xi32, #tpu.memory_space<vmem>> -> memref<128xi32, #tpu.memory_space<vmem>>
        %dma_start3A_202 = arith.constant 0 : i32
        %dma_start3A_203 = arith.constant 0 : i32
        %dma_start3A_204 = tpu.memref_slice %arg10[%dma_start3A_202, %dma_start3A_203] : memref<10112x128xf32, #tpu.memory_space<vmem_shared>> -> memref<10112x128xf32, #tpu.memory_space<vmem_shared>>
        tpu.enqueue_indirect_dma source(%dma_start3A_198 : memref<128x128xf32, #tpu.memory_space<vmem>>) target(%dma_start3A_204 : memref<10112x128xf32, #tpu.memory_space<vmem_shared>>) offsets(%dma_start3A_201 : memref<128xi32, #tpu.memory_space<vmem>>) semaphore(%run_scoped3A_194 : memref<!tpu.dma_semaphore, #tpu.memory_space<semaphore_mem>>) {add = true}
        %dma_wait3A_205 = arith.constant 0 : i32
        %dma_wait3A_206 = arith.constant 0 : i32
        %dma_wait3A_207 = tpu.memref_slice %arg9[%run_scoped3A_178, %dma_wait3A_205, %dma_wait3A_206] : memref<2x128x128xf32, #tpu.memory_space<vmem>> -> memref<1x128x128xf32, #tpu.memory_space<vmem>>
        %dma_wait3A_208 = tpu.memref_squeeze %dma_wait3A_207 : memref<1x128x128xf32, #tpu.memory_space<vmem>> -> memref<128x128xf32, #tpu.memory_space<vmem>>
        %dma_wait3A_209 = arith.constant 0 : i32
        %dma_wait3A_210 = tpu.memref_slice %arg8[%add3A_162, %dma_wait3A_209] : memref<40x128xi32, #tpu.memory_space<vmem>> -> memref<1x128xi32, #tpu.memory_space<vmem>>
        %dma_wait3A_211 = tpu.memref_squeeze %dma_wait3A_210 : memref<1x128xi32, #tpu.memory_space<vmem>> -> memref<128xi32, #tpu.memory_space<vmem>>
        %dma_wait3A_212 = arith.constant 0 : i32
        %dma_wait3A_213 = arith.constant 0 : i32
        %dma_wait3A_214 = tpu.memref_slice %arg10[%dma_wait3A_212, %dma_wait3A_213] : memref<10112x128xf32, #tpu.memory_space<vmem_shared>> -> memref<10112x128xf32, #tpu.memory_space<vmem_shared>>
        tpu.wait_indirect_dma semaphore(%run_scoped3A_194 : memref<!tpu.dma_semaphore, #tpu.memory_space<semaphore_mem>>) src(%dma_wait3A_208 : memref<128x128xf32, #tpu.memory_space<vmem>>) dst(%dma_wait3A_214 : memref<10112x128xf32, #tpu.memory_space<vmem_shared>>)
        tpu.yield
      }) : () -> ()
      %add3A_179 = arith.constant 2 : i32
      %add3A_180 = arith.addi %add3A_162, %add3A_179 : i32
      %min3A_181 = arith.constant 39 : i32
      %min3A_182 = arith.minsi %add3A_180, %min3A_181 : i32
      %dma_start3A_183 = arith.constant 1 : i32
      %dma_start3A_184 = arith.constant 0 : i32
      %dma_start3A_185 = arith.constant 0 : i32
      %dma_start3A_186 = tpu.memref_slice %arg9[%dma_start3A_183, %dma_start3A_184, %dma_start3A_185] : memref<2x128x128xf32, #tpu.memory_space<vmem>> -> memref<1x128x128xf32, #tpu.memory_space<vmem>>
      %dma_start3A_187 = tpu.memref_squeeze %dma_start3A_186 : memref<1x128x128xf32, #tpu.memory_space<vmem>> -> memref<128x128xf32, #tpu.memory_space<vmem>>
      %dma_start3A_188 = arith.constant 0 : i32
      %dma_start3A_189 = tpu.memref_slice %arg7[%min3A_182, %dma_start3A_188] : memref<40x128xi32, #tpu.memory_space<vmem>> -> memref<1x128xi32, #tpu.memory_space<vmem>>
      %dma_start3A_190 = tpu.memref_squeeze %dma_start3A_189 : memref<1x128xi32, #tpu.memory_space<vmem>> -> memref<128xi32, #tpu.memory_space<vmem>>
      %dma_start3A_191 = arith.constant 0 : i32
      %dma_start3A_192 = arith.constant 0 : i32
      %dma_start3A_193 = tpu.memref_slice %arg2[%dma_start3A_191, %dma_start3A_192] : memref<10000x128xf32, #tpu.memory_space<hbm>> -> memref<10000x128xf32, #tpu.memory_space<hbm>>
      tpu.enqueue_indirect_dma source(%dma_start3A_193 : memref<10000x128xf32, #tpu.memory_space<hbm>>) target(%dma_start3A_187 : memref<128x128xf32, #tpu.memory_space<vmem>>) offsets(%dma_start3A_190 : memref<128xi32, #tpu.memory_space<vmem>>) semaphore(%arg11 : memref<!tpu.dma_semaphore, #tpu.memory_space<semaphore_mem>>)
    }
    %scan3A_30 = arith.constant 20 : i32
    %dma_wait3A = arith.constant 0 : i32
    %dma_wait3A_31 = arith.constant 0 : i32
    %dma_wait3A_32 = arith.constant 0 : i32
    %dma_wait3A_33 = tpu.memref_slice %arg9[%dma_wait3A, %dma_wait3A_31, %dma_wait3A_32] : memref<2x128x128xf32, #tpu.memory_space<vmem>> -> memref<1x128x128xf32, #tpu.memory_space<vmem>>
    %dma_wait3A_34 = tpu.memref_squeeze %dma_wait3A_33 : memref<1x128x128xf32, #tpu.memory_space<vmem>> -> memref<128x128xf32, #tpu.memory_space<vmem>>
    %dma_wait3A_35 = arith.constant 0 : i32
    %dma_wait3A_36 = arith.constant 0 : i32
    %dma_wait3A_37 = tpu.memref_slice %arg2[%dma_wait3A_35, %dma_wait3A_36] : memref<10000x128xf32, #tpu.memory_space<hbm>> -> memref<128x128xf32, #tpu.memory_space<hbm>>
    %dma_wait3A_38 = arith.constant 0 : i32
    %dma_wait3A_39 = arith.constant 0 : i32
    %dma_wait3A_40 = tpu.memref_slice %arg9[%dma_wait3A, %dma_wait3A_38, %dma_wait3A_39] : memref<2x128x128xf32, #tpu.memory_space<vmem>> -> memref<1x128x128xf32, #tpu.memory_space<vmem>>
    %dma_wait3A_41 = tpu.memref_squeeze %dma_wait3A_40 : memref<1x128x128xf32, #tpu.memory_space<vmem>> -> memref<128x128xf32, #tpu.memory_space<vmem>>
    %dma_wait3A_42 = arith.constant 0 : i32
    %dma_wait3A_43 = arith.constant 0 : i32
    %dma_wait3A_44 = tpu.memref_slice %arg2[%dma_wait3A_42, %dma_wait3A_43] : memref<10000x128xf32, #tpu.memory_space<hbm>> -> memref<128x128xf32, #tpu.memory_space<hbm>>
    tpu.wait_dma2 semaphore(%arg11 : memref<!tpu.dma_semaphore, #tpu.memory_space<semaphore_mem>>) src(%dma_wait3A_44 : memref<128x128xf32, #tpu.memory_space<hbm>>) dst(%dma_wait3A_41 : memref<128x128xf32, #tpu.memory_space<vmem>>)
    %dma_wait3A_45 = arith.constant 1 : i32
    %dma_wait3A_46 = arith.constant 0 : i32
    %dma_wait3A_47 = arith.constant 0 : i32
    %dma_wait3A_48 = tpu.memref_slice %arg9[%dma_wait3A_45, %dma_wait3A_46, %dma_wait3A_47] : memref<2x128x128xf32, #tpu.memory_space<vmem>> -> memref<1x128x128xf32, #tpu.memory_space<vmem>>
    %dma_wait3A_49 = tpu.memref_squeeze %dma_wait3A_48 : memref<1x128x128xf32, #tpu.memory_space<vmem>> -> memref<128x128xf32, #tpu.memory_space<vmem>>
    %dma_wait3A_50 = arith.constant 0 : i32
    %dma_wait3A_51 = arith.constant 0 : i32
    %dma_wait3A_52 = tpu.memref_slice %arg2[%dma_wait3A_50, %dma_wait3A_51] : memref<10000x128xf32, #tpu.memory_space<hbm>> -> memref<128x128xf32, #tpu.memory_space<hbm>>
    %dma_wait3A_53 = arith.constant 0 : i32
    %dma_wait3A_54 = arith.constant 0 : i32
    %dma_wait3A_55 = tpu.memref_slice %arg9[%dma_wait3A_45, %dma_wait3A_53, %dma_wait3A_54] : memref<2x128x128xf32, #tpu.memory_space<vmem>> -> memref<1x128x128xf32, #tpu.memory_space<vmem>>
    %dma_wait3A_56 = tpu.memref_squeeze %dma_wait3A_55 : memref<1x128x128xf32, #tpu.memory_space<vmem>> -> memref<128x128xf32, #tpu.memory_space<vmem>>
    %dma_wait3A_57 = arith.constant 0 : i32
    %dma_wait3A_58 = arith.constant 0 : i32
    %dma_wait3A_59 = tpu.memref_slice %arg2[%dma_wait3A_57, %dma_wait3A_58] : memref<10000x128xf32, #tpu.memory_space<hbm>> -> memref<128x128xf32, #tpu.memory_space<hbm>>
    tpu.wait_dma2 semaphore(%arg11 : memref<!tpu.dma_semaphore, #tpu.memory_space<semaphore_mem>>) src(%dma_wait3A_59 : memref<128x128xf32, #tpu.memory_space<hbm>>) dst(%dma_wait3A_56 : memref<128x128xf32, #tpu.memory_space<vmem>>)
    "tpu.region"() ({
      %run_scoped3A = tpu.sem_alloc : memref<!tpu.dma_semaphore, #tpu.memory_space<semaphore_mem>>
      %dma_start3A_125 = arith.constant 0 : i32
      %dma_start3A_126 = arith.constant 0 : i32
      %dma_start3A_127 = tpu.memref_slice %arg3[%add3A, %dma_start3A_125, %dma_start3A_126] : memref<32x80x128xi32, #tpu.memory_space<hbm>> -> memref<1x80x128xi32, #tpu.memory_space<hbm>>
      %dma_start3A_128 = tpu.memref_squeeze %dma_start3A_127 : memref<1x80x128xi32, #tpu.memory_space<hbm>> -> memref<80x128xi32, #tpu.memory_space<hbm>>
      %dma_start3A_129 = arith.constant 40 : i32
      %dma_start3A_130 = arith.constant 0 : i32
      %dma_start3A_131 = tpu.memref_slice %dma_start3A_128[%dma_start3A_129, %dma_start3A_130] : memref<80x128xi32, #tpu.memory_space<hbm>> -> memref<40x128xi32, #tpu.memory_space<hbm>>
      %dma_start3A_132 = arith.constant 0 : i32
      %dma_start3A_133 = arith.constant 0 : i32
      %dma_start3A_134 = tpu.memref_slice %arg3[%add3A, %dma_start3A_132, %dma_start3A_133] : memref<32x80x128xi32, #tpu.memory_space<hbm>> -> memref<1x80x128xi32, #tpu.memory_space<hbm>>
      %dma_start3A_135 = tpu.memref_squeeze %dma_start3A_134 : memref<1x80x128xi32, #tpu.memory_space<hbm>> -> memref<80x128xi32, #tpu.memory_space<hbm>>
      %dma_start3A_136 = arith.constant 40 : i32
      %dma_start3A_137 = arith.constant 0 : i32
      %dma_start3A_138 = tpu.memref_slice %dma_start3A_135[%dma_start3A_136, %dma_start3A_137] : memref<80x128xi32, #tpu.memory_space<hbm>> -> memref<40x128xi32, #tpu.memory_space<hbm>>
      tpu.enqueue_dma source(%dma_start3A_138 : memref<40x128xi32, #tpu.memory_space<hbm>>) target(%arg7 : memref<40x128xi32, #tpu.memory_space<vmem>>) target_semaphore(%run_scoped3A : memref<!tpu.dma_semaphore, #tpu.memory_space<semaphore_mem>>)
      %dma_wait3A_139 = arith.constant 0 : i32
      %dma_wait3A_140 = arith.constant 0 : i32
      %dma_wait3A_141 = tpu.memref_slice %arg3[%add3A, %dma_wait3A_139, %dma_wait3A_140] : memref<32x80x128xi32, #tpu.memory_space<hbm>> -> memref<1x80x128xi32, #tpu.memory_space<hbm>>
      %dma_wait3A_142 = tpu.memref_squeeze %dma_wait3A_141 : memref<1x80x128xi32, #tpu.memory_space<hbm>> -> memref<80x128xi32, #tpu.memory_space<hbm>>
      %dma_wait3A_143 = arith.constant 40 : i32
      %dma_wait3A_144 = arith.constant 0 : i32
      %dma_wait3A_145 = tpu.memref_slice %dma_wait3A_142[%dma_wait3A_143, %dma_wait3A_144] : memref<80x128xi32, #tpu.memory_space<hbm>> -> memref<40x128xi32, #tpu.memory_space<hbm>>
      %dma_wait3A_146 = arith.constant 0 : i32
      %dma_wait3A_147 = arith.constant 0 : i32
      %dma_wait3A_148 = tpu.memref_slice %arg3[%add3A, %dma_wait3A_146, %dma_wait3A_147] : memref<32x80x128xi32, #tpu.memory_space<hbm>> -> memref<1x80x128xi32, #tpu.memory_space<hbm>>
      %dma_wait3A_149 = tpu.memref_squeeze %dma_wait3A_148 : memref<1x80x128xi32, #tpu.memory_space<hbm>> -> memref<80x128xi32, #tpu.memory_space<hbm>>
      %dma_wait3A_150 = arith.constant 40 : i32
      %dma_wait3A_151 = arith.constant 0 : i32
      %dma_wait3A_152 = tpu.memref_slice %dma_wait3A_149[%dma_wait3A_150, %dma_wait3A_151] : memref<80x128xi32, #tpu.memory_space<hbm>> -> memref<40x128xi32, #tpu.memory_space<hbm>>
      tpu.wait_dma2 semaphore(%run_scoped3A : memref<!tpu.dma_semaphore, #tpu.memory_space<semaphore_mem>>) src(%dma_wait3A_152 : memref<40x128xi32, #tpu.memory_space<hbm>>) dst(%arg7 : memref<40x128xi32, #tpu.memory_space<vmem>>)
      tpu.yield
    }) : () -> ()
    "tpu.region"() ({
      %run_scoped3A = tpu.sem_alloc : memref<!tpu.dma_semaphore, #tpu.memory_space<semaphore_mem>>
      %dma_start3A_125 = arith.constant 0 : i32
      %dma_start3A_126 = arith.constant 0 : i32
      %dma_start3A_127 = tpu.memref_slice %arg4[%add3A, %dma_start3A_125, %dma_start3A_126] : memref<32x80x128xi32, #tpu.memory_space<hbm>> -> memref<1x80x128xi32, #tpu.memory_space<hbm>>
      %dma_start3A_128 = tpu.memref_squeeze %dma_start3A_127 : memref<1x80x128xi32, #tpu.memory_space<hbm>> -> memref<80x128xi32, #tpu.memory_space<hbm>>
      %dma_start3A_129 = arith.constant 40 : i32
      %dma_start3A_130 = arith.constant 0 : i32
      %dma_start3A_131 = tpu.memref_slice %dma_start3A_128[%dma_start3A_129, %dma_start3A_130] : memref<80x128xi32, #tpu.memory_space<hbm>> -> memref<40x128xi32, #tpu.memory_space<hbm>>
      %dma_start3A_132 = arith.constant 0 : i32
      %dma_start3A_133 = arith.constant 0 : i32
      %dma_start3A_134 = tpu.memref_slice %arg4[%add3A, %dma_start3A_132, %dma_start3A_133] : memref<32x80x128xi32, #tpu.memory_space<hbm>> -> memref<1x80x128xi32, #tpu.memory_space<hbm>>
      %dma_start3A_135 = tpu.memref_squeeze %dma_start3A_134 : memref<1x80x128xi32, #tpu.memory_space<hbm>> -> memref<80x128xi32, #tpu.memory_space<hbm>>
      %dma_start3A_136 = arith.constant 40 : i32
      %dma_start3A_137 = arith.constant 0 : i32
      %dma_start3A_138 = tpu.memref_slice %dma_start3A_135[%dma_start3A_136, %dma_start3A_137] : memref<80x128xi32, #tpu.memory_space<hbm>> -> memref<40x128xi32, #tpu.memory_space<hbm>>
      tpu.enqueue_dma source(%dma_start3A_138 : memref<40x128xi32, #tpu.memory_space<hbm>>) target(%arg8 : memref<40x128xi32, #tpu.memory_space<vmem>>) target_semaphore(%run_scoped3A : memref<!tpu.dma_semaphore, #tpu.memory_space<semaphore_mem>>)
      %dma_wait3A_139 = arith.constant 0 : i32
      %dma_wait3A_140 = arith.constant 0 : i32
      %dma_wait3A_141 = tpu.memref_slice %arg4[%add3A, %dma_wait3A_139, %dma_wait3A_140] : memref<32x80x128xi32, #tpu.memory_space<hbm>> -> memref<1x80x128xi32, #tpu.memory_space<hbm>>
      %dma_wait3A_142 = tpu.memref_squeeze %dma_wait3A_141 : memref<1x80x128xi32, #tpu.memory_space<hbm>> -> memref<80x128xi32, #tpu.memory_space<hbm>>
      %dma_wait3A_143 = arith.constant 40 : i32
      %dma_wait3A_144 = arith.constant 0 : i32
      %dma_wait3A_145 = tpu.memref_slice %dma_wait3A_142[%dma_wait3A_143, %dma_wait3A_144] : memref<80x128xi32, #tpu.memory_space<hbm>> -> memref<40x128xi32, #tpu.memory_space<hbm>>
      %dma_wait3A_146 = arith.constant 0 : i32
      %dma_wait3A_147 = arith.constant 0 : i32
      %dma_wait3A_148 = tpu.memref_slice %arg4[%add3A, %dma_wait3A_146, %dma_wait3A_147] : memref<32x80x128xi32, #tpu.memory_space<hbm>> -> memref<1x80x128xi32, #tpu.memory_space<hbm>>
      %dma_wait3A_149 = tpu.memref_squeeze %dma_wait3A_148 : memref<1x80x128xi32, #tpu.memory_space<hbm>> -> memref<80x128xi32, #tpu.memory_space<hbm>>
      %dma_wait3A_150 = arith.constant 40 : i32
      %dma_wait3A_151 = arith.constant 0 : i32
      %dma_wait3A_152 = tpu.memref_slice %dma_wait3A_149[%dma_wait3A_150, %dma_wait3A_151] : memref<80x128xi32, #tpu.memory_space<hbm>> -> memref<40x128xi32, #tpu.memory_space<hbm>>
      tpu.wait_dma2 semaphore(%run_scoped3A : memref<!tpu.dma_semaphore, #tpu.memory_space<semaphore_mem>>) src(%dma_wait3A_152 : memref<40x128xi32, #tpu.memory_space<hbm>>) dst(%arg8 : memref<40x128xi32, #tpu.memory_space<vmem>>)
      tpu.yield
    }) : () -> ()
    %dma_start3A_60 = arith.constant 0 : i32
    %dma_start3A_61 = arith.constant 0 : i32
    %dma_start3A_62 = arith.constant 0 : i32
    %dma_start3A_63 = arith.constant 0 : i32
    %dma_start3A_64 = tpu.memref_slice %arg9[%dma_start3A_61, %dma_start3A_62, %dma_start3A_63] : memref<2x128x128xf32, #tpu.memory_space<vmem>> -> memref<1x128x128xf32, #tpu.memory_space<vmem>>
    %dma_start3A_65 = tpu.memref_squeeze %dma_start3A_64 : memref<1x128x128xf32, #tpu.memory_space<vmem>> -> memref<128x128xf32, #tpu.memory_space<vmem>>
    %dma_start3A_66 = arith.constant 0 : i32
    %dma_start3A_67 = tpu.memref_slice %arg7[%dma_start3A_60, %dma_start3A_66] : memref<40x128xi32, #tpu.memory_space<vmem>> -> memref<1x128xi32, #tpu.memory_space<vmem>>
    %dma_start3A_68 = tpu.memref_squeeze %dma_start3A_67 : memref<1x128xi32, #tpu.memory_space<vmem>> -> memref<128xi32, #tpu.memory_space<vmem>>
    %dma_start3A_69 = arith.constant 0 : i32
    %dma_start3A_70 = arith.constant 0 : i32
    %dma_start3A_71 = tpu.memref_slice %arg2[%dma_start3A_69, %dma_start3A_70] : memref<10000x128xf32, #tpu.memory_space<hbm>> -> memref<10000x128xf32, #tpu.memory_space<hbm>>
    tpu.enqueue_indirect_dma source(%dma_start3A_71 : memref<10000x128xf32, #tpu.memory_space<hbm>>) target(%dma_start3A_65 : memref<128x128xf32, #tpu.memory_space<vmem>>) offsets(%dma_start3A_68 : memref<128xi32, #tpu.memory_space<vmem>>) semaphore(%arg11 : memref<!tpu.dma_semaphore, #tpu.memory_space<semaphore_mem>>)
    %dma_start3A_72 = arith.constant 1 : i32
    %dma_start3A_73 = arith.constant 1 : i32
    %dma_start3A_74 = arith.constant 0 : i32
    %dma_start3A_75 = arith.constant 0 : i32
    %dma_start3A_76 = tpu.memref_slice %arg9[%dma_start3A_73, %dma_start3A_74, %dma_start3A_75] : memref<2x128x128xf32, #tpu.memory_space<vmem>> -> memref<1x128x128xf32, #tpu.memory_space<vmem>>
    %dma_start3A_77 = tpu.memref_squeeze %dma_start3A_76 : memref<1x128x128xf32, #tpu.memory_space<vmem>> -> memref<128x128xf32, #tpu.memory_space<vmem>>
    %dma_start3A_78 = arith.constant 0 : i32
    %dma_start3A_79 = tpu.memref_slice %arg7[%dma_start3A_72, %dma_start3A_78] : memref<40x128xi32, #tpu.memory_space<vmem>> -> memref<1x128xi32, #tpu.memory_space<vmem>>
    %dma_start3A_80 = tpu.memref_squeeze %dma_start3A_79 : memref<1x128xi32, #tpu.memory_space<vmem>> -> memref<128xi32, #tpu.memory_space<vmem>>
    %dma_start3A_81 = arith.constant 0 : i32
    %dma_start3A_82 = arith.constant 0 : i32
    %dma_start3A_83 = tpu.memref_slice %arg2[%dma_start3A_81, %dma_start3A_82] : memref<10000x128xf32, #tpu.memory_space<hbm>> -> memref<10000x128xf32, #tpu.memory_space<hbm>>
    tpu.enqueue_indirect_dma source(%dma_start3A_83 : memref<10000x128xf32, #tpu.memory_space<hbm>>) target(%dma_start3A_77 : memref<128x128xf32, #tpu.memory_space<vmem>>) offsets(%dma_start3A_80 : memref<128xi32, #tpu.memory_space<vmem>>) semaphore(%arg11 : memref<!tpu.dma_semaphore, #tpu.memory_space<semaphore_mem>>)
    %scan3A_84 = arith.constant 0 : i32
    %scan3A_85 = arith.constant 0 : i32
    %scan3A_86 = arith.constant 20 : i32
    %scan3A_87 = arith.addi %scan3A_85, %scan3A_86 : i32
    %scan3A_88 = arith.constant 1 : i32
    scf.for %scan3A_125 = %scan3A_85 to %scan3A_87 step %scan3A_88  : i32 {
      %mul3A_126 = arith.constant 2 : i32
      %mul3A_127 = arith.muli %mul3A_126, %scan3A_125 : i32
      %add3A_128 = arith.constant 0 : i32
      %add3A_129 = arith.addi %mul3A_127, %add3A_128 : i32
      %dma_wait3A_130 = arith.constant 0 : i32
      %dma_wait3A_131 = arith.constant 0 : i32
      %dma_wait3A_132 = arith.constant 0 : i32
      %dma_wait3A_133 = tpu.memref_slice %arg9[%dma_wait3A_130, %dma_wait3A_131, %dma_wait3A_132] : memref<2x128x128xf32, #tpu.memory_space<vmem>> -> memref<1x128x128xf32, #tpu.memory_space<vmem>>
      %dma_wait3A_134 = tpu.memref_squeeze %dma_wait3A_133 : memref<1x128x128xf32, #tpu.memory_space<vmem>> -> memref<128x128xf32, #tpu.memory_space<vmem>>
      %dma_wait3A_135 = arith.constant 0 : i32
      %dma_wait3A_136 = arith.constant 0 : i32
      %dma_wait3A_137 = tpu.memref_slice %arg2[%dma_wait3A_135, %dma_wait3A_136] : memref<10000x128xf32, #tpu.memory_space<hbm>> -> memref<128x128xf32, #tpu.memory_space<hbm>>
      %dma_wait3A_138 = arith.constant 0 : i32
      %dma_wait3A_139 = arith.constant 0 : i32
      %dma_wait3A_140 = tpu.memref_slice %arg9[%dma_wait3A_130, %dma_wait3A_138, %dma_wait3A_139] : memref<2x128x128xf32, #tpu.memory_space<vmem>> -> memref<1x128x128xf32, #tpu.memory_space<vmem>>
      %dma_wait3A_141 = tpu.memref_squeeze %dma_wait3A_140 : memref<1x128x128xf32, #tpu.memory_space<vmem>> -> memref<128x128xf32, #tpu.memory_space<vmem>>
      %dma_wait3A_142 = arith.constant 0 : i32
      %dma_wait3A_143 = arith.constant 0 : i32
      %dma_wait3A_144 = tpu.memref_slice %arg2[%dma_wait3A_142, %dma_wait3A_143] : memref<10000x128xf32, #tpu.memory_space<hbm>> -> memref<128x128xf32, #tpu.memory_space<hbm>>
      tpu.wait_dma2 semaphore(%arg11 : memref<!tpu.dma_semaphore, #tpu.memory_space<semaphore_mem>>) src(%dma_wait3A_144 : memref<128x128xf32, #tpu.memory_space<hbm>>) dst(%dma_wait3A_141 : memref<128x128xf32, #tpu.memory_space<vmem>>)
      %run_scoped3A = arith.constant 0 : i32
      "tpu.region"() ({
        %run_scoped3A_194 = tpu.sem_alloc : memref<!tpu.dma_semaphore, #tpu.memory_space<semaphore_mem>>
        %dma_start3A_195 = arith.constant 0 : i32
        %dma_start3A_196 = arith.constant 0 : i32
        %dma_start3A_197 = tpu.memref_slice %arg9[%run_scoped3A, %dma_start3A_195, %dma_start3A_196] : memref<2x128x128xf32, #tpu.memory_space<vmem>> -> memref<1x128x128xf32, #tpu.memory_space<vmem>>
        %dma_start3A_198 = tpu.memref_squeeze %dma_start3A_197 : memref<1x128x128xf32, #tpu.memory_space<vmem>> -> memref<128x128xf32, #tpu.memory_space<vmem>>
        %dma_start3A_199 = arith.constant 0 : i32
        %dma_start3A_200 = tpu.memref_slice %arg8[%add3A_129, %dma_start3A_199] : memref<40x128xi32, #tpu.memory_space<vmem>> -> memref<1x128xi32, #tpu.memory_space<vmem>>
        %dma_start3A_201 = tpu.memref_squeeze %dma_start3A_200 : memref<1x128xi32, #tpu.memory_space<vmem>> -> memref<128xi32, #tpu.memory_space<vmem>>
        %dma_start3A_202 = arith.constant 0 : i32
        %dma_start3A_203 = arith.constant 0 : i32
        %dma_start3A_204 = tpu.memref_slice %arg10[%dma_start3A_202, %dma_start3A_203] : memref<10112x128xf32, #tpu.memory_space<vmem_shared>> -> memref<10112x128xf32, #tpu.memory_space<vmem_shared>>
        tpu.enqueue_indirect_dma source(%dma_start3A_198 : memref<128x128xf32, #tpu.memory_space<vmem>>) target(%dma_start3A_204 : memref<10112x128xf32, #tpu.memory_space<vmem_shared>>) offsets(%dma_start3A_201 : memref<128xi32, #tpu.memory_space<vmem>>) semaphore(%run_scoped3A_194 : memref<!tpu.dma_semaphore, #tpu.memory_space<semaphore_mem>>) {add = true}
        %dma_wait3A_205 = arith.constant 0 : i32
        %dma_wait3A_206 = arith.constant 0 : i32
        %dma_wait3A_207 = tpu.memref_slice %arg9[%run_scoped3A, %dma_wait3A_205, %dma_wait3A_206] : memref<2x128x128xf32, #tpu.memory_space<vmem>> -> memref<1x128x128xf32, #tpu.memory_space<vmem>>
        %dma_wait3A_208 = tpu.memref_squeeze %dma_wait3A_207 : memref<1x128x128xf32, #tpu.memory_space<vmem>> -> memref<128x128xf32, #tpu.memory_space<vmem>>
        %dma_wait3A_209 = arith.constant 0 : i32
        %dma_wait3A_210 = tpu.memref_slice %arg8[%add3A_129, %dma_wait3A_209] : memref<40x128xi32, #tpu.memory_space<vmem>> -> memref<1x128xi32, #tpu.memory_space<vmem>>
        %dma_wait3A_211 = tpu.memref_squeeze %dma_wait3A_210 : memref<1x128xi32, #tpu.memory_space<vmem>> -> memref<128xi32, #tpu.memory_space<vmem>>
        %dma_wait3A_212 = arith.constant 0 : i32
        %dma_wait3A_213 = arith.constant 0 : i32
        %dma_wait3A_214 = tpu.memref_slice %arg10[%dma_wait3A_212, %dma_wait3A_213] : memref<10112x128xf32, #tpu.memory_space<vmem_shared>> -> memref<10112x128xf32, #tpu.memory_space<vmem_shared>>
        tpu.wait_indirect_dma semaphore(%run_scoped3A_194 : memref<!tpu.dma_semaphore, #tpu.memory_space<semaphore_mem>>) src(%dma_wait3A_208 : memref<128x128xf32, #tpu.memory_space<vmem>>) dst(%dma_wait3A_214 : memref<10112x128xf32, #tpu.memory_space<vmem_shared>>)
        tpu.yield
      }) : () -> ()
      %add3A_145 = arith.constant 2 : i32
      %add3A_146 = arith.addi %add3A_129, %add3A_145 : i32
      %min3A = arith.constant 39 : i32
      %min3A_147 = arith.minsi %add3A_146, %min3A : i32
      %dma_start3A_148 = arith.constant 0 : i32
      %dma_start3A_149 = arith.constant 0 : i32
      %dma_start3A_150 = arith.constant 0 : i32
      %dma_start3A_151 = tpu.memref_slice %arg9[%dma_start3A_148, %dma_start3A_149, %dma_start3A_150] : memref<2x128x128xf32, #tpu.memory_space<vmem>> -> memref<1x128x128xf32, #tpu.memory_space<vmem>>
      %dma_start3A_152 = tpu.memref_squeeze %dma_start3A_151 : memref<1x128x128xf32, #tpu.memory_space<vmem>> -> memref<128x128xf32, #tpu.memory_space<vmem>>
      %dma_start3A_153 = arith.constant 0 : i32
      %dma_start3A_154 = tpu.memref_slice %arg7[%min3A_147, %dma_start3A_153] : memref<40x128xi32, #tpu.memory_space<vmem>> -> memref<1x128xi32, #tpu.memory_space<vmem>>
      %dma_start3A_155 = tpu.memref_squeeze %dma_start3A_154 : memref<1x128xi32, #tpu.memory_space<vmem>> -> memref<128xi32, #tpu.memory_space<vmem>>
      %dma_start3A_156 = arith.constant 0 : i32
      %dma_start3A_157 = arith.constant 0 : i32
      %dma_start3A_158 = tpu.memref_slice %arg2[%dma_start3A_156, %dma_start3A_157] : memref<10000x128xf32, #tpu.memory_space<hbm>> -> memref<10000x128xf32, #tpu.memory_space<hbm>>
      tpu.enqueue_indirect_dma source(%dma_start3A_158 : memref<10000x128xf32, #tpu.memory_space<hbm>>) target(%dma_start3A_152 : memref<128x128xf32, #tpu.memory_space<vmem>>) offsets(%dma_start3A_155 : memref<128xi32, #tpu.memory_space<vmem>>) semaphore(%arg11 : memref<!tpu.dma_semaphore, #tpu.memory_space<semaphore_mem>>)
      %mul3A_159 = arith.constant 2 : i32
      %mul3A_160 = arith.muli %mul3A_159, %scan3A_125 : i32
      %add3A_161 = arith.constant 1 : i32
      %add3A_162 = arith.addi %mul3A_160, %add3A_161 : i32
      %dma_wait3A_163 = arith.constant 1 : i32
      %dma_wait3A_164 = arith.constant 0 : i32
      %dma_wait3A_165 = arith.constant 0 : i32
      %dma_wait3A_166 = tpu.memref_slice %arg9[%dma_wait3A_163, %dma_wait3A_164, %dma_wait3A_165] : memref<2x128x128xf32, #tpu.memory_space<vmem>> -> memref<1x128x128xf32, #tpu.memory_space<vmem>>
      %dma_wait3A_167 = tpu.memref_squeeze %dma_wait3A_166 : memref<1x128x128xf32, #tpu.memory_space<vmem>> -> memref<128x128xf32, #tpu.memory_space<vmem>>
      %dma_wait3A_168 = arith.constant 0 : i32
      %dma_wait3A_169 = arith.constant 0 : i32
      %dma_wait3A_170 = tpu.memref_slice %arg2[%dma_wait3A_168, %dma_wait3A_169] : memref<10000x128xf32, #tpu.memory_space<hbm>> -> memref<128x128xf32, #tpu.memory_space<hbm>>
      %dma_wait3A_171 = arith.constant 0 : i32
      %dma_wait3A_172 = arith.constant 0 : i32
      %dma_wait3A_173 = tpu.memref_slice %arg9[%dma_wait3A_163, %dma_wait3A_171, %dma_wait3A_172] : memref<2x128x128xf32, #tpu.memory_space<vmem>> -> memref<1x128x128xf32, #tpu.memory_space<vmem>>
      %dma_wait3A_174 = tpu.memref_squeeze %dma_wait3A_173 : memref<1x128x128xf32, #tpu.memory_space<vmem>> -> memref<128x128xf32, #tpu.memory_space<vmem>>
      %dma_wait3A_175 = arith.constant 0 : i32
      %dma_wait3A_176 = arith.constant 0 : i32
      %dma_wait3A_177 = tpu.memref_slice %arg2[%dma_wait3A_175, %dma_wait3A_176] : memref<10000x128xf32, #tpu.memory_space<hbm>> -> memref<128x128xf32, #tpu.memory_space<hbm>>
      tpu.wait_dma2 semaphore(%arg11 : memref<!tpu.dma_semaphore, #tpu.memory_space<semaphore_mem>>) src(%dma_wait3A_177 : memref<128x128xf32, #tpu.memory_space<hbm>>) dst(%dma_wait3A_174 : memref<128x128xf32, #tpu.memory_space<vmem>>)
      %run_scoped3A_178 = arith.constant 1 : i32
      "tpu.region"() ({
        %run_scoped3A_194 = tpu.sem_alloc : memref<!tpu.dma_semaphore, #tpu.memory_space<semaphore_mem>>
        %dma_start3A_195 = arith.constant 0 : i32
        %dma_start3A_196 = arith.constant 0 : i32
        %dma_start3A_197 = tpu.memref_slice %arg9[%run_scoped3A_178, %dma_start3A_195, %dma_start3A_196] : memref<2x128x128xf32, #tpu.memory_space<vmem>> -> memref<1x128x128xf32, #tpu.memory_space<vmem>>
        %dma_start3A_198 = tpu.memref_squeeze %dma_start3A_197 : memref<1x128x128xf32, #tpu.memory_space<vmem>> -> memref<128x128xf32, #tpu.memory_space<vmem>>
        %dma_start3A_199 = arith.constant 0 : i32
        %dma_start3A_200 = tpu.memref_slice %arg8[%add3A_162, %dma_start3A_199] : memref<40x128xi32, #tpu.memory_space<vmem>> -> memref<1x128xi32, #tpu.memory_space<vmem>>
        %dma_start3A_201 = tpu.memref_squeeze %dma_start3A_200 : memref<1x128xi32, #tpu.memory_space<vmem>> -> memref<128xi32, #tpu.memory_space<vmem>>
        %dma_start3A_202 = arith.constant 0 : i32
        %dma_start3A_203 = arith.constant 0 : i32
        %dma_start3A_204 = tpu.memref_slice %arg10[%dma_start3A_202, %dma_start3A_203] : memref<10112x128xf32, #tpu.memory_space<vmem_shared>> -> memref<10112x128xf32, #tpu.memory_space<vmem_shared>>
        tpu.enqueue_indirect_dma source(%dma_start3A_198 : memref<128x128xf32, #tpu.memory_space<vmem>>) target(%dma_start3A_204 : memref<10112x128xf32, #tpu.memory_space<vmem_shared>>) offsets(%dma_start3A_201 : memref<128xi32, #tpu.memory_space<vmem>>) semaphore(%run_scoped3A_194 : memref<!tpu.dma_semaphore, #tpu.memory_space<semaphore_mem>>) {add = true}
        %dma_wait3A_205 = arith.constant 0 : i32
        %dma_wait3A_206 = arith.constant 0 : i32
        %dma_wait3A_207 = tpu.memref_slice %arg9[%run_scoped3A_178, %dma_wait3A_205, %dma_wait3A_206] : memref<2x128x128xf32, #tpu.memory_space<vmem>> -> memref<1x128x128xf32, #tpu.memory_space<vmem>>
        %dma_wait3A_208 = tpu.memref_squeeze %dma_wait3A_207 : memref<1x128x128xf32, #tpu.memory_space<vmem>> -> memref<128x128xf32, #tpu.memory_space<vmem>>
        %dma_wait3A_209 = arith.constant 0 : i32
        %dma_wait3A_210 = tpu.memref_slice %arg8[%add3A_162, %dma_wait3A_209] : memref<40x128xi32, #tpu.memory_space<vmem>> -> memref<1x128xi32, #tpu.memory_space<vmem>>
        %dma_wait3A_211 = tpu.memref_squeeze %dma_wait3A_210 : memref<1x128xi32, #tpu.memory_space<vmem>> -> memref<128xi32, #tpu.memory_space<vmem>>
        %dma_wait3A_212 = arith.constant 0 : i32
        %dma_wait3A_213 = arith.constant 0 : i32
        %dma_wait3A_214 = tpu.memref_slice %arg10[%dma_wait3A_212, %dma_wait3A_213] : memref<10112x128xf32, #tpu.memory_space<vmem_shared>> -> memref<10112x128xf32, #tpu.memory_space<vmem_shared>>
        tpu.wait_indirect_dma semaphore(%run_scoped3A_194 : memref<!tpu.dma_semaphore, #tpu.memory_space<semaphore_mem>>) src(%dma_wait3A_208 : memref<128x128xf32, #tpu.memory_space<vmem>>) dst(%dma_wait3A_214 : memref<10112x128xf32, #tpu.memory_space<vmem_shared>>)
        tpu.yield
      }) : () -> ()
      %add3A_179 = arith.constant 2 : i32
      %add3A_180 = arith.addi %add3A_162, %add3A_179 : i32
      %min3A_181 = arith.constant 39 : i32
      %min3A_182 = arith.minsi %add3A_180, %min3A_181 : i32
      %dma_start3A_183 = arith.constant 1 : i32
      %dma_start3A_184 = arith.constant 0 : i32
      %dma_start3A_185 = arith.constant 0 : i32
      %dma_start3A_186 = tpu.memref_slice %arg9[%dma_start3A_183, %dma_start3A_184, %dma_start3A_185] : memref<2x128x128xf32, #tpu.memory_space<vmem>> -> memref<1x128x128xf32, #tpu.memory_space<vmem>>
      %dma_start3A_187 = tpu.memref_squeeze %dma_start3A_186 : memref<1x128x128xf32, #tpu.memory_space<vmem>> -> memref<128x128xf32, #tpu.memory_space<vmem>>
      %dma_start3A_188 = arith.constant 0 : i32
      %dma_start3A_189 = tpu.memref_slice %arg7[%min3A_182, %dma_start3A_188] : memref<40x128xi32, #tpu.memory_space<vmem>> -> memref<1x128xi32, #tpu.memory_space<vmem>>
      %dma_start3A_190 = tpu.memref_squeeze %dma_start3A_189 : memref<1x128xi32, #tpu.memory_space<vmem>> -> memref<128xi32, #tpu.memory_space<vmem>>
      %dma_start3A_191 = arith.constant 0 : i32
      %dma_start3A_192 = arith.constant 0 : i32
      %dma_start3A_193 = tpu.memref_slice %arg2[%dma_start3A_191, %dma_start3A_192] : memref<10000x128xf32, #tpu.memory_space<hbm>> -> memref<10000x128xf32, #tpu.memory_space<hbm>>
      tpu.enqueue_indirect_dma source(%dma_start3A_193 : memref<10000x128xf32, #tpu.memory_space<hbm>>) target(%dma_start3A_187 : memref<128x128xf32, #tpu.memory_space<vmem>>) offsets(%dma_start3A_190 : memref<128xi32, #tpu.memory_space<vmem>>) semaphore(%arg11 : memref<!tpu.dma_semaphore, #tpu.memory_space<semaphore_mem>>)
    }
    %scan3A_89 = arith.constant 20 : i32
    %dma_wait3A_90 = arith.constant 0 : i32
    %dma_wait3A_91 = arith.constant 0 : i32
    %dma_wait3A_92 = arith.constant 0 : i32
    %dma_wait3A_93 = tpu.memref_slice %arg9[%dma_wait3A_90, %dma_wait3A_91, %dma_wait3A_92] : memref<2x128x128xf32, #tpu.memory_space<vmem>> -> memref<1x128x128xf32, #tpu.memory_space<vmem>>
    %dma_wait3A_94 = tpu.memref_squeeze %dma_wait3A_93 : memref<1x128x128xf32, #tpu.memory_space<vmem>> -> memref<128x128xf32, #tpu.memory_space<vmem>>
    %dma_wait3A_95 = arith.constant 0 : i32
    %dma_wait3A_96 = arith.constant 0 : i32
    %dma_wait3A_97 = tpu.memref_slice %arg2[%dma_wait3A_95, %dma_wait3A_96] : memref<10000x128xf32, #tpu.memory_space<hbm>> -> memref<128x128xf32, #tpu.memory_space<hbm>>
    %dma_wait3A_98 = arith.constant 0 : i32
    %dma_wait3A_99 = arith.constant 0 : i32
    %dma_wait3A_100 = tpu.memref_slice %arg9[%dma_wait3A_90, %dma_wait3A_98, %dma_wait3A_99] : memref<2x128x128xf32, #tpu.memory_space<vmem>> -> memref<1x128x128xf32, #tpu.memory_space<vmem>>
    %dma_wait3A_101 = tpu.memref_squeeze %dma_wait3A_100 : memref<1x128x128xf32, #tpu.memory_space<vmem>> -> memref<128x128xf32, #tpu.memory_space<vmem>>
    %dma_wait3A_102 = arith.constant 0 : i32
    %dma_wait3A_103 = arith.constant 0 : i32
    %dma_wait3A_104 = tpu.memref_slice %arg2[%dma_wait3A_102, %dma_wait3A_103] : memref<10000x128xf32, #tpu.memory_space<hbm>> -> memref<128x128xf32, #tpu.memory_space<hbm>>
    tpu.wait_dma2 semaphore(%arg11 : memref<!tpu.dma_semaphore, #tpu.memory_space<semaphore_mem>>) src(%dma_wait3A_104 : memref<128x128xf32, #tpu.memory_space<hbm>>) dst(%dma_wait3A_101 : memref<128x128xf32, #tpu.memory_space<vmem>>)
    %dma_wait3A_105 = arith.constant 1 : i32
    %dma_wait3A_106 = arith.constant 0 : i32
    %dma_wait3A_107 = arith.constant 0 : i32
    %dma_wait3A_108 = tpu.memref_slice %arg9[%dma_wait3A_105, %dma_wait3A_106, %dma_wait3A_107] : memref<2x128x128xf32, #tpu.memory_space<vmem>> -> memref<1x128x128xf32, #tpu.memory_space<vmem>>
    %dma_wait3A_109 = tpu.memref_squeeze %dma_wait3A_108 : memref<1x128x128xf32, #tpu.memory_space<vmem>> -> memref<128x128xf32, #tpu.memory_space<vmem>>
    %dma_wait3A_110 = arith.constant 0 : i32
    %dma_wait3A_111 = arith.constant 0 : i32
    %dma_wait3A_112 = tpu.memref_slice %arg2[%dma_wait3A_110, %dma_wait3A_111] : memref<10000x128xf32, #tpu.memory_space<hbm>> -> memref<128x128xf32, #tpu.memory_space<hbm>>
    %dma_wait3A_113 = arith.constant 0 : i32
    %dma_wait3A_114 = arith.constant 0 : i32
    %dma_wait3A_115 = tpu.memref_slice %arg9[%dma_wait3A_105, %dma_wait3A_113, %dma_wait3A_114] : memref<2x128x128xf32, #tpu.memory_space<vmem>> -> memref<1x128x128xf32, #tpu.memory_space<vmem>>
    %dma_wait3A_116 = tpu.memref_squeeze %dma_wait3A_115 : memref<1x128x128xf32, #tpu.memory_space<vmem>> -> memref<128x128xf32, #tpu.memory_space<vmem>>
    %dma_wait3A_117 = arith.constant 0 : i32
    %dma_wait3A_118 = arith.constant 0 : i32
    %dma_wait3A_119 = tpu.memref_slice %arg2[%dma_wait3A_117, %dma_wait3A_118] : memref<10000x128xf32, #tpu.memory_space<hbm>> -> memref<128x128xf32, #tpu.memory_space<hbm>>
    tpu.wait_dma2 semaphore(%arg11 : memref<!tpu.dma_semaphore, #tpu.memory_space<semaphore_mem>>) src(%dma_wait3A_119 : memref<128x128xf32, #tpu.memory_space<hbm>>) dst(%dma_wait3A_116 : memref<128x128xf32, #tpu.memory_space<vmem>>)
    %barrier3A_120 = arith.constant 0 : index
    tpu.barrier barrier_id(%barrier3A_120)
    %mul3A_121 = arith.constant 632 : i32
    %mul3A_122 = arith.muli %arg1, %mul3A_121 : i32
    %mul3A_123 = arith.constant 632 : i32
    %mul3A_124 = arith.muli %arg1, %mul3A_123 : i32
    "tpu.region"() ({
      %run_scoped3A = tpu.sem_alloc : memref<!tpu.dma_semaphore, #tpu.memory_space<semaphore_mem>>
      %dma_start3A_125 = arith.constant 0 : i32
      %dma_start3A_126 = arith.constant 0 : i32
      %dma_start3A_127 = tpu.memref_slice %arg6[%arg0, %dma_start3A_125, %dma_start3A_126] : memref<2x10112x128xf32, #tpu.memory_space<hbm>> -> memref<1x10112x128xf32, #tpu.memory_space<hbm>>
      %dma_start3A_128 = tpu.memref_squeeze %dma_start3A_127 : memref<1x10112x128xf32, #tpu.memory_space<hbm>> -> memref<10112x128xf32, #tpu.memory_space<hbm>>
      %dma_start3A_129 = arith.constant 0 : i32
      %dma_start3A_130 = tpu.memref_slice %dma_start3A_128[%mul3A_124, %dma_start3A_129] : memref<10112x128xf32, #tpu.memory_space<hbm>> -> memref<632x128xf32, #tpu.memory_space<hbm>>
      %dma_start3A_131 = arith.constant 0 : i32
      %dma_start3A_132 = tpu.memref_slice %arg10[%mul3A_122, %dma_start3A_131] : memref<10112x128xf32, #tpu.memory_space<vmem_shared>> -> memref<632x128xf32, #tpu.memory_space<vmem_shared>>
      tpu.enqueue_dma source(%dma_start3A_132 : memref<632x128xf32, #tpu.memory_space<vmem_shared>>) target(%dma_start3A_130 : memref<632x128xf32, #tpu.memory_space<hbm>>) target_semaphore(%run_scoped3A : memref<!tpu.dma_semaphore, #tpu.memory_space<semaphore_mem>>)
      %dma_wait3A_133 = arith.constant 0 : i32
      %dma_wait3A_134 = arith.constant 0 : i32
      %dma_wait3A_135 = tpu.memref_slice %arg6[%arg0, %dma_wait3A_133, %dma_wait3A_134] : memref<2x10112x128xf32, #tpu.memory_space<hbm>> -> memref<1x10112x128xf32, #tpu.memory_space<hbm>>
      %dma_wait3A_136 = tpu.memref_squeeze %dma_wait3A_135 : memref<1x10112x128xf32, #tpu.memory_space<hbm>> -> memref<10112x128xf32, #tpu.memory_space<hbm>>
      %dma_wait3A_137 = arith.constant 0 : i32
      %dma_wait3A_138 = tpu.memref_slice %dma_wait3A_136[%mul3A_124, %dma_wait3A_137] : memref<10112x128xf32, #tpu.memory_space<hbm>> -> memref<632x128xf32, #tpu.memory_space<hbm>>
      %dma_wait3A_139 = arith.constant 0 : i32
      %dma_wait3A_140 = tpu.memref_slice %arg10[%mul3A_122, %dma_wait3A_139] : memref<10112x128xf32, #tpu.memory_space<vmem_shared>> -> memref<632x128xf32, #tpu.memory_space<vmem_shared>>
      tpu.wait_dma2 semaphore(%run_scoped3A : memref<!tpu.dma_semaphore, #tpu.memory_space<semaphore_mem>>) src(%dma_wait3A_140 : memref<632x128xf32, #tpu.memory_space<vmem_shared>>) dst(%dma_wait3A_138 : memref<632x128xf32, #tpu.memory_space<hbm>>)
      tpu.yield
    }) : () -> ()
    return
  }
}

#map = affine_map<(d0, d1) -> (0, 0, 0)>
#map1 = affine_map<(d0, d1) -> (0, 0)>
module attributes {stable_mosaic.version = 14 : i64} {
  func.func @_deg_kernel(%arg0: i32, %arg1: i32, %arg2: memref<32x80x128xi32, #tpu.memory_space<hbm>>, %arg3: memref<128x128xf32, #tpu.memory_space<hbm>>, %arg4: memref<632x128xf32, #tpu.memory_space<hbm>>, %arg5: memref<2x10112x128xf32, #tpu.memory_space<hbm>>, %arg6: memref<80x128xi32, #tpu.memory_space<vmem>>, %arg7: memref<128x128xf32, #tpu.memory_space<vmem>>, %arg8: memref<10112x128xf32, #tpu.memory_space<vmem_shared>>) attributes {dimension_semantics = [#tpu.dimension_semantics<core_parallel>, #tpu.dimension_semantics<subcore_parallel>], iteration_bounds = array<i64: 2, 16>, scalar_prefetch = 0 : i64, scratch_operands = 3 : i64, tpu.core_type = #tpu.core_type<sc_vector_subcore>, window_params = [{transform_indices = #map}, {transform_indices = #map1}, {transform_indices = #map1}, {transform_indices = #map}]} {
    %mul3A = arith.constant 16 : i32
    %mul3A_0 = arith.muli %arg0, %mul3A : i32
    %add3A = arith.addi %mul3A_0, %arg1 : i32
    %mul3A_1 = arith.constant 632 : i32
    %mul3A_2 = arith.muli %arg1, %mul3A_1 : i32
    "tpu.region"() ({
      %run_scoped3A = tpu.sem_alloc : memref<!tpu.dma_semaphore, #tpu.memory_space<semaphore_mem>>
      %dma_start3A = arith.constant 0 : i32
      %dma_start3A_13 = tpu.memref_slice %arg8[%mul3A_2, %dma_start3A] : memref<10112x128xf32, #tpu.memory_space<vmem_shared>> -> memref<632x128xf32, #tpu.memory_space<vmem_shared>>
      tpu.enqueue_dma source(%arg4 : memref<632x128xf32, #tpu.memory_space<hbm>>) target(%dma_start3A_13 : memref<632x128xf32, #tpu.memory_space<vmem_shared>>) target_semaphore(%run_scoped3A : memref<!tpu.dma_semaphore, #tpu.memory_space<semaphore_mem>>)
      %dma_wait3A = arith.constant 0 : i32
      %dma_wait3A_14 = tpu.memref_slice %arg8[%mul3A_2, %dma_wait3A] : memref<10112x128xf32, #tpu.memory_space<vmem_shared>> -> memref<632x128xf32, #tpu.memory_space<vmem_shared>>
      tpu.wait_dma2 semaphore(%run_scoped3A : memref<!tpu.dma_semaphore, #tpu.memory_space<semaphore_mem>>) src(%arg4 : memref<632x128xf32, #tpu.memory_space<hbm>>) dst(%dma_wait3A_14 : memref<632x128xf32, #tpu.memory_space<vmem_shared>>)
      tpu.yield
    }) : () -> ()
    "tpu.region"() ({
      %run_scoped3A = tpu.sem_alloc : memref<!tpu.dma_semaphore, #tpu.memory_space<semaphore_mem>>
      %dma_start3A = arith.constant 0 : i32
      %dma_start3A_13 = arith.constant 0 : i32
      %dma_start3A_14 = tpu.memref_slice %arg2[%add3A, %dma_start3A, %dma_start3A_13] : memref<32x80x128xi32, #tpu.memory_space<hbm>> -> memref<1x80x128xi32, #tpu.memory_space<hbm>>
      %dma_start3A_15 = tpu.memref_squeeze %dma_start3A_14 : memref<1x80x128xi32, #tpu.memory_space<hbm>> -> memref<80x128xi32, #tpu.memory_space<hbm>>
      %dma_start3A_16 = arith.constant 0 : i32
      %dma_start3A_17 = arith.constant 0 : i32
      %dma_start3A_18 = tpu.memref_slice %arg2[%add3A, %dma_start3A_16, %dma_start3A_17] : memref<32x80x128xi32, #tpu.memory_space<hbm>> -> memref<1x80x128xi32, #tpu.memory_space<hbm>>
      %dma_start3A_19 = tpu.memref_squeeze %dma_start3A_18 : memref<1x80x128xi32, #tpu.memory_space<hbm>> -> memref<80x128xi32, #tpu.memory_space<hbm>>
      tpu.enqueue_dma source(%dma_start3A_19 : memref<80x128xi32, #tpu.memory_space<hbm>>) target(%arg6 : memref<80x128xi32, #tpu.memory_space<vmem>>) target_semaphore(%run_scoped3A : memref<!tpu.dma_semaphore, #tpu.memory_space<semaphore_mem>>)
      %dma_wait3A = arith.constant 0 : i32
      %dma_wait3A_20 = arith.constant 0 : i32
      %dma_wait3A_21 = tpu.memref_slice %arg2[%add3A, %dma_wait3A, %dma_wait3A_20] : memref<32x80x128xi32, #tpu.memory_space<hbm>> -> memref<1x80x128xi32, #tpu.memory_space<hbm>>
      %dma_wait3A_22 = tpu.memref_squeeze %dma_wait3A_21 : memref<1x80x128xi32, #tpu.memory_space<hbm>> -> memref<80x128xi32, #tpu.memory_space<hbm>>
      %dma_wait3A_23 = arith.constant 0 : i32
      %dma_wait3A_24 = arith.constant 0 : i32
      %dma_wait3A_25 = tpu.memref_slice %arg2[%add3A, %dma_wait3A_23, %dma_wait3A_24] : memref<32x80x128xi32, #tpu.memory_space<hbm>> -> memref<1x80x128xi32, #tpu.memory_space<hbm>>
      %dma_wait3A_26 = tpu.memref_squeeze %dma_wait3A_25 : memref<1x80x128xi32, #tpu.memory_space<hbm>> -> memref<80x128xi32, #tpu.memory_space<hbm>>
      tpu.wait_dma2 semaphore(%run_scoped3A : memref<!tpu.dma_semaphore, #tpu.memory_space<semaphore_mem>>) src(%dma_wait3A_26 : memref<80x128xi32, #tpu.memory_space<hbm>>) dst(%arg6 : memref<80x128xi32, #tpu.memory_space<vmem>>)
      tpu.yield
    }) : () -> ()
    "tpu.region"() ({
      %run_scoped3A = tpu.sem_alloc : memref<!tpu.dma_semaphore, #tpu.memory_space<semaphore_mem>>
      tpu.enqueue_dma source(%arg3 : memref<128x128xf32, #tpu.memory_space<hbm>>) target(%arg7 : memref<128x128xf32, #tpu.memory_space<vmem>>) target_semaphore(%run_scoped3A : memref<!tpu.dma_semaphore, #tpu.memory_space<semaphore_mem>>)
      tpu.wait_dma2 semaphore(%run_scoped3A : memref<!tpu.dma_semaphore, #tpu.memory_space<semaphore_mem>>) src(%arg3 : memref<128x128xf32, #tpu.memory_space<hbm>>) dst(%arg7 : memref<128x128xf32, #tpu.memory_space<vmem>>)
      tpu.yield
    }) : () -> ()
    %barrier3A = arith.constant 0 : index
    tpu.barrier barrier_id(%barrier3A)
    %scan3A = arith.constant 0 : i32
    %scan3A_3 = arith.constant 0 : i32
    %scan3A_4 = arith.constant 80 : i32
    %scan3A_5 = arith.addi %scan3A_3, %scan3A_4 : i32
    %scan3A_6 = arith.constant 1 : i32
    scf.for %scan3A_13 = %scan3A_3 to %scan3A_5 step %scan3A_6  : i32 {
      "tpu.region"() ({
        %run_scoped3A = tpu.sem_alloc : memref<!tpu.dma_semaphore, #tpu.memory_space<semaphore_mem>>
        %dma_start3A = arith.constant 0 : i32
        %dma_start3A_14 = tpu.memref_slice %arg6[%scan3A_13, %dma_start3A] : memref<80x128xi32, #tpu.memory_space<vmem>> -> memref<1x128xi32, #tpu.memory_space<vmem>>
        %dma_start3A_15 = tpu.memref_squeeze %dma_start3A_14 : memref<1x128xi32, #tpu.memory_space<vmem>> -> memref<128xi32, #tpu.memory_space<vmem>>
        %dma_start3A_16 = arith.constant 0 : i32
        %dma_start3A_17 = arith.constant 0 : i32
        %dma_start3A_18 = tpu.memref_slice %arg8[%dma_start3A_16, %dma_start3A_17] : memref<10112x128xf32, #tpu.memory_space<vmem_shared>> -> memref<10112x128xf32, #tpu.memory_space<vmem_shared>>
        tpu.enqueue_indirect_dma source(%arg7 : memref<128x128xf32, #tpu.memory_space<vmem>>) target(%dma_start3A_18 : memref<10112x128xf32, #tpu.memory_space<vmem_shared>>) offsets(%dma_start3A_15 : memref<128xi32, #tpu.memory_space<vmem>>) semaphore(%run_scoped3A : memref<!tpu.dma_semaphore, #tpu.memory_space<semaphore_mem>>) {add = true}
        %dma_wait3A = arith.constant 0 : i32
        %dma_wait3A_19 = tpu.memref_slice %arg6[%scan3A_13, %dma_wait3A] : memref<80x128xi32, #tpu.memory_space<vmem>> -> memref<1x128xi32, #tpu.memory_space<vmem>>
        %dma_wait3A_20 = tpu.memref_squeeze %dma_wait3A_19 : memref<1x128xi32, #tpu.memory_space<vmem>> -> memref<128xi32, #tpu.memory_space<vmem>>
        %dma_wait3A_21 = arith.constant 0 : i32
        %dma_wait3A_22 = arith.constant 0 : i32
        %dma_wait3A_23 = tpu.memref_slice %arg8[%dma_wait3A_21, %dma_wait3A_22] : memref<10112x128xf32, #tpu.memory_space<vmem_shared>> -> memref<10112x128xf32, #tpu.memory_space<vmem_shared>>
        tpu.wait_indirect_dma semaphore(%run_scoped3A : memref<!tpu.dma_semaphore, #tpu.memory_space<semaphore_mem>>) src(%arg7 : memref<128x128xf32, #tpu.memory_space<vmem>>) dst(%dma_wait3A_23 : memref<10112x128xf32, #tpu.memory_space<vmem_shared>>)
        tpu.yield
      }) : () -> ()
    }
    %scan3A_7 = arith.constant 80 : i32
    %barrier3A_8 = arith.constant 0 : index
    tpu.barrier barrier_id(%barrier3A_8)
    %mul3A_9 = arith.constant 632 : i32
    %mul3A_10 = arith.muli %arg1, %mul3A_9 : i32
    %mul3A_11 = arith.constant 632 : i32
    %mul3A_12 = arith.muli %arg1, %mul3A_11 : i32
    "tpu.region"() ({
      %run_scoped3A = tpu.sem_alloc : memref<!tpu.dma_semaphore, #tpu.memory_space<semaphore_mem>>
      %dma_start3A = arith.constant 0 : i32
      %dma_start3A_13 = arith.constant 0 : i32
      %dma_start3A_14 = tpu.memref_slice %arg5[%arg0, %dma_start3A, %dma_start3A_13] : memref<2x10112x128xf32, #tpu.memory_space<hbm>> -> memref<1x10112x128xf32, #tpu.memory_space<hbm>>
      %dma_start3A_15 = tpu.memref_squeeze %dma_start3A_14 : memref<1x10112x128xf32, #tpu.memory_space<hbm>> -> memref<10112x128xf32, #tpu.memory_space<hbm>>
      %dma_start3A_16 = arith.constant 0 : i32
      %dma_start3A_17 = tpu.memref_slice %dma_start3A_15[%mul3A_12, %dma_start3A_16] : memref<10112x128xf32, #tpu.memory_space<hbm>> -> memref<632x128xf32, #tpu.memory_space<hbm>>
      %dma_start3A_18 = arith.constant 0 : i32
      %dma_start3A_19 = tpu.memref_slice %arg8[%mul3A_10, %dma_start3A_18] : memref<10112x128xf32, #tpu.memory_space<vmem_shared>> -> memref<632x128xf32, #tpu.memory_space<vmem_shared>>
      tpu.enqueue_dma source(%dma_start3A_19 : memref<632x128xf32, #tpu.memory_space<vmem_shared>>) target(%dma_start3A_17 : memref<632x128xf32, #tpu.memory_space<hbm>>) target_semaphore(%run_scoped3A : memref<!tpu.dma_semaphore, #tpu.memory_space<semaphore_mem>>)
      %dma_wait3A = arith.constant 0 : i32
      %dma_wait3A_20 = arith.constant 0 : i32
      %dma_wait3A_21 = tpu.memref_slice %arg5[%arg0, %dma_wait3A, %dma_wait3A_20] : memref<2x10112x128xf32, #tpu.memory_space<hbm>> -> memref<1x10112x128xf32, #tpu.memory_space<hbm>>
      %dma_wait3A_22 = tpu.memref_squeeze %dma_wait3A_21 : memref<1x10112x128xf32, #tpu.memory_space<hbm>> -> memref<10112x128xf32, #tpu.memory_space<hbm>>
      %dma_wait3A_23 = arith.constant 0 : i32
      %dma_wait3A_24 = tpu.memref_slice %dma_wait3A_22[%mul3A_12, %dma_wait3A_23] : memref<10112x128xf32, #tpu.memory_space<hbm>> -> memref<632x128xf32, #tpu.memory_space<hbm>>
      %dma_wait3A_25 = arith.constant 0 : i32
      %dma_wait3A_26 = tpu.memref_slice %arg8[%mul3A_10, %dma_wait3A_25] : memref<10112x128xf32, #tpu.memory_space<vmem_shared>> -> memref<632x128xf32, #tpu.memory_space<vmem_shared>>
      tpu.wait_dma2 semaphore(%run_scoped3A : memref<!tpu.dma_semaphore, #tpu.memory_space<semaphore_mem>>) src(%dma_wait3A_26 : memref<632x128xf32, #tpu.memory_space<vmem_shared>>) dst(%dma_wait3A_24 : memref<632x128xf32, #tpu.memory_space<hbm>>)
      tpu.yield
    }) : () -> ()
    return
  }
}

module attributes {stable_mosaic.version = 14 : i64} {
  func.func @_stage_a_body(%arg0: i32, %arg1: memref<1000x128xf32, #tpu.memory_space<vmem>>, %arg2: memref<1000x128xf32, #tpu.memory_space<vmem>>, %arg3: memref<1000x128xf32, #tpu.memory_space<vmem>>, %arg4: memref<128x128xf32, #tpu.memory_space<vmem>>, %arg5: memref<1000x128xf32, #tpu.memory_space<vmem>>, %arg6: memref<1000x1xf32, #tpu.memory_space<vmem>>) attributes {dimension_semantics = [#tpu.dimension_semantics<arbitrary>], iteration_bounds = array<i64: 10>, scalar_prefetch = 0 : i64, scratch_operands = 0 : i64, tpu.core_type = #tpu.core_type<tc>, window_params = [{transform_indices = @transform_0, window_bounds = array<i64: 1000, 128>}, {transform_indices = @transform_1, window_bounds = array<i64: 1000, 128>}, {transform_indices = @transform_2, window_bounds = array<i64: 1000, 128>}, {pipeline_mode = #tpu.pipeline_mode<synchronous>, transform_indices = @transform_3, window_bounds = array<i64: 128, 128>}, {transform_indices = @transform_4, window_bounds = array<i64: 1000, 128>}, {transform_indices = @transform_5, window_bounds = array<i64: 1000, 1>}]} {
    %get3A = arith.constant 0 : index
    %get3A_0 = arith.constant 0 : index
    %get3A_1 = vector.load %arg1[%get3A, %get3A_0] : memref<1000x128xf32, #tpu.memory_space<vmem>>, vector<1000x128xf32>
    %get3A_2 = arith.constant 0 : index
    %get3A_3 = arith.constant 0 : index
    %get3A_4 = vector.load %arg2[%get3A_2, %get3A_3] : memref<1000x128xf32, #tpu.memory_space<vmem>>, vector<1000x128xf32>
    %add3A = arith.addf %get3A_1, %get3A_4 : vector<1000x128xf32>
    %reduce_sum3A = arith.constant dense<0.000000e+00> : vector<1000xf32>
    %reduce_sum3A_5 = vector.multi_reduction <add>, %add3A, %reduce_sum3A [1] : vector<1000x128xf32> to vector<1000xf32>
    %mul3A = arith.constant 7.812500e-03 : f32
    %mul3A_6 = vector.broadcast %mul3A : f32 to vector<1000xf32>
    %mul3A_7 = arith.mulf %reduce_sum3A_5, %mul3A_6 : vector<1000xf32>
    %add3A_8 = arith.constant 1.000000e+00 : f32
    %add3A_9 = vector.broadcast %add3A_8 : f32 to vector<1000xf32>
    %add3A_10 = arith.addf %mul3A_7, %add3A_9 : vector<1000xf32>
    %rsqrt3A = math.rsqrt %add3A_10 : vector<1000xf32>
    %broadcast_in_dim3A = vector.shape_cast %rsqrt3A : vector<1000xf32> to vector<1000x1xf32>
    %get3A_11 = arith.constant 0 : index
    %get3A_12 = arith.constant 0 : index
    %get3A_13 = vector.load %arg3[%get3A_11, %get3A_12] : memref<1000x128xf32, #tpu.memory_space<vmem>>, vector<1000x128xf32>
    %get3A_14 = arith.constant 0 : index
    %get3A_15 = arith.constant 0 : index
    %get3A_16 = vector.load %arg4[%get3A_14, %get3A_15] : memref<128x128xf32, #tpu.memory_space<vmem>>, vector<128x128xf32>
    %dot_general3A = arith.constant dense<0.000000e+00> : vector<1000x128xf32>
    %dot_general3A_17 = tpu.matmul %get3A_13, %get3A_16, %dot_general3A {dimension_numbers = #tpu.dot_dimension_numbers<[1], [0], [0], [1], [0, 0, 1, 1], [], []>, transpose_lhs_hint = false} : vector<1000x128xf32>, vector<128x128xf32>, vector<1000x128xf32> -> vector<1000x128xf32>
    %mul3A_18 = vector.broadcast %broadcast_in_dim3A : vector<1000x1xf32> to vector<1000x128xf32>
    %mul3A_19 = arith.mulf %dot_general3A_17, %mul3A_18 : vector<1000x128xf32>
    %swap3A = arith.constant 0 : index
    %swap3A_20 = arith.constant 0 : index
    %swap3A_21 = vector.load %arg5[%swap3A, %swap3A_20] : memref<1000x128xf32, #tpu.memory_space<vmem>>, vector<1000x128xf32>
    tpu.vector_store %arg5[%swap3A, %swap3A_20], %mul3A_19 {strides = array<i32>} : memref<1000x128xf32, #tpu.memory_space<vmem>>, vector<1000x128xf32>,
    %swap3A_22 = arith.constant 0 : index
    %swap3A_23 = arith.constant 0 : index
    %swap3A_24 = vector.load %arg6[%swap3A_22, %swap3A_23] : memref<1000x1xf32, #tpu.memory_space<vmem>>, vector<1000x1xf32>
    tpu.vector_store %arg6[%swap3A_22, %swap3A_23], %broadcast_in_dim3A {strides = array<i32>} : memref<1000x1xf32, #tpu.memory_space<vmem>>, vector<1000x1xf32>,
    return
  }
  func.func @transform_0(%arg0: i32) -> (i32, i32) {
    %c0_i32 = arith.constant 0 : i32
    %c0_i32_0 = arith.constant 0 : i32
    return %arg0, %c0_i32 : i32, i32
  }
  func.func @transform_1(%arg0: i32) -> (i32, i32) {
    %c0_i32 = arith.constant 0 : i32
    %c0_i32_0 = arith.constant 0 : i32
    return %arg0, %c0_i32 : i32, i32
  }
  func.func @transform_2(%arg0: i32) -> (i32, i32) {
    %c0_i32 = arith.constant 0 : i32
    %c0_i32_0 = arith.constant 0 : i32
    return %arg0, %c0_i32 : i32, i32
  }
  func.func @transform_3(%arg0: i32) -> (i32, i32) {
    %c0_i32 = arith.constant 0 : i32
    %c0_i32_0 = arith.constant 0 : i32
    %c0_i32_1 = arith.constant 0 : i32
    return %c0_i32, %c0_i32_0 : i32, i32
  }
  func.func @transform_4(%arg0: i32) -> (i32, i32) {
    %c0_i32 = arith.constant 0 : i32
    %c0_i32_0 = arith.constant 0 : i32
    return %arg0, %c0_i32 : i32, i32
  }
  func.func @transform_5(%arg0: i32) -> (i32, i32) {
    %c0_i32 = arith.constant 0 : i32
    %c0_i32_0 = arith.constant 0 : i32
    return %arg0, %c0_i32 : i32, i32
  }
}

module attributes {stable_mosaic.version = 14 : i64} {
  func.func @_stage_b_body(%arg0: i32, %arg1: memref<1000x1xf32, #tpu.memory_space<vmem>>, %arg2: memref<1000x128xf32, #tpu.memory_space<vmem>>, %arg3: memref<1000x128xf32, #tpu.memory_space<vmem>>, %arg4: memref<1000x128xf32, #tpu.memory_space<vmem>>, %arg5: memref<1x128xf32, #tpu.memory_space<vmem>>, %arg6: memref<128x128xf32, #tpu.memory_space<vmem>>, %arg7: memref<1000x128xf32, #tpu.memory_space<vmem>>) attributes {dimension_semantics = [#tpu.dimension_semantics<arbitrary>], iteration_bounds = array<i64: 10>, scalar_prefetch = 0 : i64, scratch_operands = 0 : i64, tpu.core_type = #tpu.core_type<tc>, window_params = [{transform_indices = @transform_0, window_bounds = array<i64: 1000, 1>}, {transform_indices = @transform_1, window_bounds = array<i64: 1000, 128>}, {transform_indices = @transform_2, window_bounds = array<i64: 1000, 128>}, {transform_indices = @transform_3, window_bounds = array<i64: 1000, 128>}, {pipeline_mode = #tpu.pipeline_mode<synchronous>, transform_indices = @transform_4, window_bounds = array<i64: 1, 128>}, {pipeline_mode = #tpu.pipeline_mode<synchronous>, transform_indices = @transform_5, window_bounds = array<i64: 128, 128>}, {transform_indices = @transform_6, window_bounds = array<i64: 1000, 128>}]} {
    %get3A = arith.constant 0 : index
    %get3A_0 = arith.constant 0 : index
    %get3A_1 = vector.load %arg1[%get3A, %get3A_0] : memref<1000x1xf32, #tpu.memory_space<vmem>>, vector<1000x1xf32>
    %get3A_2 = arith.constant 0 : index
    %get3A_3 = arith.constant 0 : index
    %get3A_4 = vector.load %arg2[%get3A_2, %get3A_3] : memref<1000x128xf32, #tpu.memory_space<vmem>>, vector<1000x128xf32>
    %get3A_5 = arith.constant 0 : index
    %get3A_6 = arith.constant 0 : index
    %get3A_7 = vector.load %arg3[%get3A_5, %get3A_6] : memref<1000x128xf32, #tpu.memory_space<vmem>>, vector<1000x128xf32>
    %add3A = arith.addf %get3A_4, %get3A_7 : vector<1000x128xf32>
    %get3A_8 = arith.constant 0 : index
    %get3A_9 = arith.constant 0 : index
    %get3A_10 = vector.load %arg4[%get3A_8, %get3A_9] : memref<1000x128xf32, #tpu.memory_space<vmem>>, vector<1000x128xf32>
    %add3A_11 = arith.addf %add3A, %get3A_10 : vector<1000x128xf32>
    %mul3A = vector.broadcast %get3A_1 : vector<1000x1xf32> to vector<1000x128xf32>
    %mul3A_12 = arith.mulf %add3A_11, %mul3A : vector<1000x128xf32>
    %get3A_13 = arith.constant 0 : index
    %get3A_14 = arith.constant 0 : index
    %get3A_15 = vector.load %arg5[%get3A_13, %get3A_14] : memref<1x128xf32, #tpu.memory_space<vmem>>, vector<1x128xf32>
    %add3A_16 = vector.broadcast %get3A_15 : vector<1x128xf32> to vector<1000x128xf32>
    %add3A_17 = arith.addf %mul3A_12, %add3A_16 : vector<1000x128xf32>
    %max3A = arith.constant 0.000000e+00 : f32
    %max3A_18 = vector.broadcast %max3A : f32 to vector<1000x128xf32>
    %max3A_19 = arith.maximumf %add3A_17, %max3A_18 : vector<1000x128xf32>
    %get3A_20 = arith.constant 0 : index
    %get3A_21 = arith.constant 0 : index
    %get3A_22 = vector.load %arg6[%get3A_20, %get3A_21] : memref<128x128xf32, #tpu.memory_space<vmem>>, vector<128x128xf32>
    %dot_general3A = arith.constant dense<0.000000e+00> : vector<1000x128xf32>
    %dot_general3A_23 = tpu.matmul %max3A_19, %get3A_22, %dot_general3A {dimension_numbers = #tpu.dot_dimension_numbers<[1], [0], [0], [1], [0, 0, 1, 1], [], []>, transpose_lhs_hint = false} : vector<1000x128xf32>, vector<128x128xf32>, vector<1000x128xf32> -> vector<1000x128xf32>
    %mul3A_24 = vector.broadcast %get3A_1 : vector<1000x1xf32> to vector<1000x128xf32>
    %mul3A_25 = arith.mulf %dot_general3A_23, %mul3A_24 : vector<1000x128xf32>
    %swap3A = arith.constant 0 : index
    %swap3A_26 = arith.constant 0 : index
    %swap3A_27 = vector.load %arg7[%swap3A, %swap3A_26] : memref<1000x128xf32, #tpu.memory_space<vmem>>, vector<1000x128xf32>
    tpu.vector_store %arg7[%swap3A, %swap3A_26], %mul3A_25 {strides = array<i32>} : memref<1000x128xf32, #tpu.memory_space<vmem>>, vector<1000x128xf32>,
    return
  }
  func.func @transform_0(%arg0: i32) -> (i32, i32) {
    %c0_i32 = arith.constant 0 : i32
    %c0_i32_0 = arith.constant 0 : i32
    return %arg0, %c0_i32 : i32, i32
  }
  func.func @transform_1(%arg0: i32) -> (i32, i32) {
    %c0_i32 = arith.constant 0 : i32
    %c0_i32_0 = arith.constant 0 : i32
    return %arg0, %c0_i32 : i32, i32
  }
  func.func @transform_2(%arg0: i32) -> (i32, i32) {
    %c0_i32 = arith.constant 0 : i32
    %c0_i32_0 = arith.constant 0 : i32
    return %arg0, %c0_i32 : i32, i32
  }
  func.func @transform_3(%arg0: i32) -> (i32, i32) {
    %c0_i32 = arith.constant 0 : i32
    %c0_i32_0 = arith.constant 0 : i32
    return %arg0, %c0_i32 : i32, i32
  }
  func.func @transform_4(%arg0: i32) -> (i32, i32) {
    %c0_i32 = arith.constant 0 : i32
    %c0_i32_0 = arith.constant 0 : i32
    %c0_i32_1 = arith.constant 0 : i32
    return %c0_i32, %c0_i32_0 : i32, i32
  }
  func.func @transform_5(%arg0: i32) -> (i32, i32) {
    %c0_i32 = arith.constant 0 : i32
    %c0_i32_0 = arith.constant 0 : i32
    %c0_i32_1 = arith.constant 0 : i32
    return %c0_i32, %c0_i32_0 : i32, i32
  }
  func.func @transform_6(%arg0: i32) -> (i32, i32) {
    %c0_i32 = arith.constant 0 : i32
    %c0_i32_0 = arith.constant 0 : i32
    return %arg0, %c0_i32 : i32, i32
  }
}

module attributes {stable_mosaic.version = 14 : i64} {
  func.func @_stage_c_body(%arg0: i32, %arg1: memref<1000x1xf32, #tpu.memory_space<vmem>>, %arg2: memref<1000x128xf32, #tpu.memory_space<vmem>>, %arg3: memref<1000x128xf32, #tpu.memory_space<vmem>>, %arg4: memref<1000x128xf32, #tpu.memory_space<vmem>>, %arg5: memref<1x128xf32, #tpu.memory_space<vmem>>, %arg6: memref<1000x128xf32, #tpu.memory_space<vmem>>) attributes {dimension_semantics = [#tpu.dimension_semantics<arbitrary>], iteration_bounds = array<i64: 10>, scalar_prefetch = 0 : i64, scratch_operands = 0 : i64, tpu.core_type = #tpu.core_type<tc>, window_params = [{transform_indices = @transform_0, window_bounds = array<i64: 1000, 1>}, {transform_indices = @transform_1, window_bounds = array<i64: 1000, 128>}, {transform_indices = @transform_2, window_bounds = array<i64: 1000, 128>}, {transform_indices = @transform_3, window_bounds = array<i64: 1000, 128>}, {pipeline_mode = #tpu.pipeline_mode<synchronous>, transform_indices = @transform_4, window_bounds = array<i64: 1, 128>}, {transform_indices = @transform_5, window_bounds = array<i64: 1000, 128>}]} {
    %get3A = arith.constant 0 : index
    %get3A_0 = arith.constant 0 : index
    %get3A_1 = vector.load %arg2[%get3A, %get3A_0] : memref<1000x128xf32, #tpu.memory_space<vmem>>, vector<1000x128xf32>
    %get3A_2 = arith.constant 0 : index
    %get3A_3 = arith.constant 0 : index
    %get3A_4 = vector.load %arg3[%get3A_2, %get3A_3] : memref<1000x128xf32, #tpu.memory_space<vmem>>, vector<1000x128xf32>
    %add3A = arith.addf %get3A_1, %get3A_4 : vector<1000x128xf32>
    %get3A_5 = arith.constant 0 : index
    %get3A_6 = arith.constant 0 : index
    %get3A_7 = vector.load %arg4[%get3A_5, %get3A_6] : memref<1000x128xf32, #tpu.memory_space<vmem>>, vector<1000x128xf32>
    %add3A_8 = arith.addf %add3A, %get3A_7 : vector<1000x128xf32>
    %get3A_9 = arith.constant 0 : index
    %get3A_10 = arith.constant 0 : index
    %get3A_11 = vector.load %arg1[%get3A_9, %get3A_10] : memref<1000x1xf32, #tpu.memory_space<vmem>>, vector<1000x1xf32>
    %mul3A = vector.broadcast %get3A_11 : vector<1000x1xf32> to vector<1000x128xf32>
    %mul3A_12 = arith.mulf %add3A_8, %mul3A : vector<1000x128xf32>
    %get3A_13 = arith.constant 0 : index
    %get3A_14 = arith.constant 0 : index
    %get3A_15 = vector.load %arg5[%get3A_13, %get3A_14] : memref<1x128xf32, #tpu.memory_space<vmem>>, vector<1x128xf32>
    %add3A_16 = vector.broadcast %get3A_15 : vector<1x128xf32> to vector<1000x128xf32>
    %add3A_17 = arith.addf %mul3A_12, %add3A_16 : vector<1000x128xf32>
    %swap3A = arith.constant 0 : index
    %swap3A_18 = arith.constant 0 : index
    %swap3A_19 = vector.load %arg6[%swap3A, %swap3A_18] : memref<1000x128xf32, #tpu.memory_space<vmem>>, vector<1000x128xf32>
    tpu.vector_store %arg6[%swap3A, %swap3A_18], %add3A_17 {strides = array<i32>} : memref<1000x128xf32, #tpu.memory_space<vmem>>, vector<1000x128xf32>,
    return
  }
  func.func @transform_0(%arg0: i32) -> (i32, i32) {
    %c0_i32 = arith.constant 0 : i32
    %c0_i32_0 = arith.constant 0 : i32
    return %arg0, %c0_i32 : i32, i32
  }
  func.func @transform_1(%arg0: i32) -> (i32, i32) {
    %c0_i32 = arith.constant 0 : i32
    %c0_i32_0 = arith.constant 0 : i32
    return %arg0, %c0_i32 : i32, i32
  }
  func.func @transform_2(%arg0: i32) -> (i32, i32) {
    %c0_i32 = arith.constant 0 : i32
    %c0_i32_0 = arith.constant 0 : i32
    return %arg0, %c0_i32 : i32, i32
  }
  func.func @transform_3(%arg0: i32) -> (i32, i32) {
    %c0_i32 = arith.constant 0 : i32
    %c0_i32_0 = arith.constant 0 : i32
    return %arg0, %c0_i32 : i32, i32
  }
  func.func @transform_4(%arg0: i32) -> (i32, i32) {
    %c0_i32 = arith.constant 0 : i32
    %c0_i32_0 = arith.constant 0 : i32
    %c0_i32_1 = arith.constant 0 : i32
    return %c0_i32, %c0_i32_0 : i32, i32
  }
  func.func @transform_5(%arg0: i32) -> (i32, i32) {
    %c0_i32 = arith.constant 0 : i32
    %c0_i32_0 = arith.constant 0 : i32
    return %arg0, %c0_i32 : i32, i32
  }
}

</mosaic_0001>

<sc_bundles>
// kernel: kernel.11.cloned.1.call-start
scs
__scs_entry_jumppad:
0x0: {  	(pc) =	sbr.rel $0x88, $3  }
0x1: {  	(tag) =	ssettag $0x0;
	lr =	simm.s32 $0x1  }
0x2: {  	[smem:$0x3F9B] =	sst lr;
	_ =	strace $0xD0000000  }
0x3: {  	_ = 	snop  }
0x4: {  	_ = 	snop  }
0x5: {  	_ = 	snop  }
0x6: {  	_ = 	snop  }
0x7: {  	_ = 	snop  }
__scs_overlays_trampoline_lowered:
0x8: {  	[smem:$0x3FAA] =	sst s0  }
0x9: {  	[smem:$0x3FAB] =	sst s1  }
0xa: {  	[smem:$0x3FAC] =	sst s2  }
0xb: {  	[smem:$0x3FAD] =	sst s3  }
0xc: {  	[smem:$0x3FAE] =	sst s4  }
0xd: {  	[smem:$0x3FAF] =	sst s5  }
0xe: {  	[smem:$0x3FB0] =	sst s6  }
0xf: {  	[smem:$0x3FB1] =	sst s7  }
0x10: {  	[smem:$0x3FB2] =	sst s8  }
0x11: {  	[smem:$0x3FB3] =	sst s9;
	s0 =	simm.s32 @!p0 $0x0  }
0x12: {  	s1 =	sld [smem:$0x3F99];
	s0 =	simm.s32 @p0 $0x1  }
0x13: {  	[smem:$0x3FB4] =	sst s0;
	s0 =	simm.s32 @!p1 $0x0  }
0x14: {  	s2 =	sld [smem:$0x3F98];
	s0 =	simm.s32 @p1 $0x1  }
0x15: {  	[smem:$0x3FB5] =	sst s0;
	s0 =	simm.s32 @!p2 $0x0  }
0x16: {  	s3 =	sld [smem:$0x3FDB];
	s0 =	simm.s32 @p2 $0x1  }
0x17: {  	s4 =	simm.s32 $0x1BF5;
	[smem:$0x3FB7] =	sst s0  }
0x18: {  	s0 =	sld [smem:$0x3F9A];
	_ =	swait.ge [sflag:s4], $0x0  }
0x19: {  	s7 =	sld [smem:$0x3F9B]  }
0x1a: {  	s8 =	sadd.s32 $0xFFFFE003, lr  }
0x1b: {  	s9 =	sadd.s32 $0xFFFFFEF7, lr;
	s5 =	simm.s32 $0xFFFFFFFF;
	p2 =	slt.u32 s8, $0xFFFFF086  }
0x1c: {  	p1 =	slt.u32 s9, $0xF7A;
	s5 =	simm.s32 @!p2 $0x0  }
0x1d: {  	s5 =	simm.s32 @p1 $0x1;
	p0 =	seq.s32 s7, s2  }
0x1e: {  	s7 =	smul.u32 @!p0 $0xF7A, s2;
	p2 =	seq.s32 @!p0 s5, $0x0  }
0x1f: {  	s9 =	smul.u32 $0xF7A, s1;
	s8 =	simm.s32 @!p0 $0x1BF5;
	p2 =	por !p2, p0  }
0x20: {  	[sflag:s8] =	ssyncset.s32 @!p0 $0xFFFFF086;
	s6 =	sadd.s32 @!p0 s3, s7;
	s7 =	simm.s32 @!p0 $0x108  }
0x21: {  	s3 =	sadd.s32 s3, s9;
	s6 =	sadd.s32 @!p0 $0x88, s6;
	s7 =	simm.s32 @p2 $0x1082  }
0x22: {  	[simem:s7], [sflag:s8] =	dma.local @!p0 [hbm:s6], $0xF7A  }
0x23: {  	s9 =	sor.u32 $0xD0000000, s2;
	s6 =	simm.s32 $0x108;
	_ =	swait.ge @!p0 [sflag:s8], $0x0  }
0x24: {  	s3 =	sadd.s32 $0x88, s3;
	s6 =	simm.s32 @!p1 $0x1082;
	[sflag:s4] =	ssyncset.s32 $0xFFFFF086  }
0x25: {  	[simem:s6], [sflag:s4] =	dma.local [hbm:s3], $0xF7A  }
0x26: {  	[smem:$0x3F9B] =	sst s1;
	(tag) =	ssettag s2;
	_ =	strace s9  }
0x27: {  	s1 =	sld [smem:$0x3FAB]  }
0x28: {  	s2 =	sld [smem:$0x3FAC]  }
0x29: {  	s4 =	sld [smem:$0x3FAE]  }
0x2a: {  	p0 =	seq.s32 s5, $0x0;
	s5 =	sld [smem:$0x3FAF]  }
0x2b: {  	s6 =	sld [smem:$0x3FB0]  }
0x2c: {  	s7 =	sld [smem:$0x3FB1]  }
0x2d: {  	s3 =	simm.s32 $0x108;
	s8 =	sld [smem:$0x3FB2]  }
0x2e: {  	s3 =	simm.s32 @!p0 $0x1082;
	s9 =	sld [smem:$0x3FB3]  }
0x2f: {  	lr =	sadd.s32 s0, s3;
	s0 =	sld [smem:$0x3FAA]  }
0x30: {  	s3 =	sld [smem:$0x3FAD]  }
0x31: {  	[smem:$0x3FB6] =	sst s10  }
0x32: {  	s10 =	sld [smem:$0x3FB4];
	_ =	sdelay $0x3  }
0x33: {  	p0 =	seq.s32 s10, $0x1;
	s10 =	sld [smem:$0x3FB6];
	_ =	sdelay $0x3  }
0x34: {  	[smem:$0x3FB6] =	sst s10  }
0x35: {  	s10 =	sld [smem:$0x3FB5];
	_ =	sdelay $0x3  }
0x36: {  	p1 =	seq.s32 s10, $0x1;
	s10 =	sld [smem:$0x3FB6];
	_ =	sdelay $0x3  }
0x37: {  	[smem:$0x3FB6] =	sst s10  }
0x38: {  	s10 =	sld [smem:$0x3FB7]  }
0x39: {  	_ = 	snop;
	(pc) =	sbr.ind lr, $3  }
0x3a: {  	_ = 	snop  }
0x3b: {  	_ = 	snop  }
0x3c: {  	p2 =	seq.s32 s10, $0x1;
	s10 =	sld [smem:$0x3FB6]  }
0x3d: {  	_ =	shalt  }
0x3e: {  	_ =	shalt  }
0x3f: {  	_ =	shalt  }
0x40: {  	_ =	shalt  }
0x41: {  	_ =	shalt  }
0x42: {  	_ =	shalt  }
0x43: {  	_ =	shalt  }
0x44: {  	_ =	shalt  }
0x45: {  	_ =	shalt  }
0x46: {  	_ =	shalt  }
0x47: {  	_ =	shalt  }
0x48: {  	_ =	shalt  }
0x49: {  	_ =	shalt  }
0x4a: {  	_ =	shalt  }
0x4b: {  	_ =	shalt  }
0x4c: {  	_ =	shalt  }
0x4d: {  	_ =	shalt  }
0x4e: {  	_ =	shalt  }
0x4f: {  	_ =	shalt  }
0x50: {  	_ =	shalt  }
0x51: {  	_ =	shalt  }
0x52: {  	_ =	shalt  }
0x53: {  	_ =	shalt  }
0x54: {  	_ =	shalt  }
0x55: {  	_ =	shalt  }
0x56: {  	_ =	shalt  }
0x57: {  	_ =	shalt  }
0x58: {  	_ =	shalt  }
0x59: {  	_ =	shalt  }
0x5a: {  	_ =	shalt  }
0x5b: {  	_ =	shalt  }
0x5c: {  	_ =	shalt  }
0x5d: {  	_ =	shalt  }
0x5e: {  	_ =	shalt  }
0x5f: {  	_ =	shalt  }
0x60: {  	_ =	shalt  }
0x61: {  	_ =	shalt  }
0x62: {  	_ =	shalt  }
0x63: {  	_ =	shalt  }
0x64: {  	_ =	shalt  }
0x65: {  	_ =	shalt  }
0x66: {  	_ =	shalt  }
0x67: {  	_ =	shalt  }
0x68: {  	_ =	shalt  }
0x69: {  	_ =	shalt  }
0x6a: {  	_ =	shalt  }
0x6b: {  	_ =	shalt  }
0x6c: {  	_ =	shalt  }
0x6d: {  	_ =	shalt  }
0x6e: {  	_ =	shalt  }
0x6f: {  	_ =	shalt  }
0x70: {  	_ =	shalt  }
0x71: {  	_ =	shalt  }
0x72: {  	_ =	shalt  }
0x73: {  	_ =	shalt  }
0x74: {  	_ =	shalt  }
0x75: {  	_ =	shalt  }
0x76: {  	_ =	shalt  }
0x77: {  	_ =	shalt  }
0x78: {  	_ =	shalt  }
0x79: {  	_ =	shalt  }
0x7a: {  	_ =	shalt  }
0x7b: {  	_ =	shalt  }
0x7c: {  	_ =	shalt  }
0x7d: {  	_ =	shalt  }
0x7e: {  	_ =	shalt  }
0x7f: {  	_ =	shalt  }
0x80: {  	_ =	shalt  }
0x81: {  	_ =	shalt  }
0x82: {  	_ =	shalt  }
0x83: {  	_ =	shalt  }
0x84: {  	_ =	shalt  }
0x85: {  	_ =	shalt  }
0x86: {  	_ =	shalt  }
0x87: {  	_ =	shalt  }
.Lfunc_end0:
.L_simem_size_0:
called_computation.1_lowered:
.L_overlay_start_0:
0x88: {  	s2 =	sld [smem:$0x3FD9]  }
0x89: {  	s3 =	sld [smem:$0x3FFE];
	_ =	sdelay $0x1  }
0x8a: {  	s1 =	srdreg.scid  }
0x8b: {  	s0 =	sand.u32 $0x1, s1  }
0x8c: {  	s17 =	sshll.u32 s0, $0xA;
	s2 =	sadd.s32 s3, s2  }
0x8d: {  	s2 =	sadd.s32 s2, s17  }
0x8e: {  	[smem:$0x3FC2] =	sst s2  }
0x8f: {  	_ = 	snop  }
0x90: {  	s2 =	sld [smem:$0x3FD0];
	(tm) =	ssettm $0x1  }
0x91: {  	s18 =	sld [smem:$0x3FFB];
	_ =	sdelay $0x3  }
0x92: {  	_ =	strace s18  }
0x93: {  	s3 =	sld [smem:$0x3FFC];
	_ =	sdelay $0x3  }
0x94: {  	_ =	strace s3  }
0x95: {  	s3 =	sld [smem:$0x3FFD];
	_ =	sdelay $0x3  }
0x96: {  	_ =	strace s3  }
0x97: {  	_ =	strace $0x8FFFFFFF  }
0x98: {  	s19 =	sld [smem:$0x3FDB];
	_ =	sdelay $0x1  }
0x99: {  	s4 =	simm.s32 $_scs_section_size  }
0x9a: {  	s5 =	simm.s32 $_size__tile_overlayer_lowered;
	s6 =	simm.s32 $_tile_overlayer_lowered  }
0x9b: {  	s22 =	simm.s32 $0x1BFF;
	s21 =	sshll.u32 s6, $0x1;
	s3 =	sadd.s32 s4, s19  }
0x9c: {  	s7 =	simm.s32 $0x0;
	s20 =	sshll.u32 s5, $0x1;
	s5 =	sadd.s32 s21, s3  }
0x9d: {  	[timem:s7], [sflag:s22] =	dma.local [hbm:s5], s20  }
0x9e: {  	_ =	swait.ge [sflag:s22], s20  }
0x9f: {  	s4 =	ssub.s32 $0x0, s20;
	[sflag:s22] =	ssyncset.done $0x0  }
0xa0: {  	[sflag:s22] =	ssyncadd.s32 s4;
	_ =	sdelay $0x1  }
0xa1: {  	s23 =	simm.s32 $0x1B8B  }
0xa2: {  	_ =	swait.ge [sflag:s23], $0x1  }
0xa3: {  	[sflag:s23] =	ssyncset.done $0x0  }
0xa4: {  	s25 =	simm.s32 $0x1B8E;
	s24 =	sld [smem:$0x3FFE];
	[sflag:s23] =	ssyncadd.s32 $0xFFFFFFFF  }
0xa5: {  	s26 =	simm.s32 $execute0_lowered;
	[smem:$0x3FD2] =	sst s25  }
0xa6: {  	s5 =	sshll.u32 s26, $0x1;
	_ =	strace $0x80000049;
	[dreg:$0x1] =	wrdreg $0xFFFFFFFF  }
0xa7: {  	s28 =	simm.s32 $_size_execute0_lowered;
	s3 =	sadd.s32 s3, s5;
	[dreg:$0x0] =	wrdreg $0x0  }
0xa8: {  	s5 =	sshll.u32 s28, $0x1;
	[dreg:$0x2] =	wrdreg s3  }
0xa9: {  	[dreg:$0x3] =	wrdreg s5  }
0xaa: {  	[dreg:$0x4] =	wrdreg $0xC0  }
0xab: {  	_ =	task [dreg:s7], $0x5FFFF  }
0xac: {  	[dreg:$0x1] =	wrdreg $0xFFFFFFFF  }
0xad: {  	[dreg:$0x0] =	wrdreg $0x60  }
0xae: {  	[dreg:$0x2] =	wrdreg s2  }
0xaf: {  	[dreg:$0x3] =	wrdreg s24  }
0xb0: {  	[dreg:$0x4] =	wrdreg $0xA8000  }
0xb1: {  	[dreg:$0x5] =	wrdreg $0x9  }
0xb2: {  	_ =	task.clear_ibuf [dreg:s7], $0x6FFFF;
	_ =	strace $0x90000049  }
0xb3: {  	s29 =	simm.s32 $0x9;
	_ =	strace $0x8000004B  }
0xb4: {  	_ =	swait.ge [sflag:s29], $0x1  }
0xb5: {  	[sflag:s29] =	ssyncadd.s32 $0xFFFFFFFF  }
0xb6: {  	_ =	strace $0x9000004B  }
0xb7: {  	_ =	sfence  }
0xb8: {  	s30 =	sld [smem:$0x0];
	_ =	sdelay $0x2  }
0xb9: {  	s31 =	sshll.u32 s1, $0xD;
	s1 =	sshrl.u32 s1, $0x2  }
0xba: {  	s3 =	sand.u32 $0x4000, s31;
	s1 =	sadd.s32 s1, s30  }
0xbb: {  	s0 =	sor.u32 s3, s0;
	s1 =	sshll.u32 s1, $0x11  }
0xbc: {  	s0 =	sor.u32 s1, s0  }
0xbd: {  	s0 =	sadd.s32 $0x8F2B, s0  }
0xbe: {  	[sflag:s0] =	ssyncadd.remote.s32 $0x1  }
0xbf: {  	_ =	sfence.sel $0xFFFF  }
0xc0: {  	[dreg:$0x0] =	wrdreg $0xFFFFFFFF;
	(pc) =	sbr.abs _section_cstart, $3  }
0xc1: {  	[dreg:$0x1] =	wrdreg $0xFFFFFFFF  }
0xc2: {  	_ =	task.clear_ibuf [dreg:s7], $0x2FFFF;
	_ =	strace $0x9FFFFFFF  }
0xc3: {  	(tm) =	ssettm $0x7FFFFFFF  }
tec
execute0_lowered:
.L_overlay_start_1:
0x0: {  	(tag) =	ssettag $0x1  }
0x1: {  	s1 =	rddreg [dreg:$0x0]  }
0x2: {  	s7 =	rddreg [dreg:$0x1]  }
0x3: {  	s0 =	srdreg.scid;
	s3 =	rddreg [dreg:$0x2]  }
0x4: {  	s4 =	simm.s32 $0x0;
	s14 =	simm.s32 $0x2800;
	s15 =	simm.s32 $0x6800  }
0x5: {  	s16 =	simm.s32 $0x1;
	s17 =	simm.s32 $0x2600;
	s18 =	simm.s32 $0x1300  }
0x6: {  	s19 =	simm.s32 $0x2680;
	s20 =	simm.s32 $0x1380;
	s21 =	simm.s32 $0x2700  }
0x7: {  	s22 =	simm.s32 $0x2780;
	s6 =	sand.u32 $0x1, s0;
	s0 =	stileid.u32  }
0x8: {  	[smem:$0x7FF] =	sst s4;
	s2 =	sshll.u32 s6, $0x4;
	s8 =	smul.u32 $0x27800, s6  }
0x9: {  	s10 =	smul.u32 $0x4F000, s0;
	s6 =	ssub.s32 $0x2, s6;
	s31 =	sshll.u32 s0, $0x6  }
0xa: {  	s25 =	smul.u32 $0x2780, s0;
	s5 =	sor.u32 s0, s2;
	s2 =	rddreg [dreg:$0x3]  }
0xb: {  	_ =	strace $0x8000004A;
	s29 =	sshrl.u32 s6, $0x1;
	s5 =	smul.u32 $0x500, s5  }
0xc: {  	s11 =	sadd.s32 s8, s7;
	s30 =	sshrl.u32 s10, $0x2;
	s12 =	ssub.s32 s6, s29  }
0xd: {  	s6 =	sor.u32 $0x1C02, s31;
	s13 =	sadd.s32 s30, s3;
	s24 =	sadd.s32 $0x18400, s11  }
0xe: {  	s11 =	simm.s32 $0x2;
	s9 =	sadd.s32 s5, s7;
	s5 =	sadd.s32 $0x15C00, s7  }
0xf: {  	s10 =	sshrl.u32 s13, $0x3;
	s13 =	simm.s32 $0x80;
	s24 =	sadd.s32 s25, s24  }
0x10: {  	s25 =	simm.s32 $0x0;
	s7 =	sadd.s32 $0xBC00, s9;
	s8 =	sadd.s32 $0x1C00, s9  }
0x11: {  	s9 =	smax.u32 s12, $0x1;
	s12 =	simm.s32 $0x1400;
	s23 =	sadd.s32 $0x280, s7  }
.LBB2_1:
0x12: {  	[spmem:s10], [sflag:s6] =	dma.local [hbm:s5], $0x2780  }
0x13: {  	_ =	swait.ge [sflag:s11], $0x2780  }
0x14: {  	[sflag:s11] =	ssyncset.done $0x0  }
0x15: {  	[sflag:s11] =	ssyncadd.s32 $0xFFFFD880  }
0x16: {  	[bflag:$0x0] =	sbarrier.arrive $0xFFFF  }
0x17: {  	[tilespmem:s4], [sflag:$0x2] =	stream.linear.gather [hbm4b:s7+s4], $0x1400, $0x38;
	[tilespmem:$0x1E400] =	vst v63  }
0x18: {  	_ =	swait.ge [sflag:s11], $0x1400  }
0x19: {  	[sflag:s11] =	ssyncset.done $0x0  }
0x1a: {  	[sflag:s11] =	ssyncadd.s32 $0xFFFFEC00  }
0x1b: {  	[tilespmem:s12], [sflag:$0x2] =	stream.linear.gather [hbm4b:s8+s4], $0x1400, $0x38;
	[tilespmem:$0x1E400] =	vst v63  }
0x1c: {  	_ =	swait.ge [sflag:s11], $0x1400  }
0x1d: {  	[sflag:s11] =	ssyncset.done $0x0  }
0x1e: {  	[sflag:s11] =	ssyncadd.s32 $0xFFFFEC00  }
0x1f: {  	[tilespmem:s14], [sflag:$0x1] =	stream.indirect.gather [hbm4b:s1+s13], $0x80, s4, s13, $0xb8;
	[tilespmem:$0x1E400] =	vst v63  }
0x20: {  	_ = 	snop  }
0x21: {  	[tilespmem:s15], [sflag:$0x1] =	stream.indirect.gather [hbm4b:s1+s13], $0x80, s13, s13, $0xb8;
	[tilespmem:$0x1E400] =	vst v63  }
0x22: {  	_ =	swait.ge [sflag:s16], $0x4000  }
0x23: {  	[sflag:s16] =	ssyncset.done $0x0  }
0x24: {  	s26 =	simm.s32 $0x1400;
	[sflag:s16] =	ssyncadd.s32 $0xFFFFC000  }
0x25: {  	[spmem:s3] =	stream.indirect.scatter.add.f32 [tilespmem:s14], [sflag:$0x2], $0x80, s26, s13, $0xb8;
	[tilespmem:$0x1E400] =	vst v63  }
0x26: {  	_ =	swait.ge [sflag:s11], $0x4000  }
0x27: {  	[sflag:s11] =	ssyncset.done $0x0  }
0x28: {  	s30 =	simm.s32 $0x100;
	[sflag:s11] =	ssyncadd.s32 $0xFFFFC000  }
0x29: {  	[tilespmem:s14], [sflag:$0x1] =	stream.indirect.gather [hbm4b:s1+s13], $0x80, s30, s13, $0xb8;
	[tilespmem:$0x1E400] =	vst v63  }
0x2a: {  	_ =	swait.ge [sflag:s16], $0x4000  }
0x2b: {  	[sflag:s16] =	ssyncset.done $0x0  }
0x2c: {  	s31 =	simm.s32 $0x1480;
	[sflag:s16] =	ssyncadd.s32 $0xFFFFC000  }
0x2d: {  	[spmem:s3] =	stream.indirect.scatter.add.f32 [tilespmem:s15], [sflag:$0x2], $0x80, s31, s13, $0xb8;
	[tilespmem:$0x1E400] =	vst v63  }
0x2e: {  	_ =	swait.ge [sflag:s11], $0x4000  }
0x2f: {  	[sflag:s11] =	ssyncset.done $0x0  }
0x30: {  	s28 =	simm.s32 $0x180;
	s26 =	simm.s32 $0x400;
	[sflag:s11] =	ssyncadd.s32 $0xFFFFC000  }
.LBB2_2:
0x31: {  	[tilespmem:s15], [sflag:$0x1] =	stream.indirect.gather [hbm4b:s1+s13], $0x80, s28, s13, $0xb8;
	[tilespmem:$0x1E400] =	vst v63  }
0x32: {  	s28 =	smov.u32 s26  }
0x33: {  	p0 =	sne.s32 s26, $0x4400;
	s26 =	sadd.s32 $0x400, s26;
	_ =	swait.ge [sflag:s16], $0x4000  }
0x34: {  	s28 =	sshra.s32 s28, $0x2;
	[sflag:s16] =	ssyncset.done $0x0  }
0x35: {  	s29 =	sadd.s32 $0x1400, s28;
	[sflag:s16] =	ssyncadd.s32 $0xFFFFC000  }
0x36: {  	[spmem:s3] =	stream.indirect.scatter.add.f32 [tilespmem:s14], [sflag:$0x2], $0x80, s29, s13, $0xb8;
	[tilespmem:$0x1E400] =	vst v63  }
0x37: {  	_ =	swait.ge [sflag:s11], $0x4000  }
0x38: {  	[sflag:s11] =	ssyncset.done $0x0  }
0x39: {  	s29 =	sadd.s32 $0x100, s28;
	[sflag:s11] =	ssyncadd.s32 $0xFFFFC000  }
0x3a: {  	[tilespmem:s14], [sflag:$0x1] =	stream.indirect.gather [hbm4b:s1+s13], $0x80, s29, s13, $0xb8;
	[tilespmem:$0x1E400] =	vst v63  }
0x3b: {  	_ =	swait.ge [sflag:s16], $0x4000  }
0x3c: {  	[sflag:s16] =	ssyncset.done $0x0  }
.Ltmp0:
0x3d: {  	s29 =	sadd.s32 $0x1480, s28;
	[sflag:s16] =	ssyncadd.s32 $0xFFFFC000;
	(pc) =	sbr.rel @p0 .LBB2_2-.Ltmp0, $4  }
0x3e: {  	[spmem:s3] =	stream.indirect.scatter.add.f32 [tilespmem:s15], [sflag:$0x2], $0x80, s29, s13, $0xb8;
	[tilespmem:$0x1E400] =	vst v63  }
0x3f: {  	_ =	swait.ge [sflag:s11], $0x4000  }
0x40: {  	[sflag:s11] =	ssyncset.done $0x0  }
0x41: {  	s28 =	sadd.s32 $0x180, s28;
	[sflag:s11] =	ssyncadd.s32 $0xFFFFC000  }
0x42: {  	[tilespmem:s15], [sflag:$0x1] =	stream.indirect.gather [hbm4b:s1+s13], $0x80, s28, s13, $0xb8;
	[tilespmem:$0x1E400] =	vst v63  }
0x43: {  	_ =	swait.ge [sflag:s16], $0x4000  }
0x44: {  	[sflag:s16] =	ssyncset.done $0x0  }
0x45: {  	[sflag:s16] =	ssyncadd.s32 $0xFFFFC000  }
0x46: {  	[spmem:s3] =	stream.indirect.scatter.add.f32 [tilespmem:s14], [sflag:$0x2], $0x80, s17, s13, $0xb8;
	[tilespmem:$0x1E400] =	vst v63  }
0x47: {  	_ =	swait.ge [sflag:s11], $0x4000  }
0x48: {  	[sflag:s11] =	ssyncset.done $0x0  }
0x49: {  	[sflag:s11] =	ssyncadd.s32 $0xFFFFC000  }
0x4a: {  	[tilespmem:s14], [sflag:$0x1] =	stream.indirect.gather [hbm4b:s1+s13], $0x80, s18, s13, $0xb8;
	[tilespmem:$0x1E400] =	vst v63  }
0x4b: {  	_ =	swait.ge [sflag:s16], $0x4000  }
0x4c: {  	[sflag:s16] =	ssyncset.done $0x0  }
0x4d: {  	[sflag:s16] =	ssyncadd.s32 $0xFFFFC000  }
0x4e: {  	[spmem:s3] =	stream.indirect.scatter.add.f32 [tilespmem:s15], [sflag:$0x2], $0x80, s19, s13, $0xb8;
	[tilespmem:$0x1E400] =	vst v63  }
0x4f: {  	_ =	swait.ge [sflag:s11], $0x4000  }
0x50: {  	[sflag:s11] =	ssyncset.done $0x0  }
0x51: {  	[sflag:s11] =	ssyncadd.s32 $0xFFFFC000  }
0x52: {  	[tilespmem:s15], [sflag:$0x1] =	stream.indirect.gather [hbm4b:s1+s13], $0x80, s20, s13, $0xb8;
	[tilespmem:$0x1E400] =	vst v63  }
0x53: {  	_ =	swait.ge [sflag:s16], $0x4000  }
0x54: {  	[sflag:s16] =	ssyncset.done $0x0  }
0x55: {  	[sflag:s16] =	ssyncadd.s32 $0xFFFFC000  }
0x56: {  	[spmem:s3] =	stream.indirect.scatter.add.f32 [tilespmem:s14], [sflag:$0x2], $0x80, s21, s13, $0xb8;
	[tilespmem:$0x1E400] =	vst v63  }
0x57: {  	_ =	swait.ge [sflag:s11], $0x4000  }
0x58: {  	[sflag:s11] =	ssyncset.done $0x0  }
0x59: {  	[sflag:s11] =	ssyncadd.s32 $0xFFFFC000  }
0x5a: {  	[tilespmem:s14], [sflag:$0x1] =	stream.indirect.gather [hbm4b:s1+s13], $0x80, s20, s13, $0xb8;
	[tilespmem:$0x1E400] =	vst v63  }
0x5b: {  	_ =	swait.ge [sflag:s16], $0x4000  }
0x5c: {  	[sflag:s16] =	ssyncset.done $0x0  }
0x5d: {  	[sflag:s16] =	ssyncadd.s32 $0xFFFFC000  }
0x5e: {  	[spmem:s3] =	stream.indirect.scatter.add.f32 [tilespmem:s15], [sflag:$0x2], $0x80, s22, s13, $0xb8;
	[tilespmem:$0x1E400] =	vst v63  }
0x5f: {  	_ =	swait.ge [sflag:s11], $0x4000  }
0x60: {  	[sflag:s11] =	ssyncset.done $0x0  }
0x61: {  	[sflag:s11] =	ssyncadd.s32 $0xFFFFC000  }
0x62: {  	[tilespmem:s15], [sflag:$0x1] =	stream.indirect.gather [hbm4b:s1+s13], $0x80, s20, s13, $0xb8;
	[tilespmem:$0x1E400] =	vst v63  }
0x63: {  	_ =	swait.ge [sflag:s16], $0x4000  }
0x64: {  	[sflag:s16] =	ssyncset.done $0x0  }
0x65: {  	[sflag:s16] =	ssyncadd.s32 $0xFFFFC000  }
0x66: {  	_ =	swait.ge [sflag:s16], $0x4000  }
0x67: {  	[sflag:s16] =	ssyncset.done $0x0  }
0x68: {  	s26 =	simm.s32 $0x0;
	[sflag:s16] =	ssyncadd.s32 $0xFFFFC000  }
0x69: {  	[tilespmem:s26], [sflag:$0x2] =	stream.linear.gather [hbm4b:s23+s26], $0x1400, $0x38;
	[tilespmem:$0x1E400] =	vst v63  }
0x6a: {  	_ =	swait.ge [sflag:s11], $0x1400  }
0x6b: {  	[sflag:s11] =	ssyncset.done $0x0  }
0x6c: {  	s28 =	sadd.s32 $0x280, s8;
	[sflag:s11] =	ssyncadd.s32 $0xFFFFEC00  }
0x6d: {  	[tilespmem:s12], [sflag:$0x2] =	stream.linear.gather [hbm4b:s28+s26], $0x1400, $0x38;
	[tilespmem:$0x1E400] =	vst v63  }
0x6e: {  	_ =	swait.ge [sflag:s11], $0x1400  }
0x6f: {  	[sflag:s11] =	ssyncset.done $0x0  }
0x70: {  	[sflag:s11] =	ssyncadd.s32 $0xFFFFEC00  }
0x71: {  	[tilespmem:s14], [sflag:$0x1] =	stream.indirect.gather [hbm4b:s1+s13], $0x80, s26, s13, $0xb8;
	[tilespmem:$0x1E400] =	vst v63  }
0x72: {  	_ = 	snop  }
0x73: {  	[tilespmem:s15], [sflag:$0x1] =	stream.indirect.gather [hbm4b:s1+s13], $0x80, s13, s13, $0xb8;
	[tilespmem:$0x1E400] =	vst v63  }
0x74: {  	_ =	swait.ge [sflag:s16], $0x4000  }
0x75: {  	[sflag:s16] =	ssyncset.done $0x0  }
0x76: {  	s29 =	simm.s32 $0x1400;
	[sflag:s16] =	ssyncadd.s32 $0xFFFFC000  }
0x77: {  	[spmem:s3] =	stream.indirect.scatter.add.f32 [tilespmem:s14], [sflag:$0x2], $0x80, s29, s13, $0xb8;
	[tilespmem:$0x1E400] =	vst v63  }
0x78: {  	_ =	swait.ge [sflag:s11], $0x4000  }
0x79: {  	[sflag:s11] =	ssyncset.done $0x0  }
0x7a: {  	s30 =	simm.s32 $0x100;
	[sflag:s11] =	ssyncadd.s32 $0xFFFFC000  }
0x7b: {  	[tilespmem:s14], [sflag:$0x1] =	stream.indirect.gather [hbm4b:s1+s13], $0x80, s30, s13, $0xb8;
	[tilespmem:$0x1E400] =	vst v63  }
0x7c: {  	_ =	swait.ge [sflag:s16], $0x4000  }
0x7d: {  	[sflag:s16] =	ssyncset.done $0x0  }
0x7e: {  	s31 =	simm.s32 $0x1480;
	[sflag:s16] =	ssyncadd.s32 $0xFFFFC000  }
0x7f: {  	[spmem:s3] =	stream.indirect.scatter.add.f32 [tilespmem:s15], [sflag:$0x2], $0x80, s31, s13, $0xb8;
	[tilespmem:$0x1E400] =	vst v63  }
0x80: {  	_ =	swait.ge [sflag:s11], $0x4000  }
0x81: {  	[sflag:s11] =	ssyncset.done $0x0  }
0x82: {  	s28 =	simm.s32 $0x180;
	s26 =	simm.s32 $0x400;
	[sflag:s11] =	ssyncadd.s32 $0xFFFFC000  }
.LBB2_4:
0x83: {  	[tilespmem:s15], [sflag:$0x1] =	stream.indirect.gather [hbm4b:s1+s13], $0x80, s28, s13, $0xb8;
	[tilespmem:$0x1E400] =	vst v63  }
0x84: {  	s28 =	smov.u32 s26  }
0x85: {  	p0 =	sne.s32 s26, $0x4400;
	s26 =	sadd.s32 $0x400, s26;
	_ =	swait.ge [sflag:s16], $0x4000  }
0x86: {  	s28 =	sshra.s32 s28, $0x2;
	[sflag:s16] =	ssyncset.done $0x0  }
0x87: {  	s29 =	sadd.s32 $0x1400, s28;
	[sflag:s16] =	ssyncadd.s32 $0xFFFFC000  }
0x88: {  	[spmem:s3] =	stream.indirect.scatter.add.f32 [tilespmem:s14], [sflag:$0x2], $0x80, s29, s13, $0xb8;
	[tilespmem:$0x1E400] =	vst v63  }
0x89: {  	_ =	swait.ge [sflag:s11], $0x4000  }
0x8a: {  	[sflag:s11] =	ssyncset.done $0x0  }
0x8b: {  	s29 =	sadd.s32 $0x100, s28;
	[sflag:s11] =	ssyncadd.s32 $0xFFFFC000  }
0x8c: {  	[tilespmem:s14], [sflag:$0x1] =	stream.indirect.gather [hbm4b:s1+s13], $0x80, s29, s13, $0xb8;
	[tilespmem:$0x1E400] =	vst v63  }
0x8d: {  	_ =	swait.ge [sflag:s16], $0x4000  }
0x8e: {  	[sflag:s16] =	ssyncset.done $0x0  }
.Ltmp1:
0x8f: {  	s29 =	sadd.s32 $0x1480, s28;
	[sflag:s16] =	ssyncadd.s32 $0xFFFFC000;
	(pc) =	sbr.rel @p0 .LBB2_4-.Ltmp1, $4  }
0x90: {  	[spmem:s3] =	stream.indirect.scatter.add.f32 [tilespmem:s15], [sflag:$0x2], $0x80, s29, s13, $0xb8;
	[tilespmem:$0x1E400] =	vst v63  }
0x91: {  	_ =	swait.ge [sflag:s11], $0x4000  }
0x92: {  	[sflag:s11] =	ssyncset.done $0x0  }
0x93: {  	s28 =	sadd.s32 $0x180, s28;
	[sflag:s11] =	ssyncadd.s32 $0xFFFFC000  }
0x94: {  	[tilespmem:s15], [sflag:$0x1] =	stream.indirect.gather [hbm4b:s1+s13], $0x80, s28, s13, $0xb8;
	[tilespmem:$0x1E400] =	vst v63  }
0x95: {  	_ =	swait.ge [sflag:s16], $0x4000  }
0x96: {  	[sflag:s16] =	ssyncset.done $0x0  }
0x97: {  	[sflag:s16] =	ssyncadd.s32 $0xFFFFC000  }
0x98: {  	[spmem:s3] =	stream.indirect.scatter.add.f32 [tilespmem:s14], [sflag:$0x2], $0x80, s17, s13, $0xb8;
	[tilespmem:$0x1E400] =	vst v63  }
0x99: {  	_ =	swait.ge [sflag:s11], $0x4000  }
0x9a: {  	[sflag:s11] =	ssyncset.done $0x0  }
0x9b: {  	[sflag:s11] =	ssyncadd.s32 $0xFFFFC000  }
0x9c: {  	[tilespmem:s14], [sflag:$0x1] =	stream.indirect.gather [hbm4b:s1+s13], $0x80, s18, s13, $0xb8;
	[tilespmem:$0x1E400] =	vst v63  }
0x9d: {  	_ =	swait.ge [sflag:s16], $0x4000  }
0x9e: {  	[sflag:s16] =	ssyncset.done $0x0  }
0x9f: {  	[sflag:s16] =	ssyncadd.s32 $0xFFFFC000  }
0xa0: {  	[spmem:s3] =	stream.indirect.scatter.add.f32 [tilespmem:s15], [sflag:$0x2], $0x80, s19, s13, $0xb8;
	[tilespmem:$0x1E400] =	vst v63  }
0xa1: {  	_ =	swait.ge [sflag:s11], $0x4000  }
0xa2: {  	[sflag:s11] =	ssyncset.done $0x0  }
0xa3: {  	[sflag:s11] =	ssyncadd.s32 $0xFFFFC000  }
0xa4: {  	[tilespmem:s15], [sflag:$0x1] =	stream.indirect.gather [hbm4b:s1+s13], $0x80, s20, s13, $0xb8;
	[tilespmem:$0x1E400] =	vst v63  }
0xa5: {  	_ =	swait.ge [sflag:s16], $0x4000  }
0xa6: {  	[sflag:s16] =	ssyncset.done $0x0  }
0xa7: {  	[sflag:s16] =	ssyncadd.s32 $0xFFFFC000  }
0xa8: {  	[spmem:s3] =	stream.indirect.scatter.add.f32 [tilespmem:s14], [sflag:$0x2], $0x80, s21, s13, $0xb8;
	[tilespmem:$0x1E400] =	vst v63  }
0xa9: {  	_ =	swait.ge [sflag:s11], $0x4000  }
0xaa: {  	[sflag:s11] =	ssyncset.done $0x0  }
0xab: {  	[sflag:s11] =	ssyncadd.s32 $0xFFFFC000  }
0xac: {  	[tilespmem:s14], [sflag:$0x1] =	stream.indirect.gather [hbm4b:s1+s13], $0x80, s20, s13, $0xb8;
	[tilespmem:$0x1E400] =	vst v63  }
0xad: {  	_ =	swait.ge [sflag:s16], $0x4000  }
0xae: {  	[sflag:s16] =	ssyncset.done $0x0  }
0xaf: {  	[sflag:s16] =	ssyncadd.s32 $0xFFFFC000  }
0xb0: {  	[spmem:s3] =	stream.indirect.scatter.add.f32 [tilespmem:s15], [sflag:$0x2], $0x80, s22, s13, $0xb8;
	[tilespmem:$0x1E400] =	vst v63  }
0xb1: {  	_ =	swait.ge [sflag:s11], $0x4000  }
0xb2: {  	[sflag:s11] =	ssyncset.done $0x0  }
0xb3: {  	[sflag:s11] =	ssyncadd.s32 $0xFFFFC000  }
0xb4: {  	[tilespmem:s15], [sflag:$0x1] =	stream.indirect.gather [hbm4b:s1+s13], $0x80, s20, s13, $0xb8;
	[tilespmem:$0x1E400] =	vst v63  }
0xb5: {  	_ =	swait.ge [sflag:s16], $0x4000  }
0xb6: {  	[sflag:s16] =	ssyncset.done $0x0  }
0xb7: {  	[sflag:s16] =	ssyncadd.s32 $0xFFFFC000  }
0xb8: {  	_ =	swait.ge [sflag:s16], $0x4000  }
0xb9: {  	s25 =	sadd.s32 $0x1, s25;
	[sflag:s16] =	ssyncset.done $0x0  }
0xba: {  	p0 =	sne.s32 s25, s9;
	[sflag:s16] =	ssyncadd.s32 $0xFFFFC000  }
.Ltmp2:
0xbb: {  	[bflag:$0x0] =	sbarrier.arrive $0xFFFF;
	(pc) =	sbr.rel @p0 .LBB2_1-.Ltmp2, $4  }
0xbc: {  	[hbm:s24], [sflag:s6] =	dma.local [spmem:s10], $0x2780  }
0xbd: {  	_ =	swait.ge [sflag:s11], $0x2780  }
0xbe: {  	[sflag:s11] =	ssyncset.done $0x0  }
0xbf: {  	[sflag:s11] =	ssyncadd.s32 $0xFFFFD880  }
0xc0: {  	_ =	sfence.sel $0x180000  }
0xc1: {  	[bflag:$0x0] =	sbarrier.arrive $0xFFFF  }
0xc2: {  	p0 =	sne.s32 s0, $0x0;
	_ =	strace $0x9000004A  }
0xc3: {  	s0 =	sadd.s32 @!p0 $0x100000, s2;
	[bflag:$0x2] =	sbarrier.arrive $0xFFFF  }
0xc4: {  	[sflag:s0] =	ssyncadd.tile.s32 @!p0 $0x1;
	_ =	shalt  }
.Lfunc_end2:
_tile_overlayer_lowered:
.L_overlay_start_2:
0xc5: {  	(tag) =	ssettag $0x2  }
0xc6: {  	s0 =	rddreg [dreg:$0x0];
	s2 =	stileid.u32  }
0xc7: {  	s1 =	rddreg [dreg:$0x1];
	p0 =	sne.s32 s2, $0x0  }
0xc8: {  	s3 =	rddreg [dreg:$0x2];
	[bflag:$0x3] =	sbarrier.arrive $0xFFFF;
	s2 =	simm.s32 @!p0 $0x1C02  }
0xc9: {  	[timem:s3], [sflag:s2] =	dma.local @!p0 [hbm:s0], s1  }
0xca: {  	s0 =	simm.s32 @!p0 $0x2  }
0xcb: {  	_ =	swait.ge @!p0 [sflag:s0], s1  }
0xcc: {  	s1 =	ssub.s32 @!p0 $0x0, s1;
	[sflag:s0] =	ssyncset.done @!p0 $0x0  }
0xcd: {  	[sflag:s0] =	ssyncadd.s32 @!p0 s1  }
0xce: {  	[bflag:$0x3] =	sbarrier.arrive $0xFFFF  }
0xcf: {  	_ =	shalt  }

// kernel: kernel.14.cloned.1.call-start
scs
__scs_entry_jumppad:
0x0: {  	(pc) =	sbr.rel $0x88, $3  }
0x1: {  	(tag) =	ssettag $0x0;
	lr =	simm.s32 $0x1  }
0x2: {  	[smem:$0x3F9B] =	sst lr;
	_ =	strace $0xD0000000  }
0x3: {  	_ = 	snop  }
0x4: {  	_ = 	snop  }
0x5: {  	_ = 	snop  }
0x6: {  	_ = 	snop  }
0x7: {  	_ = 	snop  }
__scs_overlays_trampoline_lowered:
0x8: {  	[smem:$0x3FAA] =	sst s0  }
0x9: {  	[smem:$0x3FAB] =	sst s1  }
0xa: {  	[smem:$0x3FAC] =	sst s2  }
0xb: {  	[smem:$0x3FAD] =	sst s3  }
0xc: {  	[smem:$0x3FAE] =	sst s4  }
0xd: {  	[smem:$0x3FAF] =	sst s5  }
0xe: {  	[smem:$0x3FB0] =	sst s6  }
0xf: {  	[smem:$0x3FB1] =	sst s7  }
0x10: {  	[smem:$0x3FB2] =	sst s8  }
0x11: {  	[smem:$0x3FB3] =	sst s9;
	s0 =	simm.s32 @!p0 $0x0  }
0x12: {  	s1 =	sld [smem:$0x3F99];
	s0 =	simm.s32 @p0 $0x1  }
0x13: {  	[smem:$0x3FB4] =	sst s0;
	s0 =	simm.s32 @!p1 $0x0  }
0x14: {  	s2 =	sld [smem:$0x3F98];
	s0 =	simm.s32 @p1 $0x1  }
0x15: {  	[smem:$0x3FB5] =	sst s0;
	s0 =	simm.s32 @!p2 $0x0  }
0x16: {  	s3 =	sld [smem:$0x3FDB];
	s0 =	simm.s32 @p2 $0x1  }
0x17: {  	s4 =	simm.s32 $0x1BF5;
	[smem:$0x3FB7] =	sst s0  }
0x18: {  	s0 =	sld [smem:$0x3F9A];
	_ =	swait.ge [sflag:s4], $0x0  }
0x19: {  	s7 =	sld [smem:$0x3F9B]  }
0x1a: {  	s8 =	sadd.s32 $0xFFFFE003, lr  }
0x1b: {  	s9 =	sadd.s32 $0xFFFFFEF7, lr;
	s5 =	simm.s32 $0xFFFFFFFF;
	p2 =	slt.u32 s8, $0xFFFFF086  }
0x1c: {  	p1 =	slt.u32 s9, $0xF7A;
	s5 =	simm.s32 @!p2 $0x0  }
0x1d: {  	s5 =	simm.s32 @p1 $0x1;
	p0 =	seq.s32 s7, s2  }
0x1e: {  	s7 =	smul.u32 @!p0 $0xF7A, s2;
	p2 =	seq.s32 @!p0 s5, $0x0  }
0x1f: {  	s9 =	smul.u32 $0xF7A, s1;
	s8 =	simm.s32 @!p0 $0x1BF5;
	p2 =	por !p2, p0  }
0x20: {  	[sflag:s8] =	ssyncset.s32 @!p0 $0xFFFFF086;
	s6 =	sadd.s32 @!p0 s3, s7;
	s7 =	simm.s32 @!p0 $0x108  }
0x21: {  	s3 =	sadd.s32 s3, s9;
	s6 =	sadd.s32 @!p0 $0x88, s6;
	s7 =	simm.s32 @p2 $0x1082  }
0x22: {  	[simem:s7], [sflag:s8] =	dma.local @!p0 [hbm:s6], $0xF7A  }
0x23: {  	s9 =	sor.u32 $0xD0000000, s2;
	s6 =	simm.s32 $0x108;
	_ =	swait.ge @!p0 [sflag:s8], $0x0  }
0x24: {  	s3 =	sadd.s32 $0x88, s3;
	s6 =	simm.s32 @!p1 $0x1082;
	[sflag:s4] =	ssyncset.s32 $0xFFFFF086  }
0x25: {  	[simem:s6], [sflag:s4] =	dma.local [hbm:s3], $0xF7A  }
0x26: {  	[smem:$0x3F9B] =	sst s1;
	(tag) =	ssettag s2;
	_ =	strace s9  }
0x27: {  	s1 =	sld [smem:$0x3FAB]  }
0x28: {  	s2 =	sld [smem:$0x3FAC]  }
0x29: {  	s4 =	sld [smem:$0x3FAE]  }
0x2a: {  	p0 =	seq.s32 s5, $0x0;
	s5 =	sld [smem:$0x3FAF]  }
0x2b: {  	s6 =	sld [smem:$0x3FB0]  }
0x2c: {  	s7 =	sld [smem:$0x3FB1]  }
0x2d: {  	s3 =	simm.s32 $0x108;
	s8 =	sld [smem:$0x3FB2]  }
0x2e: {  	s3 =	simm.s32 @!p0 $0x1082;
	s9 =	sld [smem:$0x3FB3]  }
0x2f: {  	lr =	sadd.s32 s0, s3;
	s0 =	sld [smem:$0x3FAA]  }
0x30: {  	s3 =	sld [smem:$0x3FAD]  }
0x31: {  	[smem:$0x3FB6] =	sst s10  }
0x32: {  	s10 =	sld [smem:$0x3FB4];
	_ =	sdelay $0x3  }
0x33: {  	p0 =	seq.s32 s10, $0x1;
	s10 =	sld [smem:$0x3FB6];
	_ =	sdelay $0x3  }
0x34: {  	[smem:$0x3FB6] =	sst s10  }
0x35: {  	s10 =	sld [smem:$0x3FB5];
	_ =	sdelay $0x3  }
0x36: {  	p1 =	seq.s32 s10, $0x1;
	s10 =	sld [smem:$0x3FB6];
	_ =	sdelay $0x3  }
0x37: {  	[smem:$0x3FB6] =	sst s10  }
0x38: {  	s10 =	sld [smem:$0x3FB7]  }
0x39: {  	_ = 	snop;
	(pc) =	sbr.ind lr, $3  }
0x3a: {  	_ = 	snop  }
0x3b: {  	_ = 	snop  }
0x3c: {  	p2 =	seq.s32 s10, $0x1;
	s10 =	sld [smem:$0x3FB6]  }
0x3d: {  	_ =	shalt  }
0x3e: {  	_ =	shalt  }
0x3f: {  	_ =	shalt  }
0x40: {  	_ =	shalt  }
0x41: {  	_ =	shalt  }
0x42: {  	_ =	shalt  }
0x43: {  	_ =	shalt  }
0x44: {  	_ =	shalt  }
0x45: {  	_ =	shalt  }
0x46: {  	_ =	shalt  }
0x47: {  	_ =	shalt  }
0x48: {  	_ =	shalt  }
0x49: {  	_ =	shalt  }
0x4a: {  	_ =	shalt  }
0x4b: {  	_ =	shalt  }
0x4c: {  	_ =	shalt  }
0x4d: {  	_ =	shalt  }
0x4e: {  	_ =	shalt  }
0x4f: {  	_ =	shalt  }
0x50: {  	_ =	shalt  }
0x51: {  	_ =	shalt  }
0x52: {  	_ =	shalt  }
0x53: {  	_ =	shalt  }
0x54: {  	_ =	shalt  }
0x55: {  	_ =	shalt  }
0x56: {  	_ =	shalt  }
0x57: {  	_ =	shalt  }
0x58: {  	_ =	shalt  }
0x59: {  	_ =	shalt  }
0x5a: {  	_ =	shalt  }
0x5b: {  	_ =	shalt  }
0x5c: {  	_ =	shalt  }
0x5d: {  	_ =	shalt  }
0x5e: {  	_ =	shalt  }
0x5f: {  	_ =	shalt  }
0x60: {  	_ =	shalt  }
0x61: {  	_ =	shalt  }
0x62: {  	_ =	shalt  }
0x63: {  	_ =	shalt  }
0x64: {  	_ =	shalt  }
0x65: {  	_ =	shalt  }
0x66: {  	_ =	shalt  }
0x67: {  	_ =	shalt  }
0x68: {  	_ =	shalt  }
0x69: {  	_ =	shalt  }
0x6a: {  	_ =	shalt  }
0x6b: {  	_ =	shalt  }
0x6c: {  	_ =	shalt  }
0x6d: {  	_ =	shalt  }
0x6e: {  	_ =	shalt  }
0x6f: {  	_ =	shalt  }
0x70: {  	_ =	shalt  }
0x71: {  	_ =	shalt  }
0x72: {  	_ =	shalt  }
0x73: {  	_ =	shalt  }
0x74: {  	_ =	shalt  }
0x75: {  	_ =	shalt  }
0x76: {  	_ =	shalt  }
0x77: {  	_ =	shalt  }
0x78: {  	_ =	shalt  }
0x79: {  	_ =	shalt  }
0x7a: {  	_ =	shalt  }
0x7b: {  	_ =	shalt  }
0x7c: {  	_ =	shalt  }
0x7d: {  	_ =	shalt  }
0x7e: {  	_ =	shalt  }
0x7f: {  	_ =	shalt  }
0x80: {  	_ =	shalt  }
0x81: {  	_ =	shalt  }
0x82: {  	_ =	shalt  }
0x83: {  	_ =	shalt  }
0x84: {  	_ =	shalt  }
0x85: {  	_ =	shalt  }
0x86: {  	_ =	shalt  }
0x87: {  	_ =	shalt  }
.Lfunc_end0:
.L_simem_size_0:
called_computation.2_lowered:
.L_overlay_start_0:
0x88: {  	s2 =	sld [smem:$0x3FD9]  }
0x89: {  	s3 =	sld [smem:$0x3FFE];
	_ =	sdelay $0x1  }
0x8a: {  	s1 =	srdreg.scid  }
0x8b: {  	s0 =	sand.u32 $0x1, s1  }
0x8c: {  	s17 =	sshll.u32 s0, $0xA;
	s2 =	sadd.s32 s3, s2  }
0x8d: {  	s2 =	sadd.s32 s2, s17  }
0x8e: {  	[smem:$0x3FC2] =	sst s2  }
0x8f: {  	_ = 	snop  }
0x90: {  	s2 =	sld [smem:$0x3FD0];
	(tm) =	ssettm $0x1  }
0x91: {  	s18 =	sld [smem:$0x3FFB];
	_ =	sdelay $0x3  }
0x92: {  	_ =	strace s18  }
0x93: {  	s3 =	sld [smem:$0x3FFC];
	_ =	sdelay $0x3  }
0x94: {  	_ =	strace s3  }
0x95: {  	s3 =	sld [smem:$0x3FFD];
	_ =	sdelay $0x3  }
0x96: {  	_ =	strace s3  }
0x97: {  	_ =	strace $0x8FFFFFFF  }
0x98: {  	s19 =	sld [smem:$0x3FDB];
	_ =	sdelay $0x1  }
0x99: {  	s4 =	simm.s32 $_scs_section_size  }
0x9a: {  	s5 =	simm.s32 $_size__tile_overlayer_lowered;
	s6 =	simm.s32 $_tile_overlayer_lowered  }
0x9b: {  	s22 =	simm.s32 $0x1BFF;
	s21 =	sshll.u32 s6, $0x1;
	s3 =	sadd.s32 s4, s19  }
0x9c: {  	s7 =	simm.s32 $0x0;
	s20 =	sshll.u32 s5, $0x1;
	s5 =	sadd.s32 s21, s3  }
0x9d: {  	[timem:s7], [sflag:s22] =	dma.local [hbm:s5], s20  }
0x9e: {  	_ =	swait.ge [sflag:s22], s20  }
0x9f: {  	s4 =	ssub.s32 $0x0, s20;
	[sflag:s22] =	ssyncset.done $0x0  }
0xa0: {  	[sflag:s22] =	ssyncadd.s32 s4;
	_ =	sdelay $0x1  }
0xa1: {  	s23 =	simm.s32 $0x1B8B  }
0xa2: {  	_ =	swait.ge [sflag:s23], $0x1  }
0xa3: {  	[sflag:s23] =	ssyncset.done $0x0  }
0xa4: {  	s25 =	simm.s32 $0x1B8E;
	s24 =	sld [smem:$0x3FFE];
	[sflag:s23] =	ssyncadd.s32 $0xFFFFFFFF  }
0xa5: {  	s26 =	simm.s32 $execute0_lowered;
	[smem:$0x3FD2] =	sst s25  }
0xa6: {  	s5 =	sshll.u32 s26, $0x1;
	_ =	strace $0x8000004C;
	[dreg:$0x1] =	wrdreg $0xFFFFFFFF  }
0xa7: {  	s28 =	simm.s32 $_size_execute0_lowered;
	s3 =	sadd.s32 s3, s5;
	[dreg:$0x0] =	wrdreg $0x0  }
0xa8: {  	s5 =	sshll.u32 s28, $0x1;
	[dreg:$0x2] =	wrdreg s3  }
0xa9: {  	[dreg:$0x3] =	wrdreg s5  }
0xaa: {  	[dreg:$0x4] =	wrdreg $0xC0  }
0xab: {  	_ =	task [dreg:s7], $0x5FFFF  }
0xac: {  	[dreg:$0x1] =	wrdreg $0xFFFFFFFF  }
0xad: {  	[dreg:$0x0] =	wrdreg $0x60  }
0xae: {  	[dreg:$0x2] =	wrdreg s2  }
0xaf: {  	[dreg:$0x3] =	wrdreg s24  }
0xb0: {  	[dreg:$0x4] =	wrdreg $0xA8000  }
0xb1: {  	[dreg:$0x5] =	wrdreg $0x9  }
0xb2: {  	_ =	task.clear_ibuf [dreg:s7], $0x6FFFF;
	_ =	strace $0x9000004C  }
0xb3: {  	s29 =	simm.s32 $0x9;
	_ =	strace $0x8000004E  }
0xb4: {  	_ =	swait.ge [sflag:s29], $0x1  }
0xb5: {  	[sflag:s29] =	ssyncadd.s32 $0xFFFFFFFF  }
0xb6: {  	_ =	strace $0x9000004E  }
0xb7: {  	_ =	sfence  }
0xb8: {  	s30 =	sld [smem:$0x0];
	_ =	sdelay $0x2  }
0xb9: {  	s31 =	sshll.u32 s1, $0xD;
	s1 =	sshrl.u32 s1, $0x2  }
0xba: {  	s3 =	sand.u32 $0x4000, s31;
	s1 =	sadd.s32 s1, s30  }
0xbb: {  	s0 =	sor.u32 s3, s0;
	s1 =	sshll.u32 s1, $0x11  }
0xbc: {  	s0 =	sor.u32 s1, s0  }
0xbd: {  	s0 =	sadd.s32 $0x8F2B, s0  }
0xbe: {  	[sflag:s0] =	ssyncadd.remote.s32 $0x1  }
0xbf: {  	_ =	sfence.sel $0xFFFF  }
0xc0: {  	[dreg:$0x0] =	wrdreg $0xFFFFFFFF;
	(pc) =	sbr.abs _section_cstart, $3  }
0xc1: {  	[dreg:$0x1] =	wrdreg $0xFFFFFFFF  }
0xc2: {  	_ =	task.clear_ibuf [dreg:s7], $0x2FFFF;
	_ =	strace $0x9FFFFFFF  }
0xc3: {  	(tm) =	ssettm $0x7FFFFFFF  }
tec
execute0_lowered:
.L_overlay_start_1:
0x0: {  	(tag) =	ssettag $0x1  }
0x1: {  	s1 =	rddreg [dreg:$0x0]  }
0x2: {  	s7 =	rddreg [dreg:$0x1]  }
0x3: {  	s0 =	srdreg.scid;
	s3 =	rddreg [dreg:$0x2]  }
0x4: {  	s4 =	simm.s32 $0x0;
	s14 =	simm.s32 $0x2800;
	s15 =	simm.s32 $0x6800  }
0x5: {  	s16 =	simm.s32 $0x1;
	s17 =	simm.s32 $0x2600;
	s18 =	simm.s32 $0x1300  }
0x6: {  	s19 =	simm.s32 $0x2680;
	s20 =	simm.s32 $0x1380;
	s21 =	simm.s32 $0x2700  }
0x7: {  	s22 =	simm.s32 $0x2780;
	s6 =	sand.u32 $0x1, s0;
	s0 =	stileid.u32  }
0x8: {  	[smem:$0x7FF] =	sst s4;
	s2 =	sshll.u32 s6, $0x4;
	s8 =	smul.u32 $0x27800, s6  }
0x9: {  	s10 =	smul.u32 $0x4F000, s0;
	s6 =	ssub.s32 $0x2, s6;
	s31 =	sshll.u32 s0, $0x6  }
0xa: {  	s25 =	smul.u32 $0x2780, s0;
	s5 =	sor.u32 s0, s2;
	s2 =	rddreg [dreg:$0x3]  }
0xb: {  	_ =	strace $0x8000004D;
	s29 =	sshrl.u32 s6, $0x1;
	s5 =	smul.u32 $0x500, s5  }
0xc: {  	s11 =	sadd.s32 s8, s7;
	s30 =	sshrl.u32 s10, $0x2;
	s12 =	ssub.s32 s6, s29  }
0xd: {  	s6 =	sor.u32 $0x1C02, s31;
	s13 =	sadd.s32 s30, s3;
	s24 =	sadd.s32 $0x18400, s11  }
0xe: {  	s11 =	simm.s32 $0x2;
	s9 =	sadd.s32 s5, s7;
	s5 =	sadd.s32 $0x15C00, s7  }
0xf: {  	s10 =	sshrl.u32 s13, $0x3;
	s13 =	simm.s32 $0x80;
	s24 =	sadd.s32 s25, s24  }
0x10: {  	s25 =	simm.s32 $0x0;
	s7 =	sadd.s32 $0xBC00, s9;
	s8 =	sadd.s32 $0x1C00, s9  }
0x11: {  	s9 =	smax.u32 s12, $0x1;
	s12 =	simm.s32 $0x1400;
	s23 =	sadd.s32 $0x280, s7  }
.LBB2_1:
0x12: {  	[spmem:s10], [sflag:s6] =	dma.local [hbm:s5], $0x2780  }
0x13: {  	_ =	swait.ge [sflag:s11], $0x2780  }
0x14: {  	[sflag:s11] =	ssyncset.done $0x0  }
0x15: {  	[sflag:s11] =	ssyncadd.s32 $0xFFFFD880  }
0x16: {  	[bflag:$0x0] =	sbarrier.arrive $0xFFFF  }
0x17: {  	[tilespmem:s4], [sflag:$0x2] =	stream.linear.gather [hbm4b:s7+s4], $0x1400, $0x38;
	[tilespmem:$0x1E400] =	vst v63  }
0x18: {  	_ =	swait.ge [sflag:s11], $0x1400  }
0x19: {  	[sflag:s11] =	ssyncset.done $0x0  }
0x1a: {  	[sflag:s11] =	ssyncadd.s32 $0xFFFFEC00  }
0x1b: {  	[tilespmem:s12], [sflag:$0x2] =	stream.linear.gather [hbm4b:s8+s4], $0x1400, $0x38;
	[tilespmem:$0x1E400] =	vst v63  }
0x1c: {  	_ =	swait.ge [sflag:s11], $0x1400  }
0x1d: {  	[sflag:s11] =	ssyncset.done $0x0  }
0x1e: {  	[sflag:s11] =	ssyncadd.s32 $0xFFFFEC00  }
0x1f: {  	[tilespmem:s14], [sflag:$0x1] =	stream.indirect.gather [hbm4b:s1+s13], $0x80, s4, s13, $0xb8;
	[tilespmem:$0x1E400] =	vst v63  }
0x20: {  	_ = 	snop  }
0x21: {  	[tilespmem:s15], [sflag:$0x1] =	stream.indirect.gather [hbm4b:s1+s13], $0x80, s13, s13, $0xb8;
	[tilespmem:$0x1E400] =	vst v63  }
0x22: {  	_ =	swait.ge [sflag:s16], $0x4000  }
0x23: {  	[sflag:s16] =	ssyncset.done $0x0  }
0x24: {  	s26 =	simm.s32 $0x1400;
	[sflag:s16] =	ssyncadd.s32 $0xFFFFC000  }
0x25: {  	[spmem:s3] =	stream.indirect.scatter.add.f32 [tilespmem:s14], [sflag:$0x2], $0x80, s26, s13, $0xb8;
	[tilespmem:$0x1E400] =	vst v63  }
0x26: {  	_ =	swait.ge [sflag:s11], $0x4000  }
0x27: {  	[sflag:s11] =	ssyncset.done $0x0  }
0x28: {  	s30 =	simm.s32 $0x100;
	[sflag:s11] =	ssyncadd.s32 $0xFFFFC000  }
0x29: {  	[tilespmem:s14], [sflag:$0x1] =	stream.indirect.gather [hbm4b:s1+s13], $0x80, s30, s13, $0xb8;
	[tilespmem:$0x1E400] =	vst v63  }
0x2a: {  	_ =	swait.ge [sflag:s16], $0x4000  }
0x2b: {  	[sflag:s16] =	ssyncset.done $0x0  }
0x2c: {  	s31 =	simm.s32 $0x1480;
	[sflag:s16] =	ssyncadd.s32 $0xFFFFC000  }
0x2d: {  	[spmem:s3] =	stream.indirect.scatter.add.f32 [tilespmem:s15], [sflag:$0x2], $0x80, s31, s13, $0xb8;
	[tilespmem:$0x1E400] =	vst v63  }
0x2e: {  	_ =	swait.ge [sflag:s11], $0x4000  }
0x2f: {  	[sflag:s11] =	ssyncset.done $0x0  }
0x30: {  	s28 =	simm.s32 $0x180;
	s26 =	simm.s32 $0x400;
	[sflag:s11] =	ssyncadd.s32 $0xFFFFC000  }
.LBB2_2:
0x31: {  	[tilespmem:s15], [sflag:$0x1] =	stream.indirect.gather [hbm4b:s1+s13], $0x80, s28, s13, $0xb8;
	[tilespmem:$0x1E400] =	vst v63  }
0x32: {  	s28 =	smov.u32 s26  }
0x33: {  	p0 =	sne.s32 s26, $0x4400;
	s26 =	sadd.s32 $0x400, s26;
	_ =	swait.ge [sflag:s16], $0x4000  }
0x34: {  	s28 =	sshra.s32 s28, $0x2;
	[sflag:s16] =	ssyncset.done $0x0  }
0x35: {  	s29 =	sadd.s32 $0x1400, s28;
	[sflag:s16] =	ssyncadd.s32 $0xFFFFC000  }
0x36: {  	[spmem:s3] =	stream.indirect.scatter.add.f32 [tilespmem:s14], [sflag:$0x2], $0x80, s29, s13, $0xb8;
	[tilespmem:$0x1E400] =	vst v63  }
0x37: {  	_ =	swait.ge [sflag:s11], $0x4000  }
0x38: {  	[sflag:s11] =	ssyncset.done $0x0  }
0x39: {  	s29 =	sadd.s32 $0x100, s28;
	[sflag:s11] =	ssyncadd.s32 $0xFFFFC000  }
0x3a: {  	[tilespmem:s14], [sflag:$0x1] =	stream.indirect.gather [hbm4b:s1+s13], $0x80, s29, s13, $0xb8;
	[tilespmem:$0x1E400] =	vst v63  }
0x3b: {  	_ =	swait.ge [sflag:s16], $0x4000  }
0x3c: {  	[sflag:s16] =	ssyncset.done $0x0  }
.Ltmp0:
0x3d: {  	s29 =	sadd.s32 $0x1480, s28;
	[sflag:s16] =	ssyncadd.s32 $0xFFFFC000;
	(pc) =	sbr.rel @p0 .LBB2_2-.Ltmp0, $4  }
0x3e: {  	[spmem:s3] =	stream.indirect.scatter.add.f32 [tilespmem:s15], [sflag:$0x2], $0x80, s29, s13, $0xb8;
	[tilespmem:$0x1E400] =	vst v63  }
0x3f: {  	_ =	swait.ge [sflag:s11], $0x4000  }
0x40: {  	[sflag:s11] =	ssyncset.done $0x0  }
0x41: {  	s28 =	sadd.s32 $0x180, s28;
	[sflag:s11] =	ssyncadd.s32 $0xFFFFC000  }
0x42: {  	[tilespmem:s15], [sflag:$0x1] =	stream.indirect.gather [hbm4b:s1+s13], $0x80, s28, s13, $0xb8;
	[tilespmem:$0x1E400] =	vst v63  }
0x43: {  	_ =	swait.ge [sflag:s16], $0x4000  }
0x44: {  	[sflag:s16] =	ssyncset.done $0x0  }
0x45: {  	[sflag:s16] =	ssyncadd.s32 $0xFFFFC000  }
0x46: {  	[spmem:s3] =	stream.indirect.scatter.add.f32 [tilespmem:s14], [sflag:$0x2], $0x80, s17, s13, $0xb8;
	[tilespmem:$0x1E400] =	vst v63  }
0x47: {  	_ =	swait.ge [sflag:s11], $0x4000  }
0x48: {  	[sflag:s11] =	ssyncset.done $0x0  }
0x49: {  	[sflag:s11] =	ssyncadd.s32 $0xFFFFC000  }
0x4a: {  	[tilespmem:s14], [sflag:$0x1] =	stream.indirect.gather [hbm4b:s1+s13], $0x80, s18, s13, $0xb8;
	[tilespmem:$0x1E400] =	vst v63  }
0x4b: {  	_ =	swait.ge [sflag:s16], $0x4000  }
0x4c: {  	[sflag:s16] =	ssyncset.done $0x0  }
0x4d: {  	[sflag:s16] =	ssyncadd.s32 $0xFFFFC000  }
0x4e: {  	[spmem:s3] =	stream.indirect.scatter.add.f32 [tilespmem:s15], [sflag:$0x2], $0x80, s19, s13, $0xb8;
	[tilespmem:$0x1E400] =	vst v63  }
0x4f: {  	_ =	swait.ge [sflag:s11], $0x4000  }
0x50: {  	[sflag:s11] =	ssyncset.done $0x0  }
0x51: {  	[sflag:s11] =	ssyncadd.s32 $0xFFFFC000  }
0x52: {  	[tilespmem:s15], [sflag:$0x1] =	stream.indirect.gather [hbm4b:s1+s13], $0x80, s20, s13, $0xb8;
	[tilespmem:$0x1E400] =	vst v63  }
0x53: {  	_ =	swait.ge [sflag:s16], $0x4000  }
0x54: {  	[sflag:s16] =	ssyncset.done $0x0  }
0x55: {  	[sflag:s16] =	ssyncadd.s32 $0xFFFFC000  }
0x56: {  	[spmem:s3] =	stream.indirect.scatter.add.f32 [tilespmem:s14], [sflag:$0x2], $0x80, s21, s13, $0xb8;
	[tilespmem:$0x1E400] =	vst v63  }
0x57: {  	_ =	swait.ge [sflag:s11], $0x4000  }
0x58: {  	[sflag:s11] =	ssyncset.done $0x0  }
0x59: {  	[sflag:s11] =	ssyncadd.s32 $0xFFFFC000  }
0x5a: {  	[tilespmem:s14], [sflag:$0x1] =	stream.indirect.gather [hbm4b:s1+s13], $0x80, s20, s13, $0xb8;
	[tilespmem:$0x1E400] =	vst v63  }
0x5b: {  	_ =	swait.ge [sflag:s16], $0x4000  }
0x5c: {  	[sflag:s16] =	ssyncset.done $0x0  }
0x5d: {  	[sflag:s16] =	ssyncadd.s32 $0xFFFFC000  }
0x5e: {  	[spmem:s3] =	stream.indirect.scatter.add.f32 [tilespmem:s15], [sflag:$0x2], $0x80, s22, s13, $0xb8;
	[tilespmem:$0x1E400] =	vst v63  }
0x5f: {  	_ =	swait.ge [sflag:s11], $0x4000  }
0x60: {  	[sflag:s11] =	ssyncset.done $0x0  }
0x61: {  	[sflag:s11] =	ssyncadd.s32 $0xFFFFC000  }
0x62: {  	[tilespmem:s15], [sflag:$0x1] =	stream.indirect.gather [hbm4b:s1+s13], $0x80, s20, s13, $0xb8;
	[tilespmem:$0x1E400] =	vst v63  }
0x63: {  	_ =	swait.ge [sflag:s16], $0x4000  }
0x64: {  	[sflag:s16] =	ssyncset.done $0x0  }
0x65: {  	[sflag:s16] =	ssyncadd.s32 $0xFFFFC000  }
0x66: {  	_ =	swait.ge [sflag:s16], $0x4000  }
0x67: {  	[sflag:s16] =	ssyncset.done $0x0  }
0x68: {  	s26 =	simm.s32 $0x0;
	[sflag:s16] =	ssyncadd.s32 $0xFFFFC000  }
0x69: {  	[tilespmem:s26], [sflag:$0x2] =	stream.linear.gather [hbm4b:s23+s26], $0x1400, $0x38;
	[tilespmem:$0x1E400] =	vst v63  }
0x6a: {  	_ =	swait.ge [sflag:s11], $0x1400  }
0x6b: {  	[sflag:s11] =	ssyncset.done $0x0  }
0x6c: {  	s28 =	sadd.s32 $0x280, s8;
	[sflag:s11] =	ssyncadd.s32 $0xFFFFEC00  }
0x6d: {  	[tilespmem:s12], [sflag:$0x2] =	stream.linear.gather [hbm4b:s28+s26], $0x1400, $0x38;
	[tilespmem:$0x1E400] =	vst v63  }
0x6e: {  	_ =	swait.ge [sflag:s11], $0x1400  }
0x6f: {  	[sflag:s11] =	ssyncset.done $0x0  }
0x70: {  	[sflag:s11] =	ssyncadd.s32 $0xFFFFEC00  }
0x71: {  	[tilespmem:s14], [sflag:$0x1] =	stream.indirect.gather [hbm4b:s1+s13], $0x80, s26, s13, $0xb8;
	[tilespmem:$0x1E400] =	vst v63  }
0x72: {  	_ = 	snop  }
0x73: {  	[tilespmem:s15], [sflag:$0x1] =	stream.indirect.gather [hbm4b:s1+s13], $0x80, s13, s13, $0xb8;
	[tilespmem:$0x1E400] =	vst v63  }
0x74: {  	_ =	swait.ge [sflag:s16], $0x4000  }
0x75: {  	[sflag:s16] =	ssyncset.done $0x0  }
0x76: {  	s29 =	simm.s32 $0x1400;
	[sflag:s16] =	ssyncadd.s32 $0xFFFFC000  }
0x77: {  	[spmem:s3] =	stream.indirect.scatter.add.f32 [tilespmem:s14], [sflag:$0x2], $0x80, s29, s13, $0xb8;
	[tilespmem:$0x1E400] =	vst v63  }
0x78: {  	_ =	swait.ge [sflag:s11], $0x4000  }
0x79: {  	[sflag:s11] =	ssyncset.done $0x0  }
0x7a: {  	s30 =	simm.s32 $0x100;
	[sflag:s11] =	ssyncadd.s32 $0xFFFFC000  }
0x7b: {  	[tilespmem:s14], [sflag:$0x1] =	stream.indirect.gather [hbm4b:s1+s13], $0x80, s30, s13, $0xb8;
	[tilespmem:$0x1E400] =	vst v63  }
0x7c: {  	_ =	swait.ge [sflag:s16], $0x4000  }
0x7d: {  	[sflag:s16] =	ssyncset.done $0x0  }
0x7e: {  	s31 =	simm.s32 $0x1480;
	[sflag:s16] =	ssyncadd.s32 $0xFFFFC000  }
0x7f: {  	[spmem:s3] =	stream.indirect.scatter.add.f32 [tilespmem:s15], [sflag:$0x2], $0x80, s31, s13, $0xb8;
	[tilespmem:$0x1E400] =	vst v63  }
0x80: {  	_ =	swait.ge [sflag:s11], $0x4000  }
0x81: {  	[sflag:s11] =	ssyncset.done $0x0  }
0x82: {  	s28 =	simm.s32 $0x180;
	s26 =	simm.s32 $0x400;
	[sflag:s11] =	ssyncadd.s32 $0xFFFFC000  }
.LBB2_4:
0x83: {  	[tilespmem:s15], [sflag:$0x1] =	stream.indirect.gather [hbm4b:s1+s13], $0x80, s28, s13, $0xb8;
	[tilespmem:$0x1E400] =	vst v63  }
0x84: {  	s28 =	smov.u32 s26  }
0x85: {  	p0 =	sne.s32 s26, $0x4400;
	s26 =	sadd.s32 $0x400, s26;
	_ =	swait.ge [sflag:s16], $0x4000  }
0x86: {  	s28 =	sshra.s32 s28, $0x2;
	[sflag:s16] =	ssyncset.done $0x0  }
0x87: {  	s29 =	sadd.s32 $0x1400, s28;
	[sflag:s16] =	ssyncadd.s32 $0xFFFFC000  }
0x88: {  	[spmem:s3] =	stream.indirect.scatter.add.f32 [tilespmem:s14], [sflag:$0x2], $0x80, s29, s13, $0xb8;
	[tilespmem:$0x1E400] =	vst v63  }
0x89: {  	_ =	swait.ge [sflag:s11], $0x4000  }
0x8a: {  	[sflag:s11] =	ssyncset.done $0x0  }
0x8b: {  	s29 =	sadd.s32 $0x100, s28;
	[sflag:s11] =	ssyncadd.s32 $0xFFFFC000  }
0x8c: {  	[tilespmem:s14], [sflag:$0x1] =	stream.indirect.gather [hbm4b:s1+s13], $0x80, s29, s13, $0xb8;
	[tilespmem:$0x1E400] =	vst v63  }
0x8d: {  	_ =	swait.ge [sflag:s16], $0x4000  }
0x8e: {  	[sflag:s16] =	ssyncset.done $0x0  }
.Ltmp1:
0x8f: {  	s29 =	sadd.s32 $0x1480, s28;
	[sflag:s16] =	ssyncadd.s32 $0xFFFFC000;
	(pc) =	sbr.rel @p0 .LBB2_4-.Ltmp1, $4  }
0x90: {  	[spmem:s3] =	stream.indirect.scatter.add.f32 [tilespmem:s15], [sflag:$0x2], $0x80, s29, s13, $0xb8;
	[tilespmem:$0x1E400] =	vst v63  }
0x91: {  	_ =	swait.ge [sflag:s11], $0x4000  }
0x92: {  	[sflag:s11] =	ssyncset.done $0x0  }
0x93: {  	s28 =	sadd.s32 $0x180, s28;
	[sflag:s11] =	ssyncadd.s32 $0xFFFFC000  }
0x94: {  	[tilespmem:s15], [sflag:$0x1] =	stream.indirect.gather [hbm4b:s1+s13], $0x80, s28, s13, $0xb8;
	[tilespmem:$0x1E400] =	vst v63  }
0x95: {  	_ =	swait.ge [sflag:s16], $0x4000  }
0x96: {  	[sflag:s16] =	ssyncset.done $0x0  }
0x97: {  	[sflag:s16] =	ssyncadd.s32 $0xFFFFC000  }
0x98: {  	[spmem:s3] =	stream.indirect.scatter.add.f32 [tilespmem:s14], [sflag:$0x2], $0x80, s17, s13, $0xb8;
	[tilespmem:$0x1E400] =	vst v63  }
0x99: {  	_ =	swait.ge [sflag:s11], $0x4000  }
0x9a: {  	[sflag:s11] =	ssyncset.done $0x0  }
0x9b: {  	[sflag:s11] =	ssyncadd.s32 $0xFFFFC000  }
0x9c: {  	[tilespmem:s14], [sflag:$0x1] =	stream.indirect.gather [hbm4b:s1+s13], $0x80, s18, s13, $0xb8;
	[tilespmem:$0x1E400] =	vst v63  }
0x9d: {  	_ =	swait.ge [sflag:s16], $0x4000  }
0x9e: {  	[sflag:s16] =	ssyncset.done $0x0  }
0x9f: {  	[sflag:s16] =	ssyncadd.s32 $0xFFFFC000  }
0xa0: {  	[spmem:s3] =	stream.indirect.scatter.add.f32 [tilespmem:s15], [sflag:$0x2], $0x80, s19, s13, $0xb8;
	[tilespmem:$0x1E400] =	vst v63  }
0xa1: {  	_ =	swait.ge [sflag:s11], $0x4000  }
0xa2: {  	[sflag:s11] =	ssyncset.done $0x0  }
0xa3: {  	[sflag:s11] =	ssyncadd.s32 $0xFFFFC000  }
0xa4: {  	[tilespmem:s15], [sflag:$0x1] =	stream.indirect.gather [hbm4b:s1+s13], $0x80, s20, s13, $0xb8;
	[tilespmem:$0x1E400] =	vst v63  }
0xa5: {  	_ =	swait.ge [sflag:s16], $0x4000  }
0xa6: {  	[sflag:s16] =	ssyncset.done $0x0  }
0xa7: {  	[sflag:s16] =	ssyncadd.s32 $0xFFFFC000  }
0xa8: {  	[spmem:s3] =	stream.indirect.scatter.add.f32 [tilespmem:s14], [sflag:$0x2], $0x80, s21, s13, $0xb8;
	[tilespmem:$0x1E400] =	vst v63  }
0xa9: {  	_ =	swait.ge [sflag:s11], $0x4000  }
0xaa: {  	[sflag:s11] =	ssyncset.done $0x0  }
0xab: {  	[sflag:s11] =	ssyncadd.s32 $0xFFFFC000  }
0xac: {  	[tilespmem:s14], [sflag:$0x1] =	stream.indirect.gather [hbm4b:s1+s13], $0x80, s20, s13, $0xb8;
	[tilespmem:$0x1E400] =	vst v63  }
0xad: {  	_ =	swait.ge [sflag:s16], $0x4000  }
0xae: {  	[sflag:s16] =	ssyncset.done $0x0  }
0xaf: {  	[sflag:s16] =	ssyncadd.s32 $0xFFFFC000  }
0xb0: {  	[spmem:s3] =	stream.indirect.scatter.add.f32 [tilespmem:s15], [sflag:$0x2], $0x80, s22, s13, $0xb8;
	[tilespmem:$0x1E400] =	vst v63  }
0xb1: {  	_ =	swait.ge [sflag:s11], $0x4000  }
0xb2: {  	[sflag:s11] =	ssyncset.done $0x0  }
0xb3: {  	[sflag:s11] =	ssyncadd.s32 $0xFFFFC000  }
0xb4: {  	[tilespmem:s15], [sflag:$0x1] =	stream.indirect.gather [hbm4b:s1+s13], $0x80, s20, s13, $0xb8;
	[tilespmem:$0x1E400] =	vst v63  }
0xb5: {  	_ =	swait.ge [sflag:s16], $0x4000  }
0xb6: {  	[sflag:s16] =	ssyncset.done $0x0  }
0xb7: {  	[sflag:s16] =	ssyncadd.s32 $0xFFFFC000  }
0xb8: {  	_ =	swait.ge [sflag:s16], $0x4000  }
0xb9: {  	s25 =	sadd.s32 $0x1, s25;
	[sflag:s16] =	ssyncset.done $0x0  }
0xba: {  	p0 =	sne.s32 s25, s9;
	[sflag:s16] =	ssyncadd.s32 $0xFFFFC000  }
.Ltmp2:
0xbb: {  	[bflag:$0x0] =	sbarrier.arrive $0xFFFF;
	(pc) =	sbr.rel @p0 .LBB2_1-.Ltmp2, $4  }
0xbc: {  	[hbm:s24], [sflag:s6] =	dma.local [spmem:s10], $0x2780  }
0xbd: {  	_ =	swait.ge [sflag:s11], $0x2780  }
0xbe: {  	[sflag:s11] =	ssyncset.done $0x0  }
0xbf: {  	[sflag:s11] =	ssyncadd.s32 $0xFFFFD880  }
0xc0: {  	_ =	sfence.sel $0x180000  }
0xc1: {  	[bflag:$0x0] =	sbarrier.arrive $0xFFFF  }
0xc2: {  	p0 =	sne.s32 s0, $0x0;
	_ =	strace $0x9000004D  }
0xc3: {  	s0 =	sadd.s32 @!p0 $0x100000, s2;
	[bflag:$0x2] =	sbarrier.arrive $0xFFFF  }
0xc4: {  	[sflag:s0] =	ssyncadd.tile.s32 @!p0 $0x1;
	_ =	shalt  }
.Lfunc_end2:
_tile_overlayer_lowered:
.L_overlay_start_2:
0xc5: {  	(tag) =	ssettag $0x2  }
0xc6: {  	s0 =	rddreg [dreg:$0x0];
	s2 =	stileid.u32  }
0xc7: {  	s1 =	rddreg [dreg:$0x1];
	p0 =	sne.s32 s2, $0x0  }
0xc8: {  	s3 =	rddreg [dreg:$0x2];
	[bflag:$0x3] =	sbarrier.arrive $0xFFFF;
	s2 =	simm.s32 @!p0 $0x1C02  }
0xc9: {  	[timem:s3], [sflag:s2] =	dma.local @!p0 [hbm:s0], s1  }
0xca: {  	s0 =	simm.s32 @!p0 $0x2  }
0xcb: {  	_ =	swait.ge @!p0 [sflag:s0], s1  }
0xcc: {  	s1 =	ssub.s32 @!p0 $0x0, s1;
	[sflag:s0] =	ssyncset.done @!p0 $0x0  }
0xcd: {  	[sflag:s0] =	ssyncadd.s32 @!p0 s1  }
0xce: {  	[bflag:$0x3] =	sbarrier.arrive $0xFFFF  }
0xcf: {  	_ =	shalt  }

// kernel: kernel.8.cloned.1.call-start
scs
__scs_entry_jumppad:
0x0: {  	(pc) =	sbr.rel $0x88, $3  }
0x1: {  	(tag) =	ssettag $0x0;
	lr =	simm.s32 $0x1  }
0x2: {  	[smem:$0x3F9B] =	sst lr;
	_ =	strace $0xD0000000  }
0x3: {  	_ = 	snop  }
0x4: {  	_ = 	snop  }
0x5: {  	_ = 	snop  }
0x6: {  	_ = 	snop  }
0x7: {  	_ = 	snop  }
__scs_overlays_trampoline_lowered:
0x8: {  	[smem:$0x3FAA] =	sst s0  }
0x9: {  	[smem:$0x3FAB] =	sst s1  }
0xa: {  	[smem:$0x3FAC] =	sst s2  }
0xb: {  	[smem:$0x3FAD] =	sst s3  }
0xc: {  	[smem:$0x3FAE] =	sst s4  }
0xd: {  	[smem:$0x3FAF] =	sst s5  }
0xe: {  	[smem:$0x3FB0] =	sst s6  }
0xf: {  	[smem:$0x3FB1] =	sst s7  }
0x10: {  	[smem:$0x3FB2] =	sst s8  }
0x11: {  	[smem:$0x3FB3] =	sst s9;
	s0 =	simm.s32 @!p0 $0x0  }
0x12: {  	s1 =	sld [smem:$0x3F99];
	s0 =	simm.s32 @p0 $0x1  }
0x13: {  	[smem:$0x3FB4] =	sst s0;
	s0 =	simm.s32 @!p1 $0x0  }
0x14: {  	s2 =	sld [smem:$0x3F98];
	s0 =	simm.s32 @p1 $0x1  }
0x15: {  	[smem:$0x3FB5] =	sst s0;
	s0 =	simm.s32 @!p2 $0x0  }
0x16: {  	s3 =	sld [smem:$0x3FDB];
	s0 =	simm.s32 @p2 $0x1  }
0x17: {  	s4 =	simm.s32 $0x1BF5;
	[smem:$0x3FB7] =	sst s0  }
0x18: {  	s0 =	sld [smem:$0x3F9A];
	_ =	swait.ge [sflag:s4], $0x0  }
0x19: {  	s7 =	sld [smem:$0x3F9B]  }
0x1a: {  	s8 =	sadd.s32 $0xFFFFE003, lr  }
0x1b: {  	s9 =	sadd.s32 $0xFFFFFEF7, lr;
	s5 =	simm.s32 $0xFFFFFFFF;
	p2 =	slt.u32 s8, $0xFFFFF086  }
0x1c: {  	p1 =	slt.u32 s9, $0xF7A;
	s5 =	simm.s32 @!p2 $0x0  }
0x1d: {  	s5 =	simm.s32 @p1 $0x1;
	p0 =	seq.s32 s7, s2  }
0x1e: {  	s7 =	smul.u32 @!p0 $0xF7A, s2;
	p2 =	seq.s32 @!p0 s5, $0x0  }
0x1f: {  	s9 =	smul.u32 $0xF7A, s1;
	s8 =	simm.s32 @!p0 $0x1BF5;
	p2 =	por !p2, p0  }
0x20: {  	[sflag:s8] =	ssyncset.s32 @!p0 $0xFFFFF086;
	s6 =	sadd.s32 @!p0 s3, s7;
	s7 =	simm.s32 @!p0 $0x108  }
0x21: {  	s3 =	sadd.s32 s3, s9;
	s6 =	sadd.s32 @!p0 $0x88, s6;
	s7 =	simm.s32 @p2 $0x1082  }
0x22: {  	[simem:s7], [sflag:s8] =	dma.local @!p0 [hbm:s6], $0xF7A  }
0x23: {  	s9 =	sor.u32 $0xD0000000, s2;
	s6 =	simm.s32 $0x108;
	_ =	swait.ge @!p0 [sflag:s8], $0x0  }
0x24: {  	s3 =	sadd.s32 $0x88, s3;
	s6 =	simm.s32 @!p1 $0x1082;
	[sflag:s4] =	ssyncset.s32 $0xFFFFF086  }
0x25: {  	[simem:s6], [sflag:s4] =	dma.local [hbm:s3], $0xF7A  }
0x26: {  	[smem:$0x3F9B] =	sst s1;
	(tag) =	ssettag s2;
	_ =	strace s9  }
0x27: {  	s1 =	sld [smem:$0x3FAB]  }
0x28: {  	s2 =	sld [smem:$0x3FAC]  }
0x29: {  	s4 =	sld [smem:$0x3FAE]  }
0x2a: {  	p0 =	seq.s32 s5, $0x0;
	s5 =	sld [smem:$0x3FAF]  }
0x2b: {  	s6 =	sld [smem:$0x3FB0]  }
0x2c: {  	s7 =	sld [smem:$0x3FB1]  }
0x2d: {  	s3 =	simm.s32 $0x108;
	s8 =	sld [smem:$0x3FB2]  }
0x2e: {  	s3 =	simm.s32 @!p0 $0x1082;
	s9 =	sld [smem:$0x3FB3]  }
0x2f: {  	lr =	sadd.s32 s0, s3;
	s0 =	sld [smem:$0x3FAA]  }
0x30: {  	s3 =	sld [smem:$0x3FAD]  }
0x31: {  	[smem:$0x3FB6] =	sst s10  }
0x32: {  	s10 =	sld [smem:$0x3FB4];
	_ =	sdelay $0x3  }
0x33: {  	p0 =	seq.s32 s10, $0x1;
	s10 =	sld [smem:$0x3FB6];
	_ =	sdelay $0x3  }
0x34: {  	[smem:$0x3FB6] =	sst s10  }
0x35: {  	s10 =	sld [smem:$0x3FB5];
	_ =	sdelay $0x3  }
0x36: {  	p1 =	seq.s32 s10, $0x1;
	s10 =	sld [smem:$0x3FB6];
	_ =	sdelay $0x3  }
0x37: {  	[smem:$0x3FB6] =	sst s10  }
0x38: {  	s10 =	sld [smem:$0x3FB7]  }
0x39: {  	_ = 	snop;
	(pc) =	sbr.ind lr, $3  }
0x3a: {  	_ = 	snop  }
0x3b: {  	_ = 	snop  }
0x3c: {  	p2 =	seq.s32 s10, $0x1;
	s10 =	sld [smem:$0x3FB6]  }
0x3d: {  	_ =	shalt  }
0x3e: {  	_ =	shalt  }
0x3f: {  	_ =	shalt  }
0x40: {  	_ =	shalt  }
0x41: {  	_ =	shalt  }
0x42: {  	_ =	shalt  }
0x43: {  	_ =	shalt  }
0x44: {  	_ =	shalt  }
0x45: {  	_ =	shalt  }
0x46: {  	_ =	shalt  }
0x47: {  	_ =	shalt  }
0x48: {  	_ =	shalt  }
0x49: {  	_ =	shalt  }
0x4a: {  	_ =	shalt  }
0x4b: {  	_ =	shalt  }
0x4c: {  	_ =	shalt  }
0x4d: {  	_ =	shalt  }
0x4e: {  	_ =	shalt  }
0x4f: {  	_ =	shalt  }
0x50: {  	_ =	shalt  }
0x51: {  	_ =	shalt  }
0x52: {  	_ =	shalt  }
0x53: {  	_ =	shalt  }
0x54: {  	_ =	shalt  }
0x55: {  	_ =	shalt  }
0x56: {  	_ =	shalt  }
0x57: {  	_ =	shalt  }
0x58: {  	_ =	shalt  }
0x59: {  	_ =	shalt  }
0x5a: {  	_ =	shalt  }
0x5b: {  	_ =	shalt  }
0x5c: {  	_ =	shalt  }
0x5d: {  	_ =	shalt  }
0x5e: {  	_ =	shalt  }
0x5f: {  	_ =	shalt  }
0x60: {  	_ =	shalt  }
0x61: {  	_ =	shalt  }
0x62: {  	_ =	shalt  }
0x63: {  	_ =	shalt  }
0x64: {  	_ =	shalt  }
0x65: {  	_ =	shalt  }
0x66: {  	_ =	shalt  }
0x67: {  	_ =	shalt  }
0x68: {  	_ =	shalt  }
0x69: {  	_ =	shalt  }
0x6a: {  	_ =	shalt  }
0x6b: {  	_ =	shalt  }
0x6c: {  	_ =	shalt  }
0x6d: {  	_ =	shalt  }
0x6e: {  	_ =	shalt  }
0x6f: {  	_ =	shalt  }
0x70: {  	_ =	shalt  }
0x71: {  	_ =	shalt  }
0x72: {  	_ =	shalt  }
0x73: {  	_ =	shalt  }
0x74: {  	_ =	shalt  }
0x75: {  	_ =	shalt  }
0x76: {  	_ =	shalt  }
0x77: {  	_ =	shalt  }
0x78: {  	_ =	shalt  }
0x79: {  	_ =	shalt  }
0x7a: {  	_ =	shalt  }
0x7b: {  	_ =	shalt  }
0x7c: {  	_ =	shalt  }
0x7d: {  	_ =	shalt  }
0x7e: {  	_ =	shalt  }
0x7f: {  	_ =	shalt  }
0x80: {  	_ =	shalt  }
0x81: {  	_ =	shalt  }
0x82: {  	_ =	shalt  }
0x83: {  	_ =	shalt  }
0x84: {  	_ =	shalt  }
0x85: {  	_ =	shalt  }
0x86: {  	_ =	shalt  }
0x87: {  	_ =	shalt  }
.Lfunc_end0:
.L_simem_size_0:
called_computation_lowered:
.L_overlay_start_0:
0x88: {  	s2 =	sld [smem:$0x3FD9]  }
0x89: {  	s3 =	sld [smem:$0x3FFE];
	_ =	sdelay $0x1  }
0x8a: {  	s1 =	srdreg.scid  }
0x8b: {  	s0 =	sand.u32 $0x1, s1  }
0x8c: {  	s17 =	sshll.u32 s0, $0xA;
	s2 =	sadd.s32 s3, s2  }
0x8d: {  	s2 =	sadd.s32 s2, s17  }
0x8e: {  	[smem:$0x3FC2] =	sst s2  }
0x8f: {  	_ = 	snop  }
0x90: {  	s2 =	sld [smem:$0x3FD0];
	(tm) =	ssettm $0x1  }
0x91: {  	s18 =	sld [smem:$0x3FFB];
	_ =	sdelay $0x3  }
0x92: {  	_ =	strace s18  }
0x93: {  	s3 =	sld [smem:$0x3FFC];
	_ =	sdelay $0x3  }
0x94: {  	_ =	strace s3  }
0x95: {  	s3 =	sld [smem:$0x3FFD];
	_ =	sdelay $0x3  }
0x96: {  	_ =	strace s3  }
0x97: {  	_ =	strace $0x8FFFFFFF  }
0x98: {  	s19 =	sld [smem:$0x3FDB];
	_ =	sdelay $0x1  }
0x99: {  	s4 =	simm.s32 $_scs_section_size  }
0x9a: {  	s5 =	simm.s32 $_size__tile_overlayer_lowered;
	s6 =	simm.s32 $_tile_overlayer_lowered  }
0x9b: {  	s22 =	simm.s32 $0x1BFF;
	s21 =	sshll.u32 s6, $0x1;
	s3 =	sadd.s32 s4, s19  }
0x9c: {  	s7 =	simm.s32 $0x0;
	s20 =	sshll.u32 s5, $0x1;
	s5 =	sadd.s32 s21, s3  }
0x9d: {  	[timem:s7], [sflag:s22] =	dma.local [hbm:s5], s20  }
0x9e: {  	_ =	swait.ge [sflag:s22], s20  }
0x9f: {  	s4 =	ssub.s32 $0x0, s20;
	[sflag:s22] =	ssyncset.done $0x0  }
0xa0: {  	[sflag:s22] =	ssyncadd.s32 s4;
	_ =	sdelay $0x1  }
0xa1: {  	s23 =	simm.s32 $0x1B8B  }
0xa2: {  	_ =	swait.ge [sflag:s23], $0x1  }
0xa3: {  	[sflag:s23] =	ssyncset.done $0x0  }
0xa4: {  	s25 =	simm.s32 $0x1B8E;
	s24 =	sld [smem:$0x3FFE];
	[sflag:s23] =	ssyncadd.s32 $0xFFFFFFFF  }
0xa5: {  	s26 =	simm.s32 $execute0_lowered;
	[smem:$0x3FD2] =	sst s25  }
0xa6: {  	s5 =	sshll.u32 s26, $0x1;
	_ =	strace $0x80000046;
	[dreg:$0x1] =	wrdreg $0xFFFFFFFF  }
0xa7: {  	s28 =	simm.s32 $_size_execute0_lowered;
	s3 =	sadd.s32 s3, s5;
	[dreg:$0x0] =	wrdreg $0x0  }
0xa8: {  	s5 =	sshll.u32 s28, $0x1;
	[dreg:$0x2] =	wrdreg s3  }
0xa9: {  	[dreg:$0x3] =	wrdreg s5  }
0xaa: {  	[dreg:$0x4] =	wrdreg $0xC0  }
0xab: {  	_ =	task [dreg:s7], $0x5FFFF  }
0xac: {  	[dreg:$0x1] =	wrdreg $0xFFFFFFFF  }
0xad: {  	[dreg:$0x0] =	wrdreg $0x60  }
0xae: {  	[dreg:$0x2] =	wrdreg s24  }
0xaf: {  	[dreg:$0x3] =	wrdreg s2  }
0xb0: {  	[dreg:$0x4] =	wrdreg $0x68000  }
0xb1: {  	[dreg:$0x5] =	wrdreg $0x9  }
0xb2: {  	_ =	task.clear_ibuf [dreg:s7], $0x6FFFF;
	_ =	strace $0x90000046  }
0xb3: {  	s29 =	simm.s32 $0x9;
	_ =	strace $0x80000048  }
0xb4: {  	_ =	swait.ge [sflag:s29], $0x1  }
0xb5: {  	[sflag:s29] =	ssyncadd.s32 $0xFFFFFFFF  }
0xb6: {  	_ =	strace $0x90000048  }
0xb7: {  	_ =	sfence  }
0xb8: {  	s30 =	sld [smem:$0x0];
	_ =	sdelay $0x2  }
0xb9: {  	s31 =	sshll.u32 s1, $0xD;
	s1 =	sshrl.u32 s1, $0x2  }
0xba: {  	s3 =	sand.u32 $0x4000, s31;
	s1 =	sadd.s32 s1, s30  }
0xbb: {  	s0 =	sor.u32 s3, s0;
	s1 =	sshll.u32 s1, $0x11  }
0xbc: {  	s0 =	sor.u32 s1, s0  }
0xbd: {  	s0 =	sadd.s32 $0x8F2B, s0  }
0xbe: {  	[sflag:s0] =	ssyncadd.remote.s32 $0x1  }
0xbf: {  	_ =	sfence.sel $0xFFFF  }
0xc0: {  	[dreg:$0x0] =	wrdreg $0xFFFFFFFF;
	(pc) =	sbr.abs _section_cstart, $3  }
0xc1: {  	[dreg:$0x1] =	wrdreg $0xFFFFFFFF  }
0xc2: {  	_ =	task.clear_ibuf [dreg:s7], $0x2FFFF;
	_ =	strace $0x9FFFFFFF  }
0xc3: {  	(tm) =	ssettm $0x7FFFFFFF  }
tec
execute0_lowered:
.L_overlay_start_1:
0x0: {  	(tag) =	ssettag $0x1  }
0x1: {  	s6 =	rddreg [dreg:$0x0]  }
0x2: {  	s0 =	srdreg.scid;
	s2 =	rddreg [dreg:$0x1]  }
0x3: {  	s3 =	rddreg [dreg:$0x2];
	s1 =	stileid.u32  }
0x4: {  	s4 =	simm.s32 $0x0;
	s5 =	sand.u32 $0x1, s0;
	s0 =	rddreg [dreg:$0x3]  }
0x5: {  	s12 =	simm.s32 $0x80;
	[smem:$0x7FF] =	sst s4;
	s10 =	smul.u32 $0x4F000, s1  }
0x6: {  	s31 =	sshll.u32 s1, $0x6;
	s14 =	smul.u32 $0x2780, s1;
	s7 =	sshll.u32 s5, $0x4  }
0x7: {  	_ =	strace $0x80000047;
	s8 =	smul.u32 $0x27800, s5;
	s9 =	ssub.s32 $0x2, s5  }
0x8: {  	s5 =	sadd.s32 $0x15C00, s6;
	s7 =	sor.u32 s1, s7;
	s29 =	sshrl.u32 s9, $0x1  }
0x9: {  	s30 =	sshrl.u32 s10, $0x2;
	s10 =	simm.s32 $0x1;
	s7 =	smul.u32 $0x500, s7  }
0xa: {  	s8 =	sadd.s32 s8, s6;
	s9 =	ssub.s32 s9, s29;
	s11 =	sadd.s32 s30, s3  }
0xb: {  	s13 =	sadd.s32 $0x18400, s8;
	s8 =	smax.u32 s9, $0x1;
	s9 =	sshrl.u32 s11, $0x3  }
0xc: {  	s11 =	simm.s32 $0x2800;
	s7 =	sadd.s32 s7, s6;
	s6 =	sor.u32 $0x1C01, s31  }
0xd: {  	s13 =	sadd.s32 s14, s13;
	s14 =	simm.s32 $0x0;
	s7 =	sadd.s32 $0x1C00, s7  }
.LBB2_1:
0xe: {  	[spmem:s9], [sflag:s6] =	dma.local [hbm:s5], $0x2780  }
0xf: {  	_ =	swait.ge [sflag:s10], $0x2780  }
0x10: {  	[sflag:s10] =	ssyncset.done $0x0  }
0x11: {  	[sflag:s10] =	ssyncadd.s32 $0xFFFFD880  }
0x12: {  	[tilespmem:s4], [sflag:$0x1] =	stream.linear.gather [hbm4b:s7+s4], $0x2800, $0x38;
	[tilespmem:$0x1A400] =	vst v63  }
0x13: {  	_ =	swait.ge [sflag:s10], $0x2800  }
0x14: {  	[sflag:s10] =	ssyncset.done $0x0  }
0x15: {  	[sflag:s10] =	ssyncadd.s32 $0xFFFFD800  }
0x16: {  	[tilespmem:s11], [sflag:$0x1] =	stream.linear.gather [hbm4b:s2+s4], $0x4000, $0x38;
	[tilespmem:$0x1A400] =	vst v63  }
0x17: {  	_ =	swait.ge [sflag:s10], $0x4000  }
0x18: {  	[sflag:s10] =	ssyncset.done $0x0  }
0x19: {  	[sflag:s10] =	ssyncadd.s32 $0xFFFFC000  }
0x1a: {  	s15 =	simm.s32 $0x0;
	[bflag:$0x0] =	sbarrier.arrive $0xFFFF  }
0x1b: {  	[spmem:s3] =	stream.indirect.scatter.add.f32 [tilespmem:s11], [sflag:$0x1], $0x80, s15, s12, $0xb8;
	[tilespmem:$0x1A400] =	vst v63  }
0x1c: {  	_ =	swait.ge [sflag:s10], $0x4000  }
0x1d: {  	s15 =	simm.s32 $0x200;
	[sflag:s10] =	ssyncset.done $0x0  }
.LBB2_2:
0x1e: {  	s16 =	sshra.s32 s15, $0x2;
	[sflag:s10] =	ssyncadd.s32 $0xFFFFC000;
	p0 =	sne.s32 s15, $0x9E00  }
0x1f: {  	[spmem:s3] =	stream.indirect.scatter.add.f32 [tilespmem:s11], [sflag:$0x1], $0x80, s16, s12, $0xb8;
	[tilespmem:$0x1A400] =	vst v63  }
.Ltmp0:
0x20: {  	_ = 	snop;
	(pc) =	sbr.rel @p0 .LBB2_2-.Ltmp0, $4  }
0x21: {  	_ = 	snop  }
0x22: {  	s15 =	sadd.s32 $0x200, s15  }
0x23: {  	_ =	swait.ge [sflag:s10], $0x4000  }
0x24: {  	[sflag:s10] =	ssyncset.done $0x0  }
0x25: {  	s14 =	sadd.s32 $0x1, s14  }
0x26: {  	[sflag:s10] =	ssyncadd.s32 $0xFFFFC000;
	p0 =	sne.s32 s14, s8  }
.Ltmp1:
0x27: {  	[bflag:$0x0] =	sbarrier.arrive $0xFFFF;
	(pc) =	sbr.rel @p0 .LBB2_1-.Ltmp1, $4  }
0x28: {  	[hbm:s13], [sflag:s6] =	dma.local [spmem:s9], $0x2780  }
0x29: {  	_ =	swait.ge [sflag:s10], $0x2780  }
0x2a: {  	[sflag:s10] =	ssyncset.done $0x0  }
0x2b: {  	[sflag:s10] =	ssyncadd.s32 $0xFFFFD880  }
0x2c: {  	_ =	sfence.sel $0x180000  }
0x2d: {  	[bflag:$0x0] =	sbarrier.arrive $0xFFFF  }
0x2e: {  	p0 =	sne.s32 s1, $0x0;
	_ =	strace $0x90000047  }
0x2f: {  	s0 =	sadd.s32 @!p0 $0x100000, s0;
	[bflag:$0x2] =	sbarrier.arrive $0xFFFF  }
0x30: {  	[sflag:s0] =	ssyncadd.tile.s32 @!p0 $0x1;
	_ =	shalt  }
.Lfunc_end2:
_tile_overlayer_lowered:
.L_overlay_start_2:
0x31: {  	(tag) =	ssettag $0x2  }
0x32: {  	s0 =	rddreg [dreg:$0x0];
	s2 =	stileid.u32  }
0x33: {  	s1 =	rddreg [dreg:$0x1];
	p0 =	sne.s32 s2, $0x0  }
0x34: {  	s3 =	rddreg [dreg:$0x2];
	[bflag:$0x3] =	sbarrier.arrive $0xFFFF;
	s2 =	simm.s32 @!p0 $0x1C01  }
0x35: {  	[timem:s3], [sflag:s2] =	dma.local @!p0 [hbm:s0], s1  }
0x36: {  	s0 =	simm.s32 @!p0 $0x1  }
0x37: {  	_ =	swait.ge @!p0 [sflag:s0], s1  }
0x38: {  	s1 =	ssub.s32 @!p0 $0x0, s1;
	[sflag:s0] =	ssyncset.done @!p0 $0x0  }
0x39: {  	[sflag:s0] =	ssyncadd.s32 @!p0 s1  }
0x3a: {  	[bflag:$0x3] =	sbarrier.arrive $0xFFFF  }
0x3b: {  	_ =	shalt  }

</sc_bundles>
